<compile_context>
chip_gen: v7x
topology: tpu7x:2x2x1
jax: 0.10.2.dev20260603
libtpu: 0.0.44.dev20260713+nightly
codegen_flags: <defaults>
</compile_context>

<pallas_src>
import jax
import jax.numpy as jnp
from jax.experimental import pallas as pl
from jax.experimental.pallas import tpu as pltpu
from jax.experimental.pallas import tpu_sc as plsc

_B, _S, _J, _C, _TL = 16, 2048, 512, 10, 64
_TS = 1024
_NT_IN = _S // _TS
_NT = (_S + 1 + _TS - 1) // _TS
_W = 88
_FB = 256
_NW = 32
_HROWS = _S // 2


def _merge_window(base, rel0, sos_row, lab, nrows, wrows):
    if nrows == 65:
        blk = jnp.concatenate([sos_row, lab], axis=0)
    else:
        blk = jnp.concatenate([sos_row, lab, sos_row], axis=0)
    rows = jax.lax.broadcasted_iota(jnp.int32, (wrows, nrows), 0) + rel0
    cols = jax.lax.broadcasted_iota(jnp.int32, (wrows, nrows), 1)
    oh = (rows == cols).astype(jnp.float32)
    repl = jax.lax.dot_general(
        oh, blk, (((1,), (0,)), ((), ())),
        precision=jax.lax.Precision.HIGHEST,
        preferred_element_type=jnp.float32)
    rel = rel0 + jax.lax.broadcasted_iota(jnp.int32, (wrows, 1), 0)
    mask = (rel >= 0) & (rel < nrows)
    return jnp.where(mask, repl, base)


def _x_body(lens_ref, c_ref, x_ref, sos_ref, lab_ref, ox_ref, carry_ref):
    b = pl.program_id(0)
    t = pl.program_id(1)
    lb = lens_ref[b]
    xb = x_ref[0]

    @pl.when(t == 0)
    def _():
        carry_ref[...] = sos_ref[0]

    ox_ref[0, 0:1, :] = carry_ref[...]
    ox_ref[0, 1:_TS, :] = xb[:_TS - 1, :]

    a = lb + 1 - t * _TS
    overlap = (lb + 66 > t * _TS) & (lb + 1 < t * _TS + _TS)

    @pl.when(overlap)
    def _():
        w = pl.multiple_of(jnp.clip((a // 8) * 8, 0, _TS - _W), 8)
        bw = ox_ref[0, pl.ds(w, _W), :]
        ox_ref[0, pl.ds(w, _W), :] = _merge_window(
            bw, w - a, sos_ref[0], lab_ref[0], 65, _W)

    carry_ref[...] = xb[_TS - 1:_TS, :]


_CH = 64
_NCH = _HROWS // _CH


def _sc_copy_body(tgt_hbm, ot_hbm, buf, rsem, wsem):
    wid = jax.lax.axis_index("c") * 16 + jax.lax.axis_index("s")
    b = wid // 2
    h = wid % 2

    def _rd(i, k):
        row = pl.multiple_of(h * _HROWS + i * _CH, 8)
        return pltpu.make_async_copy(
            tgt_hbm.at[pl.ds(b, 1), pl.ds(row, _CH), :], buf.at[k],
            rsem.at[k])

    def _wr(i, k):
        row = pl.multiple_of(h * _HROWS + i * _CH, 8)
        return pltpu.make_async_copy(
            buf.at[k], ot_hbm.at[pl.ds(b, 1), pl.ds(row, _CH), :],
            wsem.at[k])

    _rd(0, 0).start()
    for i in range(_NCH):
        k = i % 2
        _rd(i, k).wait()
        _wr(i, k).start()
        if i + 1 < _NCH:
            if i >= 1:
                _wr(i - 1, 1 - k).wait()
            _rd(i + 1, 1 - k).start()
    _wr(_NCH - 1, (_NCH - 1) % 2).wait()


def _sc_copy(tgt):
    mesh = plsc.VectorSubcoreMesh(
        core_axis_name="c", subcore_axis_name="s",
        num_cores=2, num_subcores=16)
    return pl.kernel(
        _sc_copy_body,
        out_type=jax.ShapeDtypeStruct((_B, _S, _J), jnp.float32),
        mesh=mesh,
        scratch_types=[
            pltpu.VMEM((2, 1, _CH, _J), jnp.float32),
            pltpu.SemaphoreType.DMA((2,)),
            pltpu.SemaphoreType.DMA((2,)),
        ],
    )(tgt)


def _fix_body(lens_ref, c_ref, ot_in_ref, sos_ref, lab_ref, ot_ref):
    b = pl.program_id(0)
    t = pl.program_id(1)
    lb = lens_ref[b]
    kb = jnp.minimum(lb // _FB + t, _S // _FB - 1)
    ot_ref[0] = _merge_window(
        ot_in_ref[0], kb * _FB - lb, sos_ref[0], lab_ref[0], 66, _FB)


def kernel(x, tgt, lens, c, sos, labels):
    sos3 = sos[:, None, :]
    tgt_copied = _sc_copy(tgt)
    x_grid = pltpu.PrefetchScalarGridSpec(
        num_scalar_prefetch=2,
        grid=(_B, _NT),
        in_specs=[
            pl.BlockSpec((1, _TS, _J),
                         lambda b, t, lens_ref, c_ref:
                         (b, jnp.minimum(t, _NT_IN - 1), 0)),
            pl.BlockSpec((1, 1, _J), lambda b, t, lens_ref, c_ref: (b, 0, 0)),
            pl.BlockSpec((1, _TL, _J),
                         lambda b, t, lens_ref, c_ref: (c_ref[b], 0, 0)),
        ],
        out_specs=pl.BlockSpec((1, _TS, _J),
                               lambda b, t, lens_ref, c_ref: (b, t, 0)),
        scratch_shapes=[pltpu.VMEM((1, _J), jnp.float32)],
    )
    out_x = pl.pallas_call(
        _x_body,
        grid_spec=x_grid,
        out_shape=jax.ShapeDtypeStruct((_B, _S + 1, _J), jnp.float32),
    )(lens, c, x, sos3, labels)

    def _fb_index(b, t, lens_ref, c_ref):
        return (b, jnp.minimum(lens_ref[b] // _FB + t, _S // _FB - 1), 0)

    fix_grid = pltpu.PrefetchScalarGridSpec(
        num_scalar_prefetch=2,
        grid=(_B, 2),
        in_specs=[
            pl.BlockSpec((1, _FB, _J), _fb_index),
            pl.BlockSpec((1, 1, _J), lambda b, t, lens_ref, c_ref: (b, 0, 0)),
            pl.BlockSpec((1, _TL, _J),
                         lambda b, t, lens_ref, c_ref: (c_ref[b], 0, 0)),
        ],
        out_specs=pl.BlockSpec((1, _FB, _J), _fb_index),
    )
    out_tgt = pl.pallas_call(
        _fix_body,
        grid_spec=fix_grid,
        out_shape=jax.ShapeDtypeStruct((_B, _S, _J), jnp.float32),
        input_output_aliases={2: 0},
    )(lens, c, tgt_copied, sos3, labels)

    return (out_x, out_tgt, labels)

# --- scband reference (transcript-rebuilt; emitter-appended) ---
"""Pipeline reference for scband-linear-spikoder-11235634446819 (READ-ONLY COPY).

The authoritative reference and input builder live on the scoring server;
editing this copy changes nothing except your own understanding.
"""

import jax, jax.numpy as jnp
import numpy as np

B = 16
S = 2048
J = 512
C = 10
T_L = 64


def make_labels():
    dfr = 1.0 / C - 1.0 / C ** 2
    frs = [round(dfr * i, 3) for i in range(1, C + 1)]
    rows = []
    for ci in range(C):
        ones = int(frs[ci] * J)
        zeros = J - ones
        row = jnp.concatenate([jnp.ones((T_L, ones), jnp.float32), jnp.zeros((T_L, zeros), jnp.float32)], axis=1)
        rows.append(row[None])
    return jnp.concatenate(rows, axis=0)


def setup_inputs(seed: int = 0) -> dict:
    key = jax.random.key(seed)
    k1, k2, k3, k4, k5 = jax.random.split(key, 5)
    x = jax.random.normal(k1, (B, S, J), dtype=jnp.float32)
    tgt = jax.random.normal(k2, (B, S, J), dtype=jnp.float32)
    lens = jax.random.randint(k3, (B,), 0, 1982, dtype=jnp.int32)
    c = jax.random.randint(k4, (B,), 0, C, dtype=jnp.int32)
    sos = jax.random.normal(k5, (B, J), dtype=jnp.float32)
    labels = make_labels()
    return {"x": x, "tgt": tgt, "lens": lens, "c": c, "sos": sos, "labels": labels}


def reference(x, tgt, lens, c, sos, labels):
    # c-indexed label sequences: [B, T_l, J]
    c_sel = jnp.take(labels, c, axis=0)
    for b in range(B):
        lb = lens[b]
        x_block = jnp.concatenate([sos[b][None, :], jax.lax.stop_gradient(c_sel[b])], axis=0)
        x = jax.lax.dynamic_update_slice(x, x_block[None], (b, lb, 0))
        tgt_block = jnp.concatenate([sos[b][None, :], c_sel[b], sos[b][None, :]], axis=0)
        tgt = jax.lax.dynamic_update_slice(tgt, tgt_block[None], (b, lb, 0))
    x = jnp.concatenate([sos[:, None, :], x], axis=1)
    return (x, tgt, labels)

if __name__ == "__main__":
    import jax
    _d = setup_inputs()
    print(jax.jit(kernel)(*tuple(_d.values())))

</pallas_src>

<mosaic_0001>
#map = affine_map<(d0, d1) -> (0, 0, 0)>
module attributes {stable_mosaic.version = 14 : i64} {
  func.func @_sc_copy_body(%arg0: i32, %arg1: i32, %arg2: memref<16x2048x512xf32, #tpu.memory_space<hbm>>, %arg3: memref<16x2048x512xf32, #tpu.memory_space<hbm>>, %arg4: memref<2x1x64x512xf32, #tpu.memory_space<vmem>>, %arg5: memref<2x!tpu.dma_semaphore, #tpu.memory_space<semaphore_mem>>, %arg6: memref<2x!tpu.dma_semaphore, #tpu.memory_space<semaphore_mem>>) attributes {dimension_semantics = [#tpu.dimension_semantics<core_parallel>, #tpu.dimension_semantics<subcore_parallel>], iteration_bounds = array<i64: 2, 16>, scalar_prefetch = 0 : i64, scratch_operands = 3 : i64, tpu.core_type = #tpu.core_type<sc_vector_subcore>, window_params = [{transform_indices = #map}, {transform_indices = #map}]} {
    %mul3A = arith.constant 16 : i32
    %mul3A_0 = arith.muli %arg0, %mul3A : i32
    %add3A = arith.addi %mul3A_0, %arg1 : i32
    %jit3A = arith.constant 2 : i32
    %div3A = arith.divsi %add3A, %jit3A : i32
    %sign3A = arith.constant 0 : i32
    %sign3A_1 = arith.cmpi sgt, %add3A, %sign3A : i32
    %sign3A_2 = arith.extui %sign3A_1 : i1 to i32
    %sign3A_3 = arith.constant 0 : i32
    %sign3A_4 = arith.cmpi slt, %add3A, %sign3A_3 : i32
    %sign3A_5 = arith.extui %sign3A_4 : i1 to i32
    %sign3A_6 = arith.subi %sign3A_2, %sign3A_5 : i32
    %sign3A_7 = arith.constant 0 : i32
    %sign3A_8 = arith.cmpi sgt, %jit3A, %sign3A_7 : i32
    %sign3A_9 = arith.extui %sign3A_8 : i1 to i32
    %sign3A_10 = arith.constant 0 : i32
    %sign3A_11 = arith.cmpi slt, %jit3A, %sign3A_10 : i32
    %sign3A_12 = arith.extui %sign3A_11 : i1 to i32
    %sign3A_13 = arith.subi %sign3A_9, %sign3A_12 : i32
    %ne3A = arith.cmpi ne, %sign3A_6, %sign3A_13 : i32
    %rem3A = arith.remsi %add3A, %jit3A : i32
    %ne3A_14 = arith.constant 0 : i32
    %ne3A_15 = arith.cmpi ne, %rem3A, %ne3A_14 : i32
    %and3A = arith.andi %ne3A, %ne3A_15 : i1
    %sub3A = arith.constant 1 : i32
    %sub3A_16 = arith.subi %div3A, %sub3A : i32
    %select_n3A = arith.select %and3A, %sub3A_16, %div3A : i32
    %jit3A_17 = arith.constant 2 : i32
    %eq3A = arith.constant 0 : i32
    %eq3A_18 = arith.cmpi eq, %jit3A_17, %eq3A : i32
    %jit3A_19 = arith.constant 1 : i32
    %select_n3A_20 = arith.select %eq3A_18, %jit3A_19, %jit3A_17 : i32
    %rem3A_21 = arith.remsi %add3A, %select_n3A_20 : i32
    %ne3A_22 = arith.constant 0 : i32
    %ne3A_23 = arith.cmpi ne, %rem3A_21, %ne3A_22 : i32
    %lt3A = arith.constant 0 : i32
    %lt3A_24 = arith.cmpi slt, %rem3A_21, %lt3A : i32
    %lt3A_25 = arith.constant 0 : i32
    %lt3A_26 = arith.cmpi slt, %select_n3A_20, %lt3A_25 : i32
    %ne3A_27 = arith.xori %lt3A_24, %lt3A_26 : i1
    %and3A_28 = arith.andi %ne3A_27, %ne3A_23 : i1
    %add3A_29 = arith.addi %rem3A_21, %select_n3A_20 : i32
    %select_n3A_30 = arith.select %and3A_28, %add3A_29, %rem3A_21 : i32
    %mul3A_31 = arith.constant 1024 : i32
    %mul3A_32 = arith.muli %select_n3A_30, %mul3A_31 : i32
    %add3A_33 = arith.constant 0 : i32
    %add3A_34 = arith.addi %mul3A_32, %add3A_33 : i32
    %multiple_of3A = tpu.assume_multiple %add3A_34, 8 : i32
    %dma_start3A = arith.constant 0 : i32
    %dma_start3A_35 = arith.constant 0 : i32
    %dma_start3A_36 = arith.constant 0 : i32
    %dma_start3A_37 = arith.constant 0 : i32
    %dma_start3A_38 = arith.constant 0 : i32
    %dma_start3A_39 = tpu.memref_slice %arg4[%dma_start3A, %dma_start3A_36, %dma_start3A_37, %dma_start3A_38] : memref<2x1x64x512xf32, #tpu.memory_space<vmem>> -> memref<1x1x64x512xf32, #tpu.memory_space<vmem>>
    %dma_start3A_40 = tpu.memref_squeeze %dma_start3A_39 : memref<1x1x64x512xf32, #tpu.memory_space<vmem>> -> memref<1x64x512xf32, #tpu.memory_space<vmem>>
    %dma_start3A_41 = arith.constant 0 : i32
    %dma_start3A_42 = tpu.memref_slice %arg2[%select_n3A, %multiple_of3A, %dma_start3A_41] : memref<16x2048x512xf32, #tpu.memory_space<hbm>> -> memref<1x64x512xf32, #tpu.memory_space<hbm>>
    %dma_start3A_43 = tpu.memref_slice %arg5[%dma_start3A_35] : memref<2x!tpu.dma_semaphore, #tpu.memory_space<semaphore_mem>> -> memref<1x!tpu.dma_semaphore, #tpu.memory_space<semaphore_mem>>
    %dma_start3A_44 = tpu.memref_squeeze %dma_start3A_43 : memref<1x!tpu.dma_semaphore, #tpu.memory_space<semaphore_mem>> -> memref<!tpu.dma_semaphore, #tpu.memory_space<semaphore_mem>>
    %dma_start3A_45 = arith.constant 0 : i32
    %dma_start3A_46 = arith.constant 0 : i32
    %dma_start3A_47 = arith.constant 0 : i32
    %dma_start3A_48 = tpu.memref_slice %arg4[%dma_start3A, %dma_start3A_45, %dma_start3A_46, %dma_start3A_47] : memref<2x1x64x512xf32, #tpu.memory_space<vmem>> -> memref<1x1x64x512xf32, #tpu.memory_space<vmem>>
    %dma_start3A_49 = tpu.memref_squeeze %dma_start3A_48 : memref<1x1x64x512xf32, #tpu.memory_space<vmem>> -> memref<1x64x512xf32, #tpu.memory_space<vmem>>
    %dma_start3A_50 = arith.constant 0 : i32
    %dma_start3A_51 = tpu.memref_slice %arg2[%select_n3A, %multiple_of3A, %dma_start3A_50] : memref<16x2048x512xf32, #tpu.memory_space<hbm>> -> memref<1x64x512xf32, #tpu.memory_space<hbm>>
    tpu.enqueue_dma source(%dma_start3A_51 : memref<1x64x512xf32, #tpu.memory_space<hbm>>) target(%dma_start3A_49 : memref<1x64x512xf32, #tpu.memory_space<vmem>>) target_semaphore(%dma_start3A_44 : memref<!tpu.dma_semaphore, #tpu.memory_space<semaphore_mem>>)
    %mul3A_52 = arith.constant 1024 : i32
    %mul3A_53 = arith.muli %select_n3A_30, %mul3A_52 : i32
    %add3A_54 = arith.constant 0 : i32
    %add3A_55 = arith.addi %mul3A_53, %add3A_54 : i32
    %multiple_of3A_56 = tpu.assume_multiple %add3A_55, 8 : i32
    %dma_wait3A = arith.constant 0 : i32
    %dma_wait3A_57 = arith.constant 0 : i32
    %dma_wait3A_58 = arith.constant 0 : i32
    %dma_wait3A_59 = arith.constant 0 : i32
    %dma_wait3A_60 = arith.constant 0 : i32
    %dma_wait3A_61 = tpu.memref_slice %arg4[%dma_wait3A, %dma_wait3A_58, %dma_wait3A_59, %dma_wait3A_60] : memref<2x1x64x512xf32, #tpu.memory_space<vmem>> -> memref<1x1x64x512xf32, #tpu.memory_space<vmem>>
    %dma_wait3A_62 = tpu.memref_squeeze %dma_wait3A_61 : memref<1x1x64x512xf32, #tpu.memory_space<vmem>> -> memref<1x64x512xf32, #tpu.memory_space<vmem>>
    %dma_wait3A_63 = arith.constant 0 : i32
    %dma_wait3A_64 = tpu.memref_slice %arg2[%select_n3A, %multiple_of3A_56, %dma_wait3A_63] : memref<16x2048x512xf32, #tpu.memory_space<hbm>> -> memref<1x64x512xf32, #tpu.memory_space<hbm>>
    %dma_wait3A_65 = tpu.memref_slice %arg5[%dma_wait3A_57] : memref<2x!tpu.dma_semaphore, #tpu.memory_space<semaphore_mem>> -> memref<1x!tpu.dma_semaphore, #tpu.memory_space<semaphore_mem>>
    %dma_wait3A_66 = tpu.memref_squeeze %dma_wait3A_65 : memref<1x!tpu.dma_semaphore, #tpu.memory_space<semaphore_mem>> -> memref<!tpu.dma_semaphore, #tpu.memory_space<semaphore_mem>>
    %dma_wait3A_67 = arith.constant 0 : i32
    %dma_wait3A_68 = arith.constant 0 : i32
    %dma_wait3A_69 = arith.constant 0 : i32
    %dma_wait3A_70 = tpu.memref_slice %arg4[%dma_wait3A, %dma_wait3A_67, %dma_wait3A_68, %dma_wait3A_69] : memref<2x1x64x512xf32, #tpu.memory_space<vmem>> -> memref<1x1x64x512xf32, #tpu.memory_space<vmem>>
    %dma_wait3A_71 = tpu.memref_squeeze %dma_wait3A_70 : memref<1x1x64x512xf32, #tpu.memory_space<vmem>> -> memref<1x64x512xf32, #tpu.memory_space<vmem>>
    %dma_wait3A_72 = arith.constant 0 : i32
    %dma_wait3A_73 = tpu.memref_slice %arg2[%select_n3A, %multiple_of3A_56, %dma_wait3A_72] : memref<16x2048x512xf32, #tpu.memory_space<hbm>> -> memref<1x64x512xf32, #tpu.memory_space<hbm>>
    tpu.wait_dma2 semaphore(%dma_wait3A_66 : memref<!tpu.dma_semaphore, #tpu.memory_space<semaphore_mem>>) src(%dma_wait3A_73 : memref<1x64x512xf32, #tpu.memory_space<hbm>>) dst(%dma_wait3A_71 : memref<1x64x512xf32, #tpu.memory_space<vmem>>)
    %mul3A_74 = arith.constant 1024 : i32
    %mul3A_75 = arith.muli %select_n3A_30, %mul3A_74 : i32
    %add3A_76 = arith.constant 0 : i32
    %add3A_77 = arith.addi %mul3A_75, %add3A_76 : i32
    %multiple_of3A_78 = tpu.assume_multiple %add3A_77, 8 : i32
    %dma_start3A_79 = arith.constant 0 : i32
    %dma_start3A_80 = arith.constant 0 : i32
    %dma_start3A_81 = arith.constant 0 : i32
    %dma_start3A_82 = arith.constant 0 : i32
    %dma_start3A_83 = arith.constant 0 : i32
    %dma_start3A_84 = tpu.memref_slice %arg4[%dma_start3A_79, %dma_start3A_81, %dma_start3A_82, %dma_start3A_83] : memref<2x1x64x512xf32, #tpu.memory_space<vmem>> -> memref<1x1x64x512xf32, #tpu.memory_space<vmem>>
    %dma_start3A_85 = tpu.memref_squeeze %dma_start3A_84 : memref<1x1x64x512xf32, #tpu.memory_space<vmem>> -> memref<1x64x512xf32, #tpu.memory_space<vmem>>
    %dma_start3A_86 = arith.constant 0 : i32
    %dma_start3A_87 = tpu.memref_slice %arg3[%select_n3A, %multiple_of3A_78, %dma_start3A_86] : memref<16x2048x512xf32, #tpu.memory_space<hbm>> -> memref<1x64x512xf32, #tpu.memory_space<hbm>>
    %dma_start3A_88 = tpu.memref_slice %arg6[%dma_start3A_80] : memref<2x!tpu.dma_semaphore, #tpu.memory_space<semaphore_mem>> -> memref<1x!tpu.dma_semaphore, #tpu.memory_space<semaphore_mem>>
    %dma_start3A_89 = tpu.memref_squeeze %dma_start3A_88 : memref<1x!tpu.dma_semaphore, #tpu.memory_space<semaphore_mem>> -> memref<!tpu.dma_semaphore, #tpu.memory_space<semaphore_mem>>
    %dma_start3A_90 = arith.constant 0 : i32
    %dma_start3A_91 = tpu.memref_slice %arg3[%select_n3A, %multiple_of3A_78, %dma_start3A_90] : memref<16x2048x512xf32, #tpu.memory_space<hbm>> -> memref<1x64x512xf32, #tpu.memory_space<hbm>>
    %dma_start3A_92 = arith.constant 0 : i32
    %dma_start3A_93 = arith.constant 0 : i32
    %dma_start3A_94 = arith.constant 0 : i32
    %dma_start3A_95 = tpu.memref_slice %arg4[%dma_start3A_79, %dma_start3A_92, %dma_start3A_93, %dma_start3A_94] : memref<2x1x64x512xf32, #tpu.memory_space<vmem>> -> memref<1x1x64x512xf32, #tpu.memory_space<vmem>>
    %dma_start3A_96 = tpu.memref_squeeze %dma_start3A_95 : memref<1x1x64x512xf32, #tpu.memory_space<vmem>> -> memref<1x64x512xf32, #tpu.memory_space<vmem>>
    tpu.enqueue_dma source(%dma_start3A_96 : memref<1x64x512xf32, #tpu.memory_space<vmem>>) target(%dma_start3A_91 : memref<1x64x512xf32, #tpu.memory_space<hbm>>) target_semaphore(%dma_start3A_89 : memref<!tpu.dma_semaphore, #tpu.memory_space<semaphore_mem>>)
    %mul3A_97 = arith.constant 1024 : i32
    %mul3A_98 = arith.muli %select_n3A_30, %mul3A_97 : i32
    %add3A_99 = arith.constant 64 : i32
    %add3A_100 = arith.addi %mul3A_98, %add3A_99 : i32
    %multiple_of3A_101 = tpu.assume_multiple %add3A_100, 8 : i32
    %dma_start3A_102 = arith.constant 1 : i32
    %dma_start3A_103 = arith.constant 1 : i32
    %dma_start3A_104 = arith.constant 0 : i32
    %dma_start3A_105 = arith.constant 0 : i32
    %dma_start3A_106 = arith.constant 0 : i32
    %dma_start3A_107 = tpu.memref_slice %arg4[%dma_start3A_102, %dma_start3A_104, %dma_start3A_105, %dma_start3A_106] : memref<2x1x64x512xf32, #tpu.memory_space<vmem>> -> memref<1x1x64x512xf32, #tpu.memory_space<vmem>>
    %dma_start3A_108 = tpu.memref_squeeze %dma_start3A_107 : memref<1x1x64x512xf32, #tpu.memory_space<vmem>> -> memref<1x64x512xf32, #tpu.memory_space<vmem>>
    %dma_start3A_109 = arith.constant 0 : i32
    %dma_start3A_110 = tpu.memref_slice %arg2[%select_n3A, %multiple_of3A_101, %dma_start3A_109] : memref<16x2048x512xf32, #tpu.memory_space<hbm>> -> memref<1x64x512xf32, #tpu.memory_space<hbm>>
    %dma_start3A_111 = tpu.memref_slice %arg5[%dma_start3A_103] : memref<2x!tpu.dma_semaphore, #tpu.memory_space<semaphore_mem>> -> memref<1x!tpu.dma_semaphore, #tpu.memory_space<semaphore_mem>>
    %dma_start3A_112 = tpu.memref_squeeze %dma_start3A_111 : memref<1x!tpu.dma_semaphore, #tpu.memory_space<semaphore_mem>> -> memref<!tpu.dma_semaphore, #tpu.memory_space<semaphore_mem>>
    %dma_start3A_113 = arith.constant 0 : i32
    %dma_start3A_114 = arith.constant 0 : i32
    %dma_start3A_115 = arith.constant 0 : i32
    %dma_start3A_116 = tpu.memref_slice %arg4[%dma_start3A_102, %dma_start3A_113, %dma_start3A_114, %dma_start3A_115] : memref<2x1x64x512xf32, #tpu.memory_space<vmem>> -> memref<1x1x64x512xf32, #tpu.memory_space<vmem>>
    %dma_start3A_117 = tpu.memref_squeeze %dma_start3A_116 : memref<1x1x64x512xf32, #tpu.memory_space<vmem>> -> memref<1x64x512xf32, #tpu.memory_space<vmem>>
    %dma_start3A_118 = arith.constant 0 : i32
    %dma_start3A_119 = tpu.memref_slice %arg2[%select_n3A, %multiple_of3A_101, %dma_start3A_118] : memref<16x2048x512xf32, #tpu.memory_space<hbm>> -> memref<1x64x512xf32, #tpu.memory_space<hbm>>
    tpu.enqueue_dma source(%dma_start3A_119 : memref<1x64x512xf32, #tpu.memory_space<hbm>>) target(%dma_start3A_117 : memref<1x64x512xf32, #tpu.memory_space<vmem>>) target_semaphore(%dma_start3A_112 : memref<!tpu.dma_semaphore, #tpu.memory_space<semaphore_mem>>)
    %mul3A_120 = arith.constant 1024 : i32
    %mul3A_121 = arith.muli %select_n3A_30, %mul3A_120 : i32
    %add3A_122 = arith.constant 64 : i32
    %add3A_123 = arith.addi %mul3A_121, %add3A_122 : i32
    %multiple_of3A_124 = tpu.assume_multiple %add3A_123, 8 : i32
    %dma_wait3A_125 = arith.constant 1 : i32
    %dma_wait3A_126 = arith.constant 1 : i32
    %dma_wait3A_127 = arith.constant 0 : i32
    %dma_wait3A_128 = arith.constant 0 : i32
    %dma_wait3A_129 = arith.constant 0 : i32
    %dma_wait3A_130 = tpu.memref_slice %arg4[%dma_wait3A_125, %dma_wait3A_127, %dma_wait3A_128, %dma_wait3A_129] : memref<2x1x64x512xf32, #tpu.memory_space<vmem>> -> memref<1x1x64x512xf32, #tpu.memory_space<vmem>>
    %dma_wait3A_131 = tpu.memref_squeeze %dma_wait3A_130 : memref<1x1x64x512xf32, #tpu.memory_space<vmem>> -> memref<1x64x512xf32, #tpu.memory_space<vmem>>
    %dma_wait3A_132 = arith.constant 0 : i32
    %dma_wait3A_133 = tpu.memref_slice %arg2[%select_n3A, %multiple_of3A_124, %dma_wait3A_132] : memref<16x2048x512xf32, #tpu.memory_space<hbm>> -> memref<1x64x512xf32, #tpu.memory_space<hbm>>
    %dma_wait3A_134 = tpu.memref_slice %arg5[%dma_wait3A_126] : memref<2x!tpu.dma_semaphore, #tpu.memory_space<semaphore_mem>> -> memref<1x!tpu.dma_semaphore, #tpu.memory_space<semaphore_mem>>
    %dma_wait3A_135 = tpu.memref_squeeze %dma_wait3A_134 : memref<1x!tpu.dma_semaphore, #tpu.memory_space<semaphore_mem>> -> memref<!tpu.dma_semaphore, #tpu.memory_space<semaphore_mem>>
    %dma_wait3A_136 = arith.constant 0 : i32
    %dma_wait3A_137 = arith.constant 0 : i32
    %dma_wait3A_138 = arith.constant 0 : i32
    %dma_wait3A_139 = tpu.memref_slice %arg4[%dma_wait3A_125, %dma_wait3A_136, %dma_wait3A_137, %dma_wait3A_138] : memref<2x1x64x512xf32, #tpu.memory_space<vmem>> -> memref<1x1x64x512xf32, #tpu.memory_space<vmem>>
    %dma_wait3A_140 = tpu.memref_squeeze %dma_wait3A_139 : memref<1x1x64x512xf32, #tpu.memory_space<vmem>> -> memref<1x64x512xf32, #tpu.memory_space<vmem>>
    %dma_wait3A_141 = arith.constant 0 : i32
    %dma_wait3A_142 = tpu.memref_slice %arg2[%select_n3A, %multiple_of3A_124, %dma_wait3A_141] : memref<16x2048x512xf32, #tpu.memory_space<hbm>> -> memref<1x64x512xf32, #tpu.memory_space<hbm>>
    tpu.wait_dma2 semaphore(%dma_wait3A_135 : memref<!tpu.dma_semaphore, #tpu.memory_space<semaphore_mem>>) src(%dma_wait3A_142 : memref<1x64x512xf32, #tpu.memory_space<hbm>>) dst(%dma_wait3A_140 : memref<1x64x512xf32, #tpu.memory_space<vmem>>)
    %mul3A_143 = arith.constant 1024 : i32
    %mul3A_144 = arith.muli %select_n3A_30, %mul3A_143 : i32
    %add3A_145 = arith.constant 64 : i32
    %add3A_146 = arith.addi %mul3A_144, %add3A_145 : i32
    %multiple_of3A_147 = tpu.assume_multiple %add3A_146, 8 : i32
    %dma_start3A_148 = arith.constant 1 : i32
    %dma_start3A_149 = arith.constant 1 : i32
    %dma_start3A_150 = arith.constant 0 : i32
    %dma_start3A_151 = arith.constant 0 : i32
    %dma_start3A_152 = arith.constant 0 : i32
    %dma_start3A_153 = tpu.memref_slice %arg4[%dma_start3A_148, %dma_start3A_150, %dma_start3A_151, %dma_start3A_152] : memref<2x1x64x512xf32, #tpu.memory_space<vmem>> -> memref<1x1x64x512xf32, #tpu.memory_space<vmem>>
    %dma_start3A_154 = tpu.memref_squeeze %dma_start3A_153 : memref<1x1x64x512xf32, #tpu.memory_space<vmem>> -> memref<1x64x512xf32, #tpu.memory_space<vmem>>
    %dma_start3A_155 = arith.constant 0 : i32
    %dma_start3A_156 = tpu.memref_slice %arg3[%select_n3A, %multiple_of3A_147, %dma_start3A_155] : memref<16x2048x512xf32, #tpu.memory_space<hbm>> -> memref<1x64x512xf32, #tpu.memory_space<hbm>>
    %dma_start3A_157 = tpu.memref_slice %arg6[%dma_start3A_149] : memref<2x!tpu.dma_semaphore, #tpu.memory_space<semaphore_mem>> -> memref<1x!tpu.dma_semaphore, #tpu.memory_space<semaphore_mem>>
    %dma_start3A_158 = tpu.memref_squeeze %dma_start3A_157 : memref<1x!tpu.dma_semaphore, #tpu.memory_space<semaphore_mem>> -> memref<!tpu.dma_semaphore, #tpu.memory_space<semaphore_mem>>
    %dma_start3A_159 = arith.constant 0 : i32
    %dma_start3A_160 = tpu.memref_slice %arg3[%select_n3A, %multiple_of3A_147, %dma_start3A_159] : memref<16x2048x512xf32, #tpu.memory_space<hbm>> -> memref<1x64x512xf32, #tpu.memory_space<hbm>>
    %dma_start3A_161 = arith.constant 0 : i32
    %dma_start3A_162 = arith.constant 0 : i32
    %dma_start3A_163 = arith.constant 0 : i32
    %dma_start3A_164 = tpu.memref_slice %arg4[%dma_start3A_148, %dma_start3A_161, %dma_start3A_162, %dma_start3A_163] : memref<2x1x64x512xf32, #tpu.memory_space<vmem>> -> memref<1x1x64x512xf32, #tpu.memory_space<vmem>>
    %dma_start3A_165 = tpu.memref_squeeze %dma_start3A_164 : memref<1x1x64x512xf32, #tpu.memory_space<vmem>> -> memref<1x64x512xf32, #tpu.memory_space<vmem>>
    tpu.enqueue_dma source(%dma_start3A_165 : memref<1x64x512xf32, #tpu.memory_space<vmem>>) target(%dma_start3A_160 : memref<1x64x512xf32, #tpu.memory_space<hbm>>) target_semaphore(%dma_start3A_158 : memref<!tpu.dma_semaphore, #tpu.memory_space<semaphore_mem>>)
    %mul3A_166 = arith.constant 1024 : i32
    %mul3A_167 = arith.muli %select_n3A_30, %mul3A_166 : i32
    %add3A_168 = arith.constant 0 : i32
    %add3A_169 = arith.addi %mul3A_167, %add3A_168 : i32
    %multiple_of3A_170 = tpu.assume_multiple %add3A_169, 8 : i32
    %dma_wait3A_171 = arith.constant 0 : i32
    %dma_wait3A_172 = arith.constant 0 : i32
    %dma_wait3A_173 = arith.constant 0 : i32
    %dma_wait3A_174 = arith.constant 0 : i32
    %dma_wait3A_175 = arith.constant 0 : i32
    %dma_wait3A_176 = tpu.memref_slice %arg4[%dma_wait3A_171, %dma_wait3A_173, %dma_wait3A_174, %dma_wait3A_175] : memref<2x1x64x512xf32, #tpu.memory_space<vmem>> -> memref<1x1x64x512xf32, #tpu.memory_space<vmem>>
    %dma_wait3A_177 = tpu.memref_squeeze %dma_wait3A_176 : memref<1x1x64x512xf32, #tpu.memory_space<vmem>> -> memref<1x64x512xf32, #tpu.memory_space<vmem>>
    %dma_wait3A_178 = arith.constant 0 : i32
    %dma_wait3A_179 = tpu.memref_slice %arg3[%select_n3A, %multiple_of3A_170, %dma_wait3A_178] : memref<16x2048x512xf32, #tpu.memory_space<hbm>> -> memref<1x64x512xf32, #tpu.memory_space<hbm>>
    %dma_wait3A_180 = tpu.memref_slice %arg6[%dma_wait3A_172] : memref<2x!tpu.dma_semaphore, #tpu.memory_space<semaphore_mem>> -> memref<1x!tpu.dma_semaphore, #tpu.memory_space<semaphore_mem>>
    %dma_wait3A_181 = tpu.memref_squeeze %dma_wait3A_180 : memref<1x!tpu.dma_semaphore, #tpu.memory_space<semaphore_mem>> -> memref<!tpu.dma_semaphore, #tpu.memory_space<semaphore_mem>>
    %dma_wait3A_182 = arith.constant 0 : i32
    %dma_wait3A_183 = tpu.memref_slice %arg3[%select_n3A, %multiple_of3A_170, %dma_wait3A_182] : memref<16x2048x512xf32, #tpu.memory_space<hbm>> -> memref<1x64x512xf32, #tpu.memory_space<hbm>>
    %dma_wait3A_184 = arith.constant 0 : i32
    %dma_wait3A_185 = arith.constant 0 : i32
    %dma_wait3A_186 = arith.constant 0 : i32
    %dma_wait3A_187 = tpu.memref_slice %arg4[%dma_wait3A_171, %dma_wait3A_184, %dma_wait3A_185, %dma_wait3A_186] : memref<2x1x64x512xf32, #tpu.memory_space<vmem>> -> memref<1x1x64x512xf32, #tpu.memory_space<vmem>>
    %dma_wait3A_188 = tpu.memref_squeeze %dma_wait3A_187 : memref<1x1x64x512xf32, #tpu.memory_space<vmem>> -> memref<1x64x512xf32, #tpu.memory_space<vmem>>
    tpu.wait_dma2 semaphore(%dma_wait3A_181 : memref<!tpu.dma_semaphore, #tpu.memory_space<semaphore_mem>>) src(%dma_wait3A_188 : memref<1x64x512xf32, #tpu.memory_space<vmem>>) dst(%dma_wait3A_183 : memref<1x64x512xf32, #tpu.memory_space<hbm>>)
    %mul3A_189 = arith.constant 1024 : i32
    %mul3A_190 = arith.muli %select_n3A_30, %mul3A_189 : i32
    %add3A_191 = arith.constant 128 : i32
    %add3A_192 = arith.addi %mul3A_190, %add3A_191 : i32
    %multiple_of3A_193 = tpu.assume_multiple %add3A_192, 8 : i32
    %dma_start3A_194 = arith.constant 0 : i32
    %dma_start3A_195 = arith.constant 0 : i32
    %dma_start3A_196 = arith.constant 0 : i32
    %dma_start3A_197 = arith.constant 0 : i32
    %dma_start3A_198 = arith.constant 0 : i32
    %dma_start3A_199 = tpu.memref_slice %arg4[%dma_start3A_194, %dma_start3A_196, %dma_start3A_197, %dma_start3A_198] : memref<2x1x64x512xf32, #tpu.memory_space<vmem>> -> memref<1x1x64x512xf32, #tpu.memory_space<vmem>>
    %dma_start3A_200 = tpu.memref_squeeze %dma_start3A_199 : memref<1x1x64x512xf32, #tpu.memory_space<vmem>> -> memref<1x64x512xf32, #tpu.memory_space<vmem>>
    %dma_start3A_201 = arith.constant 0 : i32
    %dma_start3A_202 = tpu.memref_slice %arg2[%select_n3A, %multiple_of3A_193, %dma_start3A_201] : memref<16x2048x512xf32, #tpu.memory_space<hbm>> -> memref<1x64x512xf32, #tpu.memory_space<hbm>>
    %dma_start3A_203 = tpu.memref_slice %arg5[%dma_start3A_195] : memref<2x!tpu.dma_semaphore, #tpu.memory_space<semaphore_mem>> -> memref<1x!tpu.dma_semaphore, #tpu.memory_space<semaphore_mem>>
    %dma_start3A_204 = tpu.memref_squeeze %dma_start3A_203 : memref<1x!tpu.dma_semaphore, #tpu.memory_space<semaphore_mem>> -> memref<!tpu.dma_semaphore, #tpu.memory_space<semaphore_mem>>
    %dma_start3A_205 = arith.constant 0 : i32
    %dma_start3A_206 = arith.constant 0 : i32
    %dma_start3A_207 = arith.constant 0 : i32
    %dma_start3A_208 = tpu.memref_slice %arg4[%dma_start3A_194, %dma_start3A_205, %dma_start3A_206, %dma_start3A_207] : memref<2x1x64x512xf32, #tpu.memory_space<vmem>> -> memref<1x1x64x512xf32, #tpu.memory_space<vmem>>
    %dma_start3A_209 = tpu.memref_squeeze %dma_start3A_208 : memref<1x1x64x512xf32, #tpu.memory_space<vmem>> -> memref<1x64x512xf32, #tpu.memory_space<vmem>>
    %dma_start3A_210 = arith.constant 0 : i32
    %dma_start3A_211 = tpu.memref_slice %arg2[%select_n3A, %multiple_of3A_193, %dma_start3A_210] : memref<16x2048x512xf32, #tpu.memory_space<hbm>> -> memref<1x64x512xf32, #tpu.memory_space<hbm>>
    tpu.enqueue_dma source(%dma_start3A_211 : memref<1x64x512xf32, #tpu.memory_space<hbm>>) target(%dma_start3A_209 : memref<1x64x512xf32, #tpu.memory_space<vmem>>) target_semaphore(%dma_start3A_204 : memref<!tpu.dma_semaphore, #tpu.memory_space<semaphore_mem>>)
    %mul3A_212 = arith.constant 1024 : i32
    %mul3A_213 = arith.muli %select_n3A_30, %mul3A_212 : i32
    %add3A_214 = arith.constant 128 : i32
    %add3A_215 = arith.addi %mul3A_213, %add3A_214 : i32
    %multiple_of3A_216 = tpu.assume_multiple %add3A_215, 8 : i32
    %dma_wait3A_217 = arith.constant 0 : i32
    %dma_wait3A_218 = arith.constant 0 : i32
    %dma_wait3A_219 = arith.constant 0 : i32
    %dma_wait3A_220 = arith.constant 0 : i32
    %dma_wait3A_221 = arith.constant 0 : i32
    %dma_wait3A_222 = tpu.memref_slice %arg4[%dma_wait3A_217, %dma_wait3A_219, %dma_wait3A_220, %dma_wait3A_221] : memref<2x1x64x512xf32, #tpu.memory_space<vmem>> -> memref<1x1x64x512xf32, #tpu.memory_space<vmem>>
    %dma_wait3A_223 = tpu.memref_squeeze %dma_wait3A_222 : memref<1x1x64x512xf32, #tpu.memory_space<vmem>> -> memref<1x64x512xf32, #tpu.memory_space<vmem>>
    %dma_wait3A_224 = arith.constant 0 : i32
    %dma_wait3A_225 = tpu.memref_slice %arg2[%select_n3A, %multiple_of3A_216, %dma_wait3A_224] : memref<16x2048x512xf32, #tpu.memory_space<hbm>> -> memref<1x64x512xf32, #tpu.memory_space<hbm>>
    %dma_wait3A_226 = tpu.memref_slice %arg5[%dma_wait3A_218] : memref<2x!tpu.dma_semaphore, #tpu.memory_space<semaphore_mem>> -> memref<1x!tpu.dma_semaphore, #tpu.memory_space<semaphore_mem>>
    %dma_wait3A_227 = tpu.memref_squeeze %dma_wait3A_226 : memref<1x!tpu.dma_semaphore, #tpu.memory_space<semaphore_mem>> -> memref<!tpu.dma_semaphore, #tpu.memory_space<semaphore_mem>>
    %dma_wait3A_228 = arith.constant 0 : i32
    %dma_wait3A_229 = arith.constant 0 : i32
    %dma_wait3A_230 = arith.constant 0 : i32
    %dma_wait3A_231 = tpu.memref_slice %arg4[%dma_wait3A_217, %dma_wait3A_228, %dma_wait3A_229, %dma_wait3A_230] : memref<2x1x64x512xf32, #tpu.memory_space<vmem>> -> memref<1x1x64x512xf32, #tpu.memory_space<vmem>>
    %dma_wait3A_232 = tpu.memref_squeeze %dma_wait3A_231 : memref<1x1x64x512xf32, #tpu.memory_space<vmem>> -> memref<1x64x512xf32, #tpu.memory_space<vmem>>
    %dma_wait3A_233 = arith.constant 0 : i32
    %dma_wait3A_234 = tpu.memref_slice %arg2[%select_n3A, %multiple_of3A_216, %dma_wait3A_233] : memref<16x2048x512xf32, #tpu.memory_space<hbm>> -> memref<1x64x512xf32, #tpu.memory_space<hbm>>
    tpu.wait_dma2 semaphore(%dma_wait3A_227 : memref<!tpu.dma_semaphore, #tpu.memory_space<semaphore_mem>>) src(%dma_wait3A_234 : memref<1x64x512xf32, #tpu.memory_space<hbm>>) dst(%dma_wait3A_232 : memref<1x64x512xf32, #tpu.memory_space<vmem>>)
    %mul3A_235 = arith.constant 1024 : i32
    %mul3A_236 = arith.muli %select_n3A_30, %mul3A_235 : i32
    %add3A_237 = arith.constant 128 : i32
    %add3A_238 = arith.addi %mul3A_236, %add3A_237 : i32
    %multiple_of3A_239 = tpu.assume_multiple %add3A_238, 8 : i32
    %dma_start3A_240 = arith.constant 0 : i32
    %dma_start3A_241 = arith.constant 0 : i32
    %dma_start3A_242 = arith.constant 0 : i32
    %dma_start3A_243 = arith.constant 0 : i32
    %dma_start3A_244 = arith.constant 0 : i32
    %dma_start3A_245 = tpu.memref_slice %arg4[%dma_start3A_240, %dma_start3A_242, %dma_start3A_243, %dma_start3A_244] : memref<2x1x64x512xf32, #tpu.memory_space<vmem>> -> memref<1x1x64x512xf32, #tpu.memory_space<vmem>>
    %dma_start3A_246 = tpu.memref_squeeze %dma_start3A_245 : memref<1x1x64x512xf32, #tpu.memory_space<vmem>> -> memref<1x64x512xf32, #tpu.memory_space<vmem>>
    %dma_start3A_247 = arith.constant 0 : i32
    %dma_start3A_248 = tpu.memref_slice %arg3[%select_n3A, %multiple_of3A_239, %dma_start3A_247] : memref<16x2048x512xf32, #tpu.memory_space<hbm>> -> memref<1x64x512xf32, #tpu.memory_space<hbm>>
    %dma_start3A_249 = tpu.memref_slice %arg6[%dma_start3A_241] : memref<2x!tpu.dma_semaphore, #tpu.memory_space<semaphore_mem>> -> memref<1x!tpu.dma_semaphore, #tpu.memory_space<semaphore_mem>>
    %dma_start3A_250 = tpu.memref_squeeze %dma_start3A_249 : memref<1x!tpu.dma_semaphore, #tpu.memory_space<semaphore_mem>> -> memref<!tpu.dma_semaphore, #tpu.memory_space<semaphore_mem>>
    %dma_start3A_251 = arith.constant 0 : i32
    %dma_start3A_252 = tpu.memref_slice %arg3[%select_n3A, %multiple_of3A_239, %dma_start3A_251] : memref<16x2048x512xf32, #tpu.memory_space<hbm>> -> memref<1x64x512xf32, #tpu.memory_space<hbm>>
    %dma_start3A_253 = arith.constant 0 : i32
    %dma_start3A_254 = arith.constant 0 : i32
    %dma_start3A_255 = arith.constant 0 : i32
    %dma_start3A_256 = tpu.memref_slice %arg4[%dma_start3A_240, %dma_start3A_253, %dma_start3A_254, %dma_start3A_255] : memref<2x1x64x512xf32, #tpu.memory_space<vmem>> -> memref<1x1x64x512xf32, #tpu.memory_space<vmem>>
    %dma_start3A_257 = tpu.memref_squeeze %dma_start3A_256 : memref<1x1x64x512xf32, #tpu.memory_space<vmem>> -> memref<1x64x512xf32, #tpu.memory_space<vmem>>
    tpu.enqueue_dma source(%dma_start3A_257 : memref<1x64x512xf32, #tpu.memory_space<vmem>>) target(%dma_start3A_252 : memref<1x64x512xf32, #tpu.memory_space<hbm>>) target_semaphore(%dma_start3A_250 : memref<!tpu.dma_semaphore, #tpu.memory_space<semaphore_mem>>)
    %mul3A_258 = arith.constant 1024 : i32
    %mul3A_259 = arith.muli %select_n3A_30, %mul3A_258 : i32
    %add3A_260 = arith.constant 64 : i32
    %add3A_261 = arith.addi %mul3A_259, %add3A_260 : i32
    %multiple_of3A_262 = tpu.assume_multiple %add3A_261, 8 : i32
    %dma_wait3A_263 = arith.constant 1 : i32
    %dma_wait3A_264 = arith.constant 1 : i32
    %dma_wait3A_265 = arith.constant 0 : i32
    %dma_wait3A_266 = arith.constant 0 : i32
    %dma_wait3A_267 = arith.constant 0 : i32
    %dma_wait3A_268 = tpu.memref_slice %arg4[%dma_wait3A_263, %dma_wait3A_265, %dma_wait3A_266, %dma_wait3A_267] : memref<2x1x64x512xf32, #tpu.memory_space<vmem>> -> memref<1x1x64x512xf32, #tpu.memory_space<vmem>>
    %dma_wait3A_269 = tpu.memref_squeeze %dma_wait3A_268 : memref<1x1x64x512xf32, #tpu.memory_space<vmem>> -> memref<1x64x512xf32, #tpu.memory_space<vmem>>
    %dma_wait3A_270 = arith.constant 0 : i32
    %dma_wait3A_271 = tpu.memref_slice %arg3[%select_n3A, %multiple_of3A_262, %dma_wait3A_270] : memref<16x2048x512xf32, #tpu.memory_space<hbm>> -> memref<1x64x512xf32, #tpu.memory_space<hbm>>
    %dma_wait3A_272 = tpu.memref_slice %arg6[%dma_wait3A_264] : memref<2x!tpu.dma_semaphore, #tpu.memory_space<semaphore_mem>> -> memref<1x!tpu.dma_semaphore, #tpu.memory_space<semaphore_mem>>
    %dma_wait3A_273 = tpu.memref_squeeze %dma_wait3A_272 : memref<1x!tpu.dma_semaphore, #tpu.memory_space<semaphore_mem>> -> memref<!tpu.dma_semaphore, #tpu.memory_space<semaphore_mem>>
    %dma_wait3A_274 = arith.constant 0 : i32
    %dma_wait3A_275 = tpu.memref_slice %arg3[%select_n3A, %multiple_of3A_262, %dma_wait3A_274] : memref<16x2048x512xf32, #tpu.memory_space<hbm>> -> memref<1x64x512xf32, #tpu.memory_space<hbm>>
    %dma_wait3A_276 = arith.constant 0 : i32
    %dma_wait3A_277 = arith.constant 0 : i32
    %dma_wait3A_278 = arith.constant 0 : i32
    %dma_wait3A_279 = tpu.memref_slice %arg4[%dma_wait3A_263, %dma_wait3A_276, %dma_wait3A_277, %dma_wait3A_278] : memref<2x1x64x512xf32, #tpu.memory_space<vmem>> -> memref<1x1x64x512xf32, #tpu.memory_space<vmem>>
    %dma_wait3A_280 = tpu.memref_squeeze %dma_wait3A_279 : memref<1x1x64x512xf32, #tpu.memory_space<vmem>> -> memref<1x64x512xf32, #tpu.memory_space<vmem>>
    tpu.wait_dma2 semaphore(%dma_wait3A_273 : memref<!tpu.dma_semaphore, #tpu.memory_space<semaphore_mem>>) src(%dma_wait3A_280 : memref<1x64x512xf32, #tpu.memory_space<vmem>>) dst(%dma_wait3A_275 : memref<1x64x512xf32, #tpu.memory_space<hbm>>)
    %mul3A_281 = arith.constant 1024 : i32
    %mul3A_282 = arith.muli %select_n3A_30, %mul3A_281 : i32
    %add3A_283 = arith.constant 192 : i32
    %add3A_284 = arith.addi %mul3A_282, %add3A_283 : i32
    %multiple_of3A_285 = tpu.assume_multiple %add3A_284, 8 : i32
    %dma_start3A_286 = arith.constant 1 : i32
    %dma_start3A_287 = arith.constant 1 : i32
    %dma_start3A_288 = arith.constant 0 : i32
    %dma_start3A_289 = arith.constant 0 : i32
    %dma_start3A_290 = arith.constant 0 : i32
    %dma_start3A_291 = tpu.memref_slice %arg4[%dma_start3A_286, %dma_start3A_288, %dma_start3A_289, %dma_start3A_290] : memref<2x1x64x512xf32, #tpu.memory_space<vmem>> -> memref<1x1x64x512xf32, #tpu.memory_space<vmem>>
    %dma_start3A_292 = tpu.memref_squeeze %dma_start3A_291 : memref<1x1x64x512xf32, #tpu.memory_space<vmem>> -> memref<1x64x512xf32, #tpu.memory_space<vmem>>
    %dma_start3A_293 = arith.constant 0 : i32
    %dma_start3A_294 = tpu.memref_slice %arg2[%select_n3A, %multiple_of3A_285, %dma_start3A_293] : memref<16x2048x512xf32, #tpu.memory_space<hbm>> -> memref<1x64x512xf32, #tpu.memory_space<hbm>>
    %dma_start3A_295 = tpu.memref_slice %arg5[%dma_start3A_287] : memref<2x!tpu.dma_semaphore, #tpu.memory_space<semaphore_mem>> -> memref<1x!tpu.dma_semaphore, #tpu.memory_space<semaphore_mem>>
    %dma_start3A_296 = tpu.memref_squeeze %dma_start3A_295 : memref<1x!tpu.dma_semaphore, #tpu.memory_space<semaphore_mem>> -> memref<!tpu.dma_semaphore, #tpu.memory_space<semaphore_mem>>
    %dma_start3A_297 = arith.constant 0 : i32
    %dma_start3A_298 = arith.constant 0 : i32
    %dma_start3A_299 = arith.constant 0 : i32
    %dma_start3A_300 = tpu.memref_slice %arg4[%dma_start3A_286, %dma_start3A_297, %dma_start3A_298, %dma_start3A_299] : memref<2x1x64x512xf32, #tpu.memory_space<vmem>> -> memref<1x1x64x512xf32, #tpu.memory_space<vmem>>
    %dma_start3A_301 = tpu.memref_squeeze %dma_start3A_300 : memref<1x1x64x512xf32, #tpu.memory_space<vmem>> -> memref<1x64x512xf32, #tpu.memory_space<vmem>>
    %dma_start3A_302 = arith.constant 0 : i32
    %dma_start3A_303 = tpu.memref_slice %arg2[%select_n3A, %multiple_of3A_285, %dma_start3A_302] : memref<16x2048x512xf32, #tpu.memory_space<hbm>> -> memref<1x64x512xf32, #tpu.memory_space<hbm>>
    tpu.enqueue_dma source(%dma_start3A_303 : memref<1x64x512xf32, #tpu.memory_space<hbm>>) target(%dma_start3A_301 : memref<1x64x512xf32, #tpu.memory_space<vmem>>) target_semaphore(%dma_start3A_296 : memref<!tpu.dma_semaphore, #tpu.memory_space<semaphore_mem>>)
    %mul3A_304 = arith.constant 1024 : i32
    %mul3A_305 = arith.muli %select_n3A_30, %mul3A_304 : i32
    %add3A_306 = arith.constant 192 : i32
    %add3A_307 = arith.addi %mul3A_305, %add3A_306 : i32
    %multiple_of3A_308 = tpu.assume_multiple %add3A_307, 8 : i32
    %dma_wait3A_309 = arith.constant 1 : i32
    %dma_wait3A_310 = arith.constant 1 : i32
    %dma_wait3A_311 = arith.constant 0 : i32
    %dma_wait3A_312 = arith.constant 0 : i32
    %dma_wait3A_313 = arith.constant 0 : i32
    %dma_wait3A_314 = tpu.memref_slice %arg4[%dma_wait3A_309, %dma_wait3A_311, %dma_wait3A_312, %dma_wait3A_313] : memref<2x1x64x512xf32, #tpu.memory_space<vmem>> -> memref<1x1x64x512xf32, #tpu.memory_space<vmem>>
    %dma_wait3A_315 = tpu.memref_squeeze %dma_wait3A_314 : memref<1x1x64x512xf32, #tpu.memory_space<vmem>> -> memref<1x64x512xf32, #tpu.memory_space<vmem>>
    %dma_wait3A_316 = arith.constant 0 : i32
    %dma_wait3A_317 = tpu.memref_slice %arg2[%select_n3A, %multiple_of3A_308, %dma_wait3A_316] : memref<16x2048x512xf32, #tpu.memory_space<hbm>> -> memref<1x64x512xf32, #tpu.memory_space<hbm>>
    %dma_wait3A_318 = tpu.memref_slice %arg5[%dma_wait3A_310] : memref<2x!tpu.dma_semaphore, #tpu.memory_space<semaphore_mem>> -> memref<1x!tpu.dma_semaphore, #tpu.memory_space<semaphore_mem>>
    %dma_wait3A_319 = tpu.memref_squeeze %dma_wait3A_318 : memref<1x!tpu.dma_semaphore, #tpu.memory_space<semaphore_mem>> -> memref<!tpu.dma_semaphore, #tpu.memory_space<semaphore_mem>>
    %dma_wait3A_320 = arith.constant 0 : i32
    %dma_wait3A_321 = arith.constant 0 : i32
    %dma_wait3A_322 = arith.constant 0 : i32
    %dma_wait3A_323 = tpu.memref_slice %arg4[%dma_wait3A_309, %dma_wait3A_320, %dma_wait3A_321, %dma_wait3A_322] : memref<2x1x64x512xf32, #tpu.memory_space<vmem>> -> memref<1x1x64x512xf32, #tpu.memory_space<vmem>>
    %dma_wait3A_324 = tpu.memref_squeeze %dma_wait3A_323 : memref<1x1x64x512xf32, #tpu.memory_space<vmem>> -> memref<1x64x512xf32, #tpu.memory_space<vmem>>
    %dma_wait3A_325 = arith.constant 0 : i32
    %dma_wait3A_326 = tpu.memref_slice %arg2[%select_n3A, %multiple_of3A_308, %dma_wait3A_325] : memref<16x2048x512xf32, #tpu.memory_space<hbm>> -> memref<1x64x512xf32, #tpu.memory_space<hbm>>
    tpu.wait_dma2 semaphore(%dma_wait3A_319 : memref<!tpu.dma_semaphore, #tpu.memory_space<semaphore_mem>>) src(%dma_wait3A_326 : memref<1x64x512xf32, #tpu.memory_space<hbm>>) dst(%dma_wait3A_324 : memref<1x64x512xf32, #tpu.memory_space<vmem>>)
    %mul3A_327 = arith.constant 1024 : i32
    %mul3A_328 = arith.muli %select_n3A_30, %mul3A_327 : i32
    %add3A_329 = arith.constant 192 : i32
    %add3A_330 = arith.addi %mul3A_328, %add3A_329 : i32
    %multiple_of3A_331 = tpu.assume_multiple %add3A_330, 8 : i32
    %dma_start3A_332 = arith.constant 1 : i32
    %dma_start3A_333 = arith.constant 1 : i32
    %dma_start3A_334 = arith.constant 0 : i32
    %dma_start3A_335 = arith.constant 0 : i32
    %dma_start3A_336 = arith.constant 0 : i32
    %dma_start3A_337 = tpu.memref_slice %arg4[%dma_start3A_332, %dma_start3A_334, %dma_start3A_335, %dma_start3A_336] : memref<2x1x64x512xf32, #tpu.memory_space<vmem>> -> memref<1x1x64x512xf32, #tpu.memory_space<vmem>>
    %dma_start3A_338 = tpu.memref_squeeze %dma_start3A_337 : memref<1x1x64x512xf32, #tpu.memory_space<vmem>> -> memref<1x64x512xf32, #tpu.memory_space<vmem>>
    %dma_start3A_339 = arith.constant 0 : i32
    %dma_start3A_340 = tpu.memref_slice %arg3[%select_n3A, %multiple_of3A_331, %dma_start3A_339] : memref<16x2048x512xf32, #tpu.memory_space<hbm>> -> memref<1x64x512xf32, #tpu.memory_space<hbm>>
    %dma_start3A_341 = tpu.memref_slice %arg6[%dma_start3A_333] : memref<2x!tpu.dma_semaphore, #tpu.memory_space<semaphore_mem>> -> memref<1x!tpu.dma_semaphore, #tpu.memory_space<semaphore_mem>>
    %dma_start3A_342 = tpu.memref_squeeze %dma_start3A_341 : memref<1x!tpu.dma_semaphore, #tpu.memory_space<semaphore_mem>> -> memref<!tpu.dma_semaphore, #tpu.memory_space<semaphore_mem>>
    %dma_start3A_343 = arith.constant 0 : i32
    %dma_start3A_344 = tpu.memref_slice %arg3[%select_n3A, %multiple_of3A_331, %dma_start3A_343] : memref<16x2048x512xf32, #tpu.memory_space<hbm>> -> memref<1x64x512xf32, #tpu.memory_space<hbm>>
    %dma_start3A_345 = arith.constant 0 : i32
    %dma_start3A_346 = arith.constant 0 : i32
    %dma_start3A_347 = arith.constant 0 : i32
    %dma_start3A_348 = tpu.memref_slice %arg4[%dma_start3A_332, %dma_start3A_345, %dma_start3A_346, %dma_start3A_347] : memref<2x1x64x512xf32, #tpu.memory_space<vmem>> -> memref<1x1x64x512xf32, #tpu.memory_space<vmem>>
    %dma_start3A_349 = tpu.memref_squeeze %dma_start3A_348 : memref<1x1x64x512xf32, #tpu.memory_space<vmem>> -> memref<1x64x512xf32, #tpu.memory_space<vmem>>
    tpu.enqueue_dma source(%dma_start3A_349 : memref<1x64x512xf32, #tpu.memory_space<vmem>>) target(%dma_start3A_344 : memref<1x64x512xf32, #tpu.memory_space<hbm>>) target_semaphore(%dma_start3A_342 : memref<!tpu.dma_semaphore, #tpu.memory_space<semaphore_mem>>)
    %mul3A_350 = arith.constant 1024 : i32
    %mul3A_351 = arith.muli %select_n3A_30, %mul3A_350 : i32
    %add3A_352 = arith.constant 128 : i32
    %add3A_353 = arith.addi %mul3A_351, %add3A_352 : i32
    %multiple_of3A_354 = tpu.assume_multiple %add3A_353, 8 : i32
    %dma_wait3A_355 = arith.constant 0 : i32
    %dma_wait3A_356 = arith.constant 0 : i32
    %dma_wait3A_357 = arith.constant 0 : i32
    %dma_wait3A_358 = arith.constant 0 : i32
    %dma_wait3A_359 = arith.constant 0 : i32
    %dma_wait3A_360 = tpu.memref_slice %arg4[%dma_wait3A_355, %dma_wait3A_357, %dma_wait3A_358, %dma_wait3A_359] : memref<2x1x64x512xf32, #tpu.memory_space<vmem>> -> memref<1x1x64x512xf32, #tpu.memory_space<vmem>>
    %dma_wait3A_361 = tpu.memref_squeeze %dma_wait3A_360 : memref<1x1x64x512xf32, #tpu.memory_space<vmem>> -> memref<1x64x512xf32, #tpu.memory_space<vmem>>
    %dma_wait3A_362 = arith.constant 0 : i32
    %dma_wait3A_363 = tpu.memref_slice %arg3[%select_n3A, %multiple_of3A_354, %dma_wait3A_362] : memref<16x2048x512xf32, #tpu.memory_space<hbm>> -> memref<1x64x512xf32, #tpu.memory_space<hbm>>
    %dma_wait3A_364 = tpu.memref_slice %arg6[%dma_wait3A_356] : memref<2x!tpu.dma_semaphore, #tpu.memory_space<semaphore_mem>> -> memref<1x!tpu.dma_semaphore, #tpu.memory_space<semaphore_mem>>
    %dma_wait3A_365 = tpu.memref_squeeze %dma_wait3A_364 : memref<1x!tpu.dma_semaphore, #tpu.memory_space<semaphore_mem>> -> memref<!tpu.dma_semaphore, #tpu.memory_space<semaphore_mem>>
    %dma_wait3A_366 = arith.constant 0 : i32
    %dma_wait3A_367 = tpu.memref_slice %arg3[%select_n3A, %multiple_of3A_354, %dma_wait3A_366] : memref<16x2048x512xf32, #tpu.memory_space<hbm>> -> memref<1x64x512xf32, #tpu.memory_space<hbm>>
    %dma_wait3A_368 = arith.constant 0 : i32
    %dma_wait3A_369 = arith.constant 0 : i32
    %dma_wait3A_370 = arith.constant 0 : i32
    %dma_wait3A_371 = tpu.memref_slice %arg4[%dma_wait3A_355, %dma_wait3A_368, %dma_wait3A_369, %dma_wait3A_370] : memref<2x1x64x512xf32, #tpu.memory_space<vmem>> -> memref<1x1x64x512xf32, #tpu.memory_space<vmem>>
    %dma_wait3A_372 = tpu.memref_squeeze %dma_wait3A_371 : memref<1x1x64x512xf32, #tpu.memory_space<vmem>> -> memref<1x64x512xf32, #tpu.memory_space<vmem>>
    tpu.wait_dma2 semaphore(%dma_wait3A_365 : memref<!tpu.dma_semaphore, #tpu.memory_space<semaphore_mem>>) src(%dma_wait3A_372 : memref<1x64x512xf32, #tpu.memory_space<vmem>>) dst(%dma_wait3A_367 : memref<1x64x512xf32, #tpu.memory_space<hbm>>)
    %mul3A_373 = arith.constant 1024 : i32
    %mul3A_374 = arith.muli %select_n3A_30, %mul3A_373 : i32
    %add3A_375 = arith.constant 256 : i32
    %add3A_376 = arith.addi %mul3A_374, %add3A_375 : i32
    %multiple_of3A_377 = tpu.assume_multiple %add3A_376, 8 : i32
    %dma_start3A_378 = arith.constant 0 : i32
    %dma_start3A_379 = arith.constant 0 : i32
    %dma_start3A_380 = arith.constant 0 : i32
    %dma_start3A_381 = arith.constant 0 : i32
    %dma_start3A_382 = arith.constant 0 : i32
    %dma_start3A_383 = tpu.memref_slice %arg4[%dma_start3A_378, %dma_start3A_380, %dma_start3A_381, %dma_start3A_382] : memref<2x1x64x512xf32, #tpu.memory_space<vmem>> -> memref<1x1x64x512xf32, #tpu.memory_space<vmem>>
    %dma_start3A_384 = tpu.memref_squeeze %dma_start3A_383 : memref<1x1x64x512xf32, #tpu.memory_space<vmem>> -> memref<1x64x512xf32, #tpu.memory_space<vmem>>
    %dma_start3A_385 = arith.constant 0 : i32
    %dma_start3A_386 = tpu.memref_slice %arg2[%select_n3A, %multiple_of3A_377, %dma_start3A_385] : memref<16x2048x512xf32, #tpu.memory_space<hbm>> -> memref<1x64x512xf32, #tpu.memory_space<hbm>>
    %dma_start3A_387 = tpu.memref_slice %arg5[%dma_start3A_379] : memref<2x!tpu.dma_semaphore, #tpu.memory_space<semaphore_mem>> -> memref<1x!tpu.dma_semaphore, #tpu.memory_space<semaphore_mem>>
    %dma_start3A_388 = tpu.memref_squeeze %dma_start3A_387 : memref<1x!tpu.dma_semaphore, #tpu.memory_space<semaphore_mem>> -> memref<!tpu.dma_semaphore, #tpu.memory_space<semaphore_mem>>
    %dma_start3A_389 = arith.constant 0 : i32
    %dma_start3A_390 = arith.constant 0 : i32
    %dma_start3A_391 = arith.constant 0 : i32
    %dma_start3A_392 = tpu.memref_slice %arg4[%dma_start3A_378, %dma_start3A_389, %dma_start3A_390, %dma_start3A_391] : memref<2x1x64x512xf32, #tpu.memory_space<vmem>> -> memref<1x1x64x512xf32, #tpu.memory_space<vmem>>
    %dma_start3A_393 = tpu.memref_squeeze %dma_start3A_392 : memref<1x1x64x512xf32, #tpu.memory_space<vmem>> -> memref<1x64x512xf32, #tpu.memory_space<vmem>>
    %dma_start3A_394 = arith.constant 0 : i32
    %dma_start3A_395 = tpu.memref_slice %arg2[%select_n3A, %multiple_of3A_377, %dma_start3A_394] : memref<16x2048x512xf32, #tpu.memory_space<hbm>> -> memref<1x64x512xf32, #tpu.memory_space<hbm>>
    tpu.enqueue_dma source(%dma_start3A_395 : memref<1x64x512xf32, #tpu.memory_space<hbm>>) target(%dma_start3A_393 : memref<1x64x512xf32, #tpu.memory_space<vmem>>) target_semaphore(%dma_start3A_388 : memref<!tpu.dma_semaphore, #tpu.memory_space<semaphore_mem>>)
    %mul3A_396 = arith.constant 1024 : i32
    %mul3A_397 = arith.muli %select_n3A_30, %mul3A_396 : i32
    %add3A_398 = arith.constant 256 : i32
    %add3A_399 = arith.addi %mul3A_397, %add3A_398 : i32
    %multiple_of3A_400 = tpu.assume_multiple %add3A_399, 8 : i32
    %dma_wait3A_401 = arith.constant 0 : i32
    %dma_wait3A_402 = arith.constant 0 : i32
    %dma_wait3A_403 = arith.constant 0 : i32
    %dma_wait3A_404 = arith.constant 0 : i32
    %dma_wait3A_405 = arith.constant 0 : i32
    %dma_wait3A_406 = tpu.memref_slice %arg4[%dma_wait3A_401, %dma_wait3A_403, %dma_wait3A_404, %dma_wait3A_405] : memref<2x1x64x512xf32, #tpu.memory_space<vmem>> -> memref<1x1x64x512xf32, #tpu.memory_space<vmem>>
    %dma_wait3A_407 = tpu.memref_squeeze %dma_wait3A_406 : memref<1x1x64x512xf32, #tpu.memory_space<vmem>> -> memref<1x64x512xf32, #tpu.memory_space<vmem>>
    %dma_wait3A_408 = arith.constant 0 : i32
    %dma_wait3A_409 = tpu.memref_slice %arg2[%select_n3A, %multiple_of3A_400, %dma_wait3A_408] : memref<16x2048x512xf32, #tpu.memory_space<hbm>> -> memref<1x64x512xf32, #tpu.memory_space<hbm>>
    %dma_wait3A_410 = tpu.memref_slice %arg5[%dma_wait3A_402] : memref<2x!tpu.dma_semaphore, #tpu.memory_space<semaphore_mem>> -> memref<1x!tpu.dma_semaphore, #tpu.memory_space<semaphore_mem>>
    %dma_wait3A_411 = tpu.memref_squeeze %dma_wait3A_410 : memref<1x!tpu.dma_semaphore, #tpu.memory_space<semaphore_mem>> -> memref<!tpu.dma_semaphore, #tpu.memory_space<semaphore_mem>>
    %dma_wait3A_412 = arith.constant 0 : i32
    %dma_wait3A_413 = arith.constant 0 : i32
    %dma_wait3A_414 = arith.constant 0 : i32
    %dma_wait3A_415 = tpu.memref_slice %arg4[%dma_wait3A_401, %dma_wait3A_412, %dma_wait3A_413, %dma_wait3A_414] : memref<2x1x64x512xf32, #tpu.memory_space<vmem>> -> memref<1x1x64x512xf32, #tpu.memory_space<vmem>>
    %dma_wait3A_416 = tpu.memref_squeeze %dma_wait3A_415 : memref<1x1x64x512xf32, #tpu.memory_space<vmem>> -> memref<1x64x512xf32, #tpu.memory_space<vmem>>
    %dma_wait3A_417 = arith.constant 0 : i32
    %dma_wait3A_418 = tpu.memref_slice %arg2[%select_n3A, %multiple_of3A_400, %dma_wait3A_417] : memref<16x2048x512xf32, #tpu.memory_space<hbm>> -> memref<1x64x512xf32, #tpu.memory_space<hbm>>
    tpu.wait_dma2 semaphore(%dma_wait3A_411 : memref<!tpu.dma_semaphore, #tpu.memory_space<semaphore_mem>>) src(%dma_wait3A_418 : memref<1x64x512xf32, #tpu.memory_space<hbm>>) dst(%dma_wait3A_416 : memref<1x64x512xf32, #tpu.memory_space<vmem>>)
    %mul3A_419 = arith.constant 1024 : i32
    %mul3A_420 = arith.muli %select_n3A_30, %mul3A_419 : i32
    %add3A_421 = arith.constant 256 : i32
    %add3A_422 = arith.addi %mul3A_420, %add3A_421 : i32
    %multiple_of3A_423 = tpu.assume_multiple %add3A_422, 8 : i32
    %dma_start3A_424 = arith.constant 0 : i32
    %dma_start3A_425 = arith.constant 0 : i32
    %dma_start3A_426 = arith.constant 0 : i32
    %dma_start3A_427 = arith.constant 0 : i32
    %dma_start3A_428 = arith.constant 0 : i32
    %dma_start3A_429 = tpu.memref_slice %arg4[%dma_start3A_424, %dma_start3A_426, %dma_start3A_427, %dma_start3A_428] : memref<2x1x64x512xf32, #tpu.memory_space<vmem>> -> memref<1x1x64x512xf32, #tpu.memory_space<vmem>>
    %dma_start3A_430 = tpu.memref_squeeze %dma_start3A_429 : memref<1x1x64x512xf32, #tpu.memory_space<vmem>> -> memref<1x64x512xf32, #tpu.memory_space<vmem>>
    %dma_start3A_431 = arith.constant 0 : i32
    %dma_start3A_432 = tpu.memref_slice %arg3[%select_n3A, %multiple_of3A_423, %dma_start3A_431] : memref<16x2048x512xf32, #tpu.memory_space<hbm>> -> memref<1x64x512xf32, #tpu.memory_space<hbm>>
    %dma_start3A_433 = tpu.memref_slice %arg6[%dma_start3A_425] : memref<2x!tpu.dma_semaphore, #tpu.memory_space<semaphore_mem>> -> memref<1x!tpu.dma_semaphore, #tpu.memory_space<semaphore_mem>>
    %dma_start3A_434 = tpu.memref_squeeze %dma_start3A_433 : memref<1x!tpu.dma_semaphore, #tpu.memory_space<semaphore_mem>> -> memref<!tpu.dma_semaphore, #tpu.memory_space<semaphore_mem>>
    %dma_start3A_435 = arith.constant 0 : i32
    %dma_start3A_436 = tpu.memref_slice %arg3[%select_n3A, %multiple_of3A_423, %dma_start3A_435] : memref<16x2048x512xf32, #tpu.memory_space<hbm>> -> memref<1x64x512xf32, #tpu.memory_space<hbm>>
    %dma_start3A_437 = arith.constant 0 : i32
    %dma_start3A_438 = arith.constant 0 : i32
    %dma_start3A_439 = arith.constant 0 : i32
    %dma_start3A_440 = tpu.memref_slice %arg4[%dma_start3A_424, %dma_start3A_437, %dma_start3A_438, %dma_start3A_439] : memref<2x1x64x512xf32, #tpu.memory_space<vmem>> -> memref<1x1x64x512xf32, #tpu.memory_space<vmem>>
    %dma_start3A_441 = tpu.memref_squeeze %dma_start3A_440 : memref<1x1x64x512xf32, #tpu.memory_space<vmem>> -> memref<1x64x512xf32, #tpu.memory_space<vmem>>
    tpu.enqueue_dma source(%dma_start3A_441 : memref<1x64x512xf32, #tpu.memory_space<vmem>>) target(%dma_start3A_436 : memref<1x64x512xf32, #tpu.memory_space<hbm>>) target_semaphore(%dma_start3A_434 : memref<!tpu.dma_semaphore, #tpu.memory_space<semaphore_mem>>)
    %mul3A_442 = arith.constant 1024 : i32
    %mul3A_443 = arith.muli %select_n3A_30, %mul3A_442 : i32
    %add3A_444 = arith.constant 192 : i32
    %add3A_445 = arith.addi %mul3A_443, %add3A_444 : i32
    %multiple_of3A_446 = tpu.assume_multiple %add3A_445, 8 : i32
    %dma_wait3A_447 = arith.constant 1 : i32
    %dma_wait3A_448 = arith.constant 1 : i32
    %dma_wait3A_449 = arith.constant 0 : i32
    %dma_wait3A_450 = arith.constant 0 : i32
    %dma_wait3A_451 = arith.constant 0 : i32
    %dma_wait3A_452 = tpu.memref_slice %arg4[%dma_wait3A_447, %dma_wait3A_449, %dma_wait3A_450, %dma_wait3A_451] : memref<2x1x64x512xf32, #tpu.memory_space<vmem>> -> memref<1x1x64x512xf32, #tpu.memory_space<vmem>>
    %dma_wait3A_453 = tpu.memref_squeeze %dma_wait3A_452 : memref<1x1x64x512xf32, #tpu.memory_space<vmem>> -> memref<1x64x512xf32, #tpu.memory_space<vmem>>
    %dma_wait3A_454 = arith.constant 0 : i32
    %dma_wait3A_455 = tpu.memref_slice %arg3[%select_n3A, %multiple_of3A_446, %dma_wait3A_454] : memref<16x2048x512xf32, #tpu.memory_space<hbm>> -> memref<1x64x512xf32, #tpu.memory_space<hbm>>
    %dma_wait3A_456 = tpu.memref_slice %arg6[%dma_wait3A_448] : memref<2x!tpu.dma_semaphore, #tpu.memory_space<semaphore_mem>> -> memref<1x!tpu.dma_semaphore, #tpu.memory_space<semaphore_mem>>
    %dma_wait3A_457 = tpu.memref_squeeze %dma_wait3A_456 : memref<1x!tpu.dma_semaphore, #tpu.memory_space<semaphore_mem>> -> memref<!tpu.dma_semaphore, #tpu.memory_space<semaphore_mem>>
    %dma_wait3A_458 = arith.constant 0 : i32
    %dma_wait3A_459 = tpu.memref_slice %arg3[%select_n3A, %multiple_of3A_446, %dma_wait3A_458] : memref<16x2048x512xf32, #tpu.memory_space<hbm>> -> memref<1x64x512xf32, #tpu.memory_space<hbm>>
    %dma_wait3A_460 = arith.constant 0 : i32
    %dma_wait3A_461 = arith.constant 0 : i32
    %dma_wait3A_462 = arith.constant 0 : i32
    %dma_wait3A_463 = tpu.memref_slice %arg4[%dma_wait3A_447, %dma_wait3A_460, %dma_wait3A_461, %dma_wait3A_462] : memref<2x1x64x512xf32, #tpu.memory_space<vmem>> -> memref<1x1x64x512xf32, #tpu.memory_space<vmem>>
    %dma_wait3A_464 = tpu.memref_squeeze %dma_wait3A_463 : memref<1x1x64x512xf32, #tpu.memory_space<vmem>> -> memref<1x64x512xf32, #tpu.memory_space<vmem>>
    tpu.wait_dma2 semaphore(%dma_wait3A_457 : memref<!tpu.dma_semaphore, #tpu.memory_space<semaphore_mem>>) src(%dma_wait3A_464 : memref<1x64x512xf32, #tpu.memory_space<vmem>>) dst(%dma_wait3A_459 : memref<1x64x512xf32, #tpu.memory_space<hbm>>)
    %mul3A_465 = arith.constant 1024 : i32
    %mul3A_466 = arith.muli %select_n3A_30, %mul3A_465 : i32
    %add3A_467 = arith.constant 320 : i32
    %add3A_468 = arith.addi %mul3A_466, %add3A_467 : i32
    %multiple_of3A_469 = tpu.assume_multiple %add3A_468, 8 : i32
    %dma_start3A_470 = arith.constant 1 : i32
    %dma_start3A_471 = arith.constant 1 : i32
    %dma_start3A_472 = arith.constant 0 : i32
    %dma_start3A_473 = arith.constant 0 : i32
    %dma_start3A_474 = arith.constant 0 : i32
    %dma_start3A_475 = tpu.memref_slice %arg4[%dma_start3A_470, %dma_start3A_472, %dma_start3A_473, %dma_start3A_474] : memref<2x1x64x512xf32, #tpu.memory_space<vmem>> -> memref<1x1x64x512xf32, #tpu.memory_space<vmem>>
    %dma_start3A_476 = tpu.memref_squeeze %dma_start3A_475 : memref<1x1x64x512xf32, #tpu.memory_space<vmem>> -> memref<1x64x512xf32, #tpu.memory_space<vmem>>
    %dma_start3A_477 = arith.constant 0 : i32
    %dma_start3A_478 = tpu.memref_slice %arg2[%select_n3A, %multiple_of3A_469, %dma_start3A_477] : memref<16x2048x512xf32, #tpu.memory_space<hbm>> -> memref<1x64x512xf32, #tpu.memory_space<hbm>>
    %dma_start3A_479 = tpu.memref_slice %arg5[%dma_start3A_471] : memref<2x!tpu.dma_semaphore, #tpu.memory_space<semaphore_mem>> -> memref<1x!tpu.dma_semaphore, #tpu.memory_space<semaphore_mem>>
    %dma_start3A_480 = tpu.memref_squeeze %dma_start3A_479 : memref<1x!tpu.dma_semaphore, #tpu.memory_space<semaphore_mem>> -> memref<!tpu.dma_semaphore, #tpu.memory_space<semaphore_mem>>
    %dma_start3A_481 = arith.constant 0 : i32
    %dma_start3A_482 = arith.constant 0 : i32
    %dma_start3A_483 = arith.constant 0 : i32
    %dma_start3A_484 = tpu.memref_slice %arg4[%dma_start3A_470, %dma_start3A_481, %dma_start3A_482, %dma_start3A_483] : memref<2x1x64x512xf32, #tpu.memory_space<vmem>> -> memref<1x1x64x512xf32, #tpu.memory_space<vmem>>
    %dma_start3A_485 = tpu.memref_squeeze %dma_start3A_484 : memref<1x1x64x512xf32, #tpu.memory_space<vmem>> -> memref<1x64x512xf32, #tpu.memory_space<vmem>>
    %dma_start3A_486 = arith.constant 0 : i32
    %dma_start3A_487 = tpu.memref_slice %arg2[%select_n3A, %multiple_of3A_469, %dma_start3A_486] : memref<16x2048x512xf32, #tpu.memory_space<hbm>> -> memref<1x64x512xf32, #tpu.memory_space<hbm>>
    tpu.enqueue_dma source(%dma_start3A_487 : memref<1x64x512xf32, #tpu.memory_space<hbm>>) target(%dma_start3A_485 : memref<1x64x512xf32, #tpu.memory_space<vmem>>) target_semaphore(%dma_start3A_480 : memref<!tpu.dma_semaphore, #tpu.memory_space<semaphore_mem>>)
    %mul3A_488 = arith.constant 1024 : i32
    %mul3A_489 = arith.muli %select_n3A_30, %mul3A_488 : i32
    %add3A_490 = arith.constant 320 : i32
    %add3A_491 = arith.addi %mul3A_489, %add3A_490 : i32
    %multiple_of3A_492 = tpu.assume_multiple %add3A_491, 8 : i32
    %dma_wait3A_493 = arith.constant 1 : i32
    %dma_wait3A_494 = arith.constant 1 : i32
    %dma_wait3A_495 = arith.constant 0 : i32
    %dma_wait3A_496 = arith.constant 0 : i32
    %dma_wait3A_497 = arith.constant 0 : i32
    %dma_wait3A_498 = tpu.memref_slice %arg4[%dma_wait3A_493, %dma_wait3A_495, %dma_wait3A_496, %dma_wait3A_497] : memref<2x1x64x512xf32, #tpu.memory_space<vmem>> -> memref<1x1x64x512xf32, #tpu.memory_space<vmem>>
    %dma_wait3A_499 = tpu.memref_squeeze %dma_wait3A_498 : memref<1x1x64x512xf32, #tpu.memory_space<vmem>> -> memref<1x64x512xf32, #tpu.memory_space<vmem>>
    %dma_wait3A_500 = arith.constant 0 : i32
    %dma_wait3A_501 = tpu.memref_slice %arg2[%select_n3A, %multiple_of3A_492, %dma_wait3A_500] : memref<16x2048x512xf32, #tpu.memory_space<hbm>> -> memref<1x64x512xf32, #tpu.memory_space<hbm>>
    %dma_wait3A_502 = tpu.memref_slice %arg5[%dma_wait3A_494] : memref<2x!tpu.dma_semaphore, #tpu.memory_space<semaphore_mem>> -> memref<1x!tpu.dma_semaphore, #tpu.memory_space<semaphore_mem>>
    %dma_wait3A_503 = tpu.memref_squeeze %dma_wait3A_502 : memref<1x!tpu.dma_semaphore, #tpu.memory_space<semaphore_mem>> -> memref<!tpu.dma_semaphore, #tpu.memory_space<semaphore_mem>>
    %dma_wait3A_504 = arith.constant 0 : i32
    %dma_wait3A_505 = arith.constant 0 : i32
    %dma_wait3A_506 = arith.constant 0 : i32
    %dma_wait3A_507 = tpu.memref_slice %arg4[%dma_wait3A_493, %dma_wait3A_504, %dma_wait3A_505, %dma_wait3A_506] : memref<2x1x64x512xf32, #tpu.memory_space<vmem>> -> memref<1x1x64x512xf32, #tpu.memory_space<vmem>>
    %dma_wait3A_508 = tpu.memref_squeeze %dma_wait3A_507 : memref<1x1x64x512xf32, #tpu.memory_space<vmem>> -> memref<1x64x512xf32, #tpu.memory_space<vmem>>
    %dma_wait3A_509 = arith.constant 0 : i32
    %dma_wait3A_510 = tpu.memref_slice %arg2[%select_n3A, %multiple_of3A_492, %dma_wait3A_509] : memref<16x2048x512xf32, #tpu.memory_space<hbm>> -> memref<1x64x512xf32, #tpu.memory_space<hbm>>
    tpu.wait_dma2 semaphore(%dma_wait3A_503 : memref<!tpu.dma_semaphore, #tpu.memory_space<semaphore_mem>>) src(%dma_wait3A_510 : memref<1x64x512xf32, #tpu.memory_space<hbm>>) dst(%dma_wait3A_508 : memref<1x64x512xf32, #tpu.memory_space<vmem>>)
    %mul3A_511 = arith.constant 1024 : i32
    %mul3A_512 = arith.muli %select_n3A_30, %mul3A_511 : i32
    %add3A_513 = arith.constant 320 : i32
    %add3A_514 = arith.addi %mul3A_512, %add3A_513 : i32
    %multiple_of3A_515 = tpu.assume_multiple %add3A_514, 8 : i32
    %dma_start3A_516 = arith.constant 1 : i32
    %dma_start3A_517 = arith.constant 1 : i32
    %dma_start3A_518 = arith.constant 0 : i32
    %dma_start3A_519 = arith.constant 0 : i32
    %dma_start3A_520 = arith.constant 0 : i32
    %dma_start3A_521 = tpu.memref_slice %arg4[%dma_start3A_516, %dma_start3A_518, %dma_start3A_519, %dma_start3A_520] : memref<2x1x64x512xf32, #tpu.memory_space<vmem>> -> memref<1x1x64x512xf32, #tpu.memory_space<vmem>>
    %dma_start3A_522 = tpu.memref_squeeze %dma_start3A_521 : memref<1x1x64x512xf32, #tpu.memory_space<vmem>> -> memref<1x64x512xf32, #tpu.memory_space<vmem>>
    %dma_start3A_523 = arith.constant 0 : i32
    %dma_start3A_524 = tpu.memref_slice %arg3[%select_n3A, %multiple_of3A_515, %dma_start3A_523] : memref<16x2048x512xf32, #tpu.memory_space<hbm>> -> memref<1x64x512xf32, #tpu.memory_space<hbm>>
    %dma_start3A_525 = tpu.memref_slice %arg6[%dma_start3A_517] : memref<2x!tpu.dma_semaphore, #tpu.memory_space<semaphore_mem>> -> memref<1x!tpu.dma_semaphore, #tpu.memory_space<semaphore_mem>>
    %dma_start3A_526 = tpu.memref_squeeze %dma_start3A_525 : memref<1x!tpu.dma_semaphore, #tpu.memory_space<semaphore_mem>> -> memref<!tpu.dma_semaphore, #tpu.memory_space<semaphore_mem>>
    %dma_start3A_527 = arith.constant 0 : i32
    %dma_start3A_528 = tpu.memref_slice %arg3[%select_n3A, %multiple_of3A_515, %dma_start3A_527] : memref<16x2048x512xf32, #tpu.memory_space<hbm>> -> memref<1x64x512xf32, #tpu.memory_space<hbm>>
    %dma_start3A_529 = arith.constant 0 : i32
    %dma_start3A_530 = arith.constant 0 : i32
    %dma_start3A_531 = arith.constant 0 : i32
    %dma_start3A_532 = tpu.memref_slice %arg4[%dma_start3A_516, %dma_start3A_529, %dma_start3A_530, %dma_start3A_531] : memref<2x1x64x512xf32, #tpu.memory_space<vmem>> -> memref<1x1x64x512xf32, #tpu.memory_space<vmem>>
    %dma_start3A_533 = tpu.memref_squeeze %dma_start3A_532 : memref<1x1x64x512xf32, #tpu.memory_space<vmem>> -> memref<1x64x512xf32, #tpu.memory_space<vmem>>
    tpu.enqueue_dma source(%dma_start3A_533 : memref<1x64x512xf32, #tpu.memory_space<vmem>>) target(%dma_start3A_528 : memref<1x64x512xf32, #tpu.memory_space<hbm>>) target_semaphore(%dma_start3A_526 : memref<!tpu.dma_semaphore, #tpu.memory_space<semaphore_mem>>)
    %mul3A_534 = arith.constant 1024 : i32
    %mul3A_535 = arith.muli %select_n3A_30, %mul3A_534 : i32
    %add3A_536 = arith.constant 256 : i32
    %add3A_537 = arith.addi %mul3A_535, %add3A_536 : i32
    %multiple_of3A_538 = tpu.assume_multiple %add3A_537, 8 : i32
    %dma_wait3A_539 = arith.constant 0 : i32
    %dma_wait3A_540 = arith.constant 0 : i32
    %dma_wait3A_541 = arith.constant 0 : i32
    %dma_wait3A_542 = arith.constant 0 : i32
    %dma_wait3A_543 = arith.constant 0 : i32
    %dma_wait3A_544 = tpu.memref_slice %arg4[%dma_wait3A_539, %dma_wait3A_541, %dma_wait3A_542, %dma_wait3A_543] : memref<2x1x64x512xf32, #tpu.memory_space<vmem>> -> memref<1x1x64x512xf32, #tpu.memory_space<vmem>>
    %dma_wait3A_545 = tpu.memref_squeeze %dma_wait3A_544 : memref<1x1x64x512xf32, #tpu.memory_space<vmem>> -> memref<1x64x512xf32, #tpu.memory_space<vmem>>
    %dma_wait3A_546 = arith.constant 0 : i32
    %dma_wait3A_547 = tpu.memref_slice %arg3[%select_n3A, %multiple_of3A_538, %dma_wait3A_546] : memref<16x2048x512xf32, #tpu.memory_space<hbm>> -> memref<1x64x512xf32, #tpu.memory_space<hbm>>
    %dma_wait3A_548 = tpu.memref_slice %arg6[%dma_wait3A_540] : memref<2x!tpu.dma_semaphore, #tpu.memory_space<semaphore_mem>> -> memref<1x!tpu.dma_semaphore, #tpu.memory_space<semaphore_mem>>
    %dma_wait3A_549 = tpu.memref_squeeze %dma_wait3A_548 : memref<1x!tpu.dma_semaphore, #tpu.memory_space<semaphore_mem>> -> memref<!tpu.dma_semaphore, #tpu.memory_space<semaphore_mem>>
    %dma_wait3A_550 = arith.constant 0 : i32
    %dma_wait3A_551 = tpu.memref_slice %arg3[%select_n3A, %multiple_of3A_538, %dma_wait3A_550] : memref<16x2048x512xf32, #tpu.memory_space<hbm>> -> memref<1x64x512xf32, #tpu.memory_space<hbm>>
    %dma_wait3A_552 = arith.constant 0 : i32
    %dma_wait3A_553 = arith.constant 0 : i32
    %dma_wait3A_554 = arith.constant 0 : i32
    %dma_wait3A_555 = tpu.memref_slice %arg4[%dma_wait3A_539, %dma_wait3A_552, %dma_wait3A_553, %dma_wait3A_554] : memref<2x1x64x512xf32, #tpu.memory_space<vmem>> -> memref<1x1x64x512xf32, #tpu.memory_space<vmem>>
    %dma_wait3A_556 = tpu.memref_squeeze %dma_wait3A_555 : memref<1x1x64x512xf32, #tpu.memory_space<vmem>> -> memref<1x64x512xf32, #tpu.memory_space<vmem>>
    tpu.wait_dma2 semaphore(%dma_wait3A_549 : memref<!tpu.dma_semaphore, #tpu.memory_space<semaphore_mem>>) src(%dma_wait3A_556 : memref<1x64x512xf32, #tpu.memory_space<vmem>>) dst(%dma_wait3A_551 : memref<1x64x512xf32, #tpu.memory_space<hbm>>)
    %mul3A_557 = arith.constant 1024 : i32
    %mul3A_558 = arith.muli %select_n3A_30, %mul3A_557 : i32
    %add3A_559 = arith.constant 384 : i32
    %add3A_560 = arith.addi %mul3A_558, %add3A_559 : i32
    %multiple_of3A_561 = tpu.assume_multiple %add3A_560, 8 : i32
    %dma_start3A_562 = arith.constant 0 : i32
    %dma_start3A_563 = arith.constant 0 : i32
    %dma_start3A_564 = arith.constant 0 : i32
    %dma_start3A_565 = arith.constant 0 : i32
    %dma_start3A_566 = arith.constant 0 : i32
    %dma_start3A_567 = tpu.memref_slice %arg4[%dma_start3A_562, %dma_start3A_564, %dma_start3A_565, %dma_start3A_566] : memref<2x1x64x512xf32, #tpu.memory_space<vmem>> -> memref<1x1x64x512xf32, #tpu.memory_space<vmem>>
    %dma_start3A_568 = tpu.memref_squeeze %dma_start3A_567 : memref<1x1x64x512xf32, #tpu.memory_space<vmem>> -> memref<1x64x512xf32, #tpu.memory_space<vmem>>
    %dma_start3A_569 = arith.constant 0 : i32
    %dma_start3A_570 = tpu.memref_slice %arg2[%select_n3A, %multiple_of3A_561, %dma_start3A_569] : memref<16x2048x512xf32, #tpu.memory_space<hbm>> -> memref<1x64x512xf32, #tpu.memory_space<hbm>>
    %dma_start3A_571 = tpu.memref_slice %arg5[%dma_start3A_563] : memref<2x!tpu.dma_semaphore, #tpu.memory_space<semaphore_mem>> -> memref<1x!tpu.dma_semaphore, #tpu.memory_space<semaphore_mem>>
    %dma_start3A_572 = tpu.memref_squeeze %dma_start3A_571 : memref<1x!tpu.dma_semaphore, #tpu.memory_space<semaphore_mem>> -> memref<!tpu.dma_semaphore, #tpu.memory_space<semaphore_mem>>
    %dma_start3A_573 = arith.constant 0 : i32
    %dma_start3A_574 = arith.constant 0 : i32
    %dma_start3A_575 = arith.constant 0 : i32
    %dma_start3A_576 = tpu.memref_slice %arg4[%dma_start3A_562, %dma_start3A_573, %dma_start3A_574, %dma_start3A_575] : memref<2x1x64x512xf32, #tpu.memory_space<vmem>> -> memref<1x1x64x512xf32, #tpu.memory_space<vmem>>
    %dma_start3A_577 = tpu.memref_squeeze %dma_start3A_576 : memref<1x1x64x512xf32, #tpu.memory_space<vmem>> -> memref<1x64x512xf32, #tpu.memory_space<vmem>>
    %dma_start3A_578 = arith.constant 0 : i32
    %dma_start3A_579 = tpu.memref_slice %arg2[%select_n3A, %multiple_of3A_561, %dma_start3A_578] : memref<16x2048x512xf32, #tpu.memory_space<hbm>> -> memref<1x64x512xf32, #tpu.memory_space<hbm>>
    tpu.enqueue_dma source(%dma_start3A_579 : memref<1x64x512xf32, #tpu.memory_space<hbm>>) target(%dma_start3A_577 : memref<1x64x512xf32, #tpu.memory_space<vmem>>) target_semaphore(%dma_start3A_572 : memref<!tpu.dma_semaphore, #tpu.memory_space<semaphore_mem>>)
    %mul3A_580 = arith.constant 1024 : i32
    %mul3A_581 = arith.muli %select_n3A_30, %mul3A_580 : i32
    %add3A_582 = arith.constant 384 : i32
    %add3A_583 = arith.addi %mul3A_581, %add3A_582 : i32
    %multiple_of3A_584 = tpu.assume_multiple %add3A_583, 8 : i32
    %dma_wait3A_585 = arith.constant 0 : i32
    %dma_wait3A_586 = arith.constant 0 : i32
    %dma_wait3A_587 = arith.constant 0 : i32
    %dma_wait3A_588 = arith.constant 0 : i32
    %dma_wait3A_589 = arith.constant 0 : i32
    %dma_wait3A_590 = tpu.memref_slice %arg4[%dma_wait3A_585, %dma_wait3A_587, %dma_wait3A_588, %dma_wait3A_589] : memref<2x1x64x512xf32, #tpu.memory_space<vmem>> -> memref<1x1x64x512xf32, #tpu.memory_space<vmem>>
    %dma_wait3A_591 = tpu.memref_squeeze %dma_wait3A_590 : memref<1x1x64x512xf32, #tpu.memory_space<vmem>> -> memref<1x64x512xf32, #tpu.memory_space<vmem>>
    %dma_wait3A_592 = arith.constant 0 : i32
    %dma_wait3A_593 = tpu.memref_slice %arg2[%select_n3A, %multiple_of3A_584, %dma_wait3A_592] : memref<16x2048x512xf32, #tpu.memory_space<hbm>> -> memref<1x64x512xf32, #tpu.memory_space<hbm>>
    %dma_wait3A_594 = tpu.memref_slice %arg5[%dma_wait3A_586] : memref<2x!tpu.dma_semaphore, #tpu.memory_space<semaphore_mem>> -> memref<1x!tpu.dma_semaphore, #tpu.memory_space<semaphore_mem>>
    %dma_wait3A_595 = tpu.memref_squeeze %dma_wait3A_594 : memref<1x!tpu.dma_semaphore, #tpu.memory_space<semaphore_mem>> -> memref<!tpu.dma_semaphore, #tpu.memory_space<semaphore_mem>>
    %dma_wait3A_596 = arith.constant 0 : i32
    %dma_wait3A_597 = arith.constant 0 : i32
    %dma_wait3A_598 = arith.constant 0 : i32
    %dma_wait3A_599 = tpu.memref_slice %arg4[%dma_wait3A_585, %dma_wait3A_596, %dma_wait3A_597, %dma_wait3A_598] : memref<2x1x64x512xf32, #tpu.memory_space<vmem>> -> memref<1x1x64x512xf32, #tpu.memory_space<vmem>>
    %dma_wait3A_600 = tpu.memref_squeeze %dma_wait3A_599 : memref<1x1x64x512xf32, #tpu.memory_space<vmem>> -> memref<1x64x512xf32, #tpu.memory_space<vmem>>
    %dma_wait3A_601 = arith.constant 0 : i32
    %dma_wait3A_602 = tpu.memref_slice %arg2[%select_n3A, %multiple_of3A_584, %dma_wait3A_601] : memref<16x2048x512xf32, #tpu.memory_space<hbm>> -> memref<1x64x512xf32, #tpu.memory_space<hbm>>
    tpu.wait_dma2 semaphore(%dma_wait3A_595 : memref<!tpu.dma_semaphore, #tpu.memory_space<semaphore_mem>>) src(%dma_wait3A_602 : memref<1x64x512xf32, #tpu.memory_space<hbm>>) dst(%dma_wait3A_600 : memref<1x64x512xf32, #tpu.memory_space<vmem>>)
    %mul3A_603 = arith.constant 1024 : i32
    %mul3A_604 = arith.muli %select_n3A_30, %mul3A_603 : i32
    %add3A_605 = arith.constant 384 : i32
    %add3A_606 = arith.addi %mul3A_604, %add3A_605 : i32
    %multiple_of3A_607 = tpu.assume_multiple %add3A_606, 8 : i32
    %dma_start3A_608 = arith.constant 0 : i32
    %dma_start3A_609 = arith.constant 0 : i32
    %dma_start3A_610 = arith.constant 0 : i32
    %dma_start3A_611 = arith.constant 0 : i32
    %dma_start3A_612 = arith.constant 0 : i32
    %dma_start3A_613 = tpu.memref_slice %arg4[%dma_start3A_608, %dma_start3A_610, %dma_start3A_611, %dma_start3A_612] : memref<2x1x64x512xf32, #tpu.memory_space<vmem>> -> memref<1x1x64x512xf32, #tpu.memory_space<vmem>>
    %dma_start3A_614 = tpu.memref_squeeze %dma_start3A_613 : memref<1x1x64x512xf32, #tpu.memory_space<vmem>> -> memref<1x64x512xf32, #tpu.memory_space<vmem>>
    %dma_start3A_615 = arith.constant 0 : i32
    %dma_start3A_616 = tpu.memref_slice %arg3[%select_n3A, %multiple_of3A_607, %dma_start3A_615] : memref<16x2048x512xf32, #tpu.memory_space<hbm>> -> memref<1x64x512xf32, #tpu.memory_space<hbm>>
    %dma_start3A_617 = tpu.memref_slice %arg6[%dma_start3A_609] : memref<2x!tpu.dma_semaphore, #tpu.memory_space<semaphore_mem>> -> memref<1x!tpu.dma_semaphore, #tpu.memory_space<semaphore_mem>>
    %dma_start3A_618 = tpu.memref_squeeze %dma_start3A_617 : memref<1x!tpu.dma_semaphore, #tpu.memory_space<semaphore_mem>> -> memref<!tpu.dma_semaphore, #tpu.memory_space<semaphore_mem>>
    %dma_start3A_619 = arith.constant 0 : i32
    %dma_start3A_620 = tpu.memref_slice %arg3[%select_n3A, %multiple_of3A_607, %dma_start3A_619] : memref<16x2048x512xf32, #tpu.memory_space<hbm>> -> memref<1x64x512xf32, #tpu.memory_space<hbm>>
    %dma_start3A_621 = arith.constant 0 : i32
    %dma_start3A_622 = arith.constant 0 : i32
    %dma_start3A_623 = arith.constant 0 : i32
    %dma_start3A_624 = tpu.memref_slice %arg4[%dma_start3A_608, %dma_start3A_621, %dma_start3A_622, %dma_start3A_623] : memref<2x1x64x512xf32, #tpu.memory_space<vmem>> -> memref<1x1x64x512xf32, #tpu.memory_space<vmem>>
    %dma_start3A_625 = tpu.memref_squeeze %dma_start3A_624 : memref<1x1x64x512xf32, #tpu.memory_space<vmem>> -> memref<1x64x512xf32, #tpu.memory_space<vmem>>
    tpu.enqueue_dma source(%dma_start3A_625 : memref<1x64x512xf32, #tpu.memory_space<vmem>>) target(%dma_start3A_620 : memref<1x64x512xf32, #tpu.memory_space<hbm>>) target_semaphore(%dma_start3A_618 : memref<!tpu.dma_semaphore, #tpu.memory_space<semaphore_mem>>)
    %mul3A_626 = arith.constant 1024 : i32
    %mul3A_627 = arith.muli %select_n3A_30, %mul3A_626 : i32
    %add3A_628 = arith.constant 320 : i32
    %add3A_629 = arith.addi %mul3A_627, %add3A_628 : i32
    %multiple_of3A_630 = tpu.assume_multiple %add3A_629, 8 : i32
    %dma_wait3A_631 = arith.constant 1 : i32
    %dma_wait3A_632 = arith.constant 1 : i32
    %dma_wait3A_633 = arith.constant 0 : i32
    %dma_wait3A_634 = arith.constant 0 : i32
    %dma_wait3A_635 = arith.constant 0 : i32
    %dma_wait3A_636 = tpu.memref_slice %arg4[%dma_wait3A_631, %dma_wait3A_633, %dma_wait3A_634, %dma_wait3A_635] : memref<2x1x64x512xf32, #tpu.memory_space<vmem>> -> memref<1x1x64x512xf32, #tpu.memory_space<vmem>>
    %dma_wait3A_637 = tpu.memref_squeeze %dma_wait3A_636 : memref<1x1x64x512xf32, #tpu.memory_space<vmem>> -> memref<1x64x512xf32, #tpu.memory_space<vmem>>
    %dma_wait3A_638 = arith.constant 0 : i32
    %dma_wait3A_639 = tpu.memref_slice %arg3[%select_n3A, %multiple_of3A_630, %dma_wait3A_638] : memref<16x2048x512xf32, #tpu.memory_space<hbm>> -> memref<1x64x512xf32, #tpu.memory_space<hbm>>
    %dma_wait3A_640 = tpu.memref_slice %arg6[%dma_wait3A_632] : memref<2x!tpu.dma_semaphore, #tpu.memory_space<semaphore_mem>> -> memref<1x!tpu.dma_semaphore, #tpu.memory_space<semaphore_mem>>
    %dma_wait3A_641 = tpu.memref_squeeze %dma_wait3A_640 : memref<1x!tpu.dma_semaphore, #tpu.memory_space<semaphore_mem>> -> memref<!tpu.dma_semaphore, #tpu.memory_space<semaphore_mem>>
    %dma_wait3A_642 = arith.constant 0 : i32
    %dma_wait3A_643 = tpu.memref_slice %arg3[%select_n3A, %multiple_of3A_630, %dma_wait3A_642] : memref<16x2048x512xf32, #tpu.memory_space<hbm>> -> memref<1x64x512xf32, #tpu.memory_space<hbm>>
    %dma_wait3A_644 = arith.constant 0 : i32
    %dma_wait3A_645 = arith.constant 0 : i32
    %dma_wait3A_646 = arith.constant 0 : i32
    %dma_wait3A_647 = tpu.memref_slice %arg4[%dma_wait3A_631, %dma_wait3A_644, %dma_wait3A_645, %dma_wait3A_646] : memref<2x1x64x512xf32, #tpu.memory_space<vmem>> -> memref<1x1x64x512xf32, #tpu.memory_space<vmem>>
    %dma_wait3A_648 = tpu.memref_squeeze %dma_wait3A_647 : memref<1x1x64x512xf32, #tpu.memory_space<vmem>> -> memref<1x64x512xf32, #tpu.memory_space<vmem>>
    tpu.wait_dma2 semaphore(%dma_wait3A_641 : memref<!tpu.dma_semaphore, #tpu.memory_space<semaphore_mem>>) src(%dma_wait3A_648 : memref<1x64x512xf32, #tpu.memory_space<vmem>>) dst(%dma_wait3A_643 : memref<1x64x512xf32, #tpu.memory_space<hbm>>)
    %mul3A_649 = arith.constant 1024 : i32
    %mul3A_650 = arith.muli %select_n3A_30, %mul3A_649 : i32
    %add3A_651 = arith.constant 448 : i32
    %add3A_652 = arith.addi %mul3A_650, %add3A_651 : i32
    %multiple_of3A_653 = tpu.assume_multiple %add3A_652, 8 : i32
    %dma_start3A_654 = arith.constant 1 : i32
    %dma_start3A_655 = arith.constant 1 : i32
    %dma_start3A_656 = arith.constant 0 : i32
    %dma_start3A_657 = arith.constant 0 : i32
    %dma_start3A_658 = arith.constant 0 : i32
    %dma_start3A_659 = tpu.memref_slice %arg4[%dma_start3A_654, %dma_start3A_656, %dma_start3A_657, %dma_start3A_658] : memref<2x1x64x512xf32, #tpu.memory_space<vmem>> -> memref<1x1x64x512xf32, #tpu.memory_space<vmem>>
    %dma_start3A_660 = tpu.memref_squeeze %dma_start3A_659 : memref<1x1x64x512xf32, #tpu.memory_space<vmem>> -> memref<1x64x512xf32, #tpu.memory_space<vmem>>
    %dma_start3A_661 = arith.constant 0 : i32
    %dma_start3A_662 = tpu.memref_slice %arg2[%select_n3A, %multiple_of3A_653, %dma_start3A_661] : memref<16x2048x512xf32, #tpu.memory_space<hbm>> -> memref<1x64x512xf32, #tpu.memory_space<hbm>>
    %dma_start3A_663 = tpu.memref_slice %arg5[%dma_start3A_655] : memref<2x!tpu.dma_semaphore, #tpu.memory_space<semaphore_mem>> -> memref<1x!tpu.dma_semaphore, #tpu.memory_space<semaphore_mem>>
    %dma_start3A_664 = tpu.memref_squeeze %dma_start3A_663 : memref<1x!tpu.dma_semaphore, #tpu.memory_space<semaphore_mem>> -> memref<!tpu.dma_semaphore, #tpu.memory_space<semaphore_mem>>
    %dma_start3A_665 = arith.constant 0 : i32
    %dma_start3A_666 = arith.constant 0 : i32
    %dma_start3A_667 = arith.constant 0 : i32
    %dma_start3A_668 = tpu.memref_slice %arg4[%dma_start3A_654, %dma_start3A_665, %dma_start3A_666, %dma_start3A_667] : memref<2x1x64x512xf32, #tpu.memory_space<vmem>> -> memref<1x1x64x512xf32, #tpu.memory_space<vmem>>
    %dma_start3A_669 = tpu.memref_squeeze %dma_start3A_668 : memref<1x1x64x512xf32, #tpu.memory_space<vmem>> -> memref<1x64x512xf32, #tpu.memory_space<vmem>>
    %dma_start3A_670 = arith.constant 0 : i32
    %dma_start3A_671 = tpu.memref_slice %arg2[%select_n3A, %multiple_of3A_653, %dma_start3A_670] : memref<16x2048x512xf32, #tpu.memory_space<hbm>> -> memref<1x64x512xf32, #tpu.memory_space<hbm>>
    tpu.enqueue_dma source(%dma_start3A_671 : memref<1x64x512xf32, #tpu.memory_space<hbm>>) target(%dma_start3A_669 : memref<1x64x512xf32, #tpu.memory_space<vmem>>) target_semaphore(%dma_start3A_664 : memref<!tpu.dma_semaphore, #tpu.memory_space<semaphore_mem>>)
    %mul3A_672 = arith.constant 1024 : i32
    %mul3A_673 = arith.muli %select_n3A_30, %mul3A_672 : i32
    %add3A_674 = arith.constant 448 : i32
    %add3A_675 = arith.addi %mul3A_673, %add3A_674 : i32
    %multiple_of3A_676 = tpu.assume_multiple %add3A_675, 8 : i32
    %dma_wait3A_677 = arith.constant 1 : i32
    %dma_wait3A_678 = arith.constant 1 : i32
    %dma_wait3A_679 = arith.constant 0 : i32
    %dma_wait3A_680 = arith.constant 0 : i32
    %dma_wait3A_681 = arith.constant 0 : i32
    %dma_wait3A_682 = tpu.memref_slice %arg4[%dma_wait3A_677, %dma_wait3A_679, %dma_wait3A_680, %dma_wait3A_681] : memref<2x1x64x512xf32, #tpu.memory_space<vmem>> -> memref<1x1x64x512xf32, #tpu.memory_space<vmem>>
    %dma_wait3A_683 = tpu.memref_squeeze %dma_wait3A_682 : memref<1x1x64x512xf32, #tpu.memory_space<vmem>> -> memref<1x64x512xf32, #tpu.memory_space<vmem>>
    %dma_wait3A_684 = arith.constant 0 : i32
    %dma_wait3A_685 = tpu.memref_slice %arg2[%select_n3A, %multiple_of3A_676, %dma_wait3A_684] : memref<16x2048x512xf32, #tpu.memory_space<hbm>> -> memref<1x64x512xf32, #tpu.memory_space<hbm>>
    %dma_wait3A_686 = tpu.memref_slice %arg5[%dma_wait3A_678] : memref<2x!tpu.dma_semaphore, #tpu.memory_space<semaphore_mem>> -> memref<1x!tpu.dma_semaphore, #tpu.memory_space<semaphore_mem>>
    %dma_wait3A_687 = tpu.memref_squeeze %dma_wait3A_686 : memref<1x!tpu.dma_semaphore, #tpu.memory_space<semaphore_mem>> -> memref<!tpu.dma_semaphore, #tpu.memory_space<semaphore_mem>>
    %dma_wait3A_688 = arith.constant 0 : i32
    %dma_wait3A_689 = arith.constant 0 : i32
    %dma_wait3A_690 = arith.constant 0 : i32
    %dma_wait3A_691 = tpu.memref_slice %arg4[%dma_wait3A_677, %dma_wait3A_688, %dma_wait3A_689, %dma_wait3A_690] : memref<2x1x64x512xf32, #tpu.memory_space<vmem>> -> memref<1x1x64x512xf32, #tpu.memory_space<vmem>>
    %dma_wait3A_692 = tpu.memref_squeeze %dma_wait3A_691 : memref<1x1x64x512xf32, #tpu.memory_space<vmem>> -> memref<1x64x512xf32, #tpu.memory_space<vmem>>
    %dma_wait3A_693 = arith.constant 0 : i32
    %dma_wait3A_694 = tpu.memref_slice %arg2[%select_n3A, %multiple_of3A_676, %dma_wait3A_693] : memref<16x2048x512xf32, #tpu.memory_space<hbm>> -> memref<1x64x512xf32, #tpu.memory_space<hbm>>
    tpu.wait_dma2 semaphore(%dma_wait3A_687 : memref<!tpu.dma_semaphore, #tpu.memory_space<semaphore_mem>>) src(%dma_wait3A_694 : memref<1x64x512xf32, #tpu.memory_space<hbm>>) dst(%dma_wait3A_692 : memref<1x64x512xf32, #tpu.memory_space<vmem>>)
    %mul3A_695 = arith.constant 1024 : i32
    %mul3A_696 = arith.muli %select_n3A_30, %mul3A_695 : i32
    %add3A_697 = arith.constant 448 : i32
    %add3A_698 = arith.addi %mul3A_696, %add3A_697 : i32
    %multiple_of3A_699 = tpu.assume_multiple %add3A_698, 8 : i32
    %dma_start3A_700 = arith.constant 1 : i32
    %dma_start3A_701 = arith.constant 1 : i32
    %dma_start3A_702 = arith.constant 0 : i32
    %dma_start3A_703 = arith.constant 0 : i32
    %dma_start3A_704 = arith.constant 0 : i32
    %dma_start3A_705 = tpu.memref_slice %arg4[%dma_start3A_700, %dma_start3A_702, %dma_start3A_703, %dma_start3A_704] : memref<2x1x64x512xf32, #tpu.memory_space<vmem>> -> memref<1x1x64x512xf32, #tpu.memory_space<vmem>>
    %dma_start3A_706 = tpu.memref_squeeze %dma_start3A_705 : memref<1x1x64x512xf32, #tpu.memory_space<vmem>> -> memref<1x64x512xf32, #tpu.memory_space<vmem>>
    %dma_start3A_707 = arith.constant 0 : i32
    %dma_start3A_708 = tpu.memref_slice %arg3[%select_n3A, %multiple_of3A_699, %dma_start3A_707] : memref<16x2048x512xf32, #tpu.memory_space<hbm>> -> memref<1x64x512xf32, #tpu.memory_space<hbm>>
    %dma_start3A_709 = tpu.memref_slice %arg6[%dma_start3A_701] : memref<2x!tpu.dma_semaphore, #tpu.memory_space<semaphore_mem>> -> memref<1x!tpu.dma_semaphore, #tpu.memory_space<semaphore_mem>>
    %dma_start3A_710 = tpu.memref_squeeze %dma_start3A_709 : memref<1x!tpu.dma_semaphore, #tpu.memory_space<semaphore_mem>> -> memref<!tpu.dma_semaphore, #tpu.memory_space<semaphore_mem>>
    %dma_start3A_711 = arith.constant 0 : i32
    %dma_start3A_712 = tpu.memref_slice %arg3[%select_n3A, %multiple_of3A_699, %dma_start3A_711] : memref<16x2048x512xf32, #tpu.memory_space<hbm>> -> memref<1x64x512xf32, #tpu.memory_space<hbm>>
    %dma_start3A_713 = arith.constant 0 : i32
    %dma_start3A_714 = arith.constant 0 : i32
    %dma_start3A_715 = arith.constant 0 : i32
    %dma_start3A_716 = tpu.memref_slice %arg4[%dma_start3A_700, %dma_start3A_713, %dma_start3A_714, %dma_start3A_715] : memref<2x1x64x512xf32, #tpu.memory_space<vmem>> -> memref<1x1x64x512xf32, #tpu.memory_space<vmem>>
    %dma_start3A_717 = tpu.memref_squeeze %dma_start3A_716 : memref<1x1x64x512xf32, #tpu.memory_space<vmem>> -> memref<1x64x512xf32, #tpu.memory_space<vmem>>
    tpu.enqueue_dma source(%dma_start3A_717 : memref<1x64x512xf32, #tpu.memory_space<vmem>>) target(%dma_start3A_712 : memref<1x64x512xf32, #tpu.memory_space<hbm>>) target_semaphore(%dma_start3A_710 : memref<!tpu.dma_semaphore, #tpu.memory_space<semaphore_mem>>)
    %mul3A_718 = arith.constant 1024 : i32
    %mul3A_719 = arith.muli %select_n3A_30, %mul3A_718 : i32
    %add3A_720 = arith.constant 384 : i32
    %add3A_721 = arith.addi %mul3A_719, %add3A_720 : i32
    %multiple_of3A_722 = tpu.assume_multiple %add3A_721, 8 : i32
    %dma_wait3A_723 = arith.constant 0 : i32
    %dma_wait3A_724 = arith.constant 0 : i32
    %dma_wait3A_725 = arith.constant 0 : i32
    %dma_wait3A_726 = arith.constant 0 : i32
    %dma_wait3A_727 = arith.constant 0 : i32
    %dma_wait3A_728 = tpu.memref_slice %arg4[%dma_wait3A_723, %dma_wait3A_725, %dma_wait3A_726, %dma_wait3A_727] : memref<2x1x64x512xf32, #tpu.memory_space<vmem>> -> memref<1x1x64x512xf32, #tpu.memory_space<vmem>>
    %dma_wait3A_729 = tpu.memref_squeeze %dma_wait3A_728 : memref<1x1x64x512xf32, #tpu.memory_space<vmem>> -> memref<1x64x512xf32, #tpu.memory_space<vmem>>
    %dma_wait3A_730 = arith.constant 0 : i32
    %dma_wait3A_731 = tpu.memref_slice %arg3[%select_n3A, %multiple_of3A_722, %dma_wait3A_730] : memref<16x2048x512xf32, #tpu.memory_space<hbm>> -> memref<1x64x512xf32, #tpu.memory_space<hbm>>
    %dma_wait3A_732 = tpu.memref_slice %arg6[%dma_wait3A_724] : memref<2x!tpu.dma_semaphore, #tpu.memory_space<semaphore_mem>> -> memref<1x!tpu.dma_semaphore, #tpu.memory_space<semaphore_mem>>
    %dma_wait3A_733 = tpu.memref_squeeze %dma_wait3A_732 : memref<1x!tpu.dma_semaphore, #tpu.memory_space<semaphore_mem>> -> memref<!tpu.dma_semaphore, #tpu.memory_space<semaphore_mem>>
    %dma_wait3A_734 = arith.constant 0 : i32
    %dma_wait3A_735 = tpu.memref_slice %arg3[%select_n3A, %multiple_of3A_722, %dma_wait3A_734] : memref<16x2048x512xf32, #tpu.memory_space<hbm>> -> memref<1x64x512xf32, #tpu.memory_space<hbm>>
    %dma_wait3A_736 = arith.constant 0 : i32
    %dma_wait3A_737 = arith.constant 0 : i32
    %dma_wait3A_738 = arith.constant 0 : i32
    %dma_wait3A_739 = tpu.memref_slice %arg4[%dma_wait3A_723, %dma_wait3A_736, %dma_wait3A_737, %dma_wait3A_738] : memref<2x1x64x512xf32, #tpu.memory_space<vmem>> -> memref<1x1x64x512xf32, #tpu.memory_space<vmem>>
    %dma_wait3A_740 = tpu.memref_squeeze %dma_wait3A_739 : memref<1x1x64x512xf32, #tpu.memory_space<vmem>> -> memref<1x64x512xf32, #tpu.memory_space<vmem>>
    tpu.wait_dma2 semaphore(%dma_wait3A_733 : memref<!tpu.dma_semaphore, #tpu.memory_space<semaphore_mem>>) src(%dma_wait3A_740 : memref<1x64x512xf32, #tpu.memory_space<vmem>>) dst(%dma_wait3A_735 : memref<1x64x512xf32, #tpu.memory_space<hbm>>)
    %mul3A_741 = arith.constant 1024 : i32
    %mul3A_742 = arith.muli %select_n3A_30, %mul3A_741 : i32
    %add3A_743 = arith.constant 512 : i32
    %add3A_744 = arith.addi %mul3A_742, %add3A_743 : i32
    %multiple_of3A_745 = tpu.assume_multiple %add3A_744, 8 : i32
    %dma_start3A_746 = arith.constant 0 : i32
    %dma_start3A_747 = arith.constant 0 : i32
    %dma_start3A_748 = arith.constant 0 : i32
    %dma_start3A_749 = arith.constant 0 : i32
    %dma_start3A_750 = arith.constant 0 : i32
    %dma_start3A_751 = tpu.memref_slice %arg4[%dma_start3A_746, %dma_start3A_748, %dma_start3A_749, %dma_start3A_750] : memref<2x1x64x512xf32, #tpu.memory_space<vmem>> -> memref<1x1x64x512xf32, #tpu.memory_space<vmem>>
    %dma_start3A_752 = tpu.memref_squeeze %dma_start3A_751 : memref<1x1x64x512xf32, #tpu.memory_space<vmem>> -> memref<1x64x512xf32, #tpu.memory_space<vmem>>
    %dma_start3A_753 = arith.constant 0 : i32
    %dma_start3A_754 = tpu.memref_slice %arg2[%select_n3A, %multiple_of3A_745, %dma_start3A_753] : memref<16x2048x512xf32, #tpu.memory_space<hbm>> -> memref<1x64x512xf32, #tpu.memory_space<hbm>>
    %dma_start3A_755 = tpu.memref_slice %arg5[%dma_start3A_747] : memref<2x!tpu.dma_semaphore, #tpu.memory_space<semaphore_mem>> -> memref<1x!tpu.dma_semaphore, #tpu.memory_space<semaphore_mem>>
    %dma_start3A_756 = tpu.memref_squeeze %dma_start3A_755 : memref<1x!tpu.dma_semaphore, #tpu.memory_space<semaphore_mem>> -> memref<!tpu.dma_semaphore, #tpu.memory_space<semaphore_mem>>
    %dma_start3A_757 = arith.constant 0 : i32
    %dma_start3A_758 = arith.constant 0 : i32
    %dma_start3A_759 = arith.constant 0 : i32
    %dma_start3A_760 = tpu.memref_slice %arg4[%dma_start3A_746, %dma_start3A_757, %dma_start3A_758, %dma_start3A_759] : memref<2x1x64x512xf32, #tpu.memory_space<vmem>> -> memref<1x1x64x512xf32, #tpu.memory_space<vmem>>
    %dma_start3A_761 = tpu.memref_squeeze %dma_start3A_760 : memref<1x1x64x512xf32, #tpu.memory_space<vmem>> -> memref<1x64x512xf32, #tpu.memory_space<vmem>>
    %dma_start3A_762 = arith.constant 0 : i32
    %dma_start3A_763 = tpu.memref_slice %arg2[%select_n3A, %multiple_of3A_745, %dma_start3A_762] : memref<16x2048x512xf32, #tpu.memory_space<hbm>> -> memref<1x64x512xf32, #tpu.memory_space<hbm>>
    tpu.enqueue_dma source(%dma_start3A_763 : memref<1x64x512xf32, #tpu.memory_space<hbm>>) target(%dma_start3A_761 : memref<1x64x512xf32, #tpu.memory_space<vmem>>) target_semaphore(%dma_start3A_756 : memref<!tpu.dma_semaphore, #tpu.memory_space<semaphore_mem>>)
    %mul3A_764 = arith.constant 1024 : i32
    %mul3A_765 = arith.muli %select_n3A_30, %mul3A_764 : i32
    %add3A_766 = arith.constant 512 : i32
    %add3A_767 = arith.addi %mul3A_765, %add3A_766 : i32
    %multiple_of3A_768 = tpu.assume_multiple %add3A_767, 8 : i32
    %dma_wait3A_769 = arith.constant 0 : i32
    %dma_wait3A_770 = arith.constant 0 : i32
    %dma_wait3A_771 = arith.constant 0 : i32
    %dma_wait3A_772 = arith.constant 0 : i32
    %dma_wait3A_773 = arith.constant 0 : i32
    %dma_wait3A_774 = tpu.memref_slice %arg4[%dma_wait3A_769, %dma_wait3A_771, %dma_wait3A_772, %dma_wait3A_773] : memref<2x1x64x512xf32, #tpu.memory_space<vmem>> -> memref<1x1x64x512xf32, #tpu.memory_space<vmem>>
    %dma_wait3A_775 = tpu.memref_squeeze %dma_wait3A_774 : memref<1x1x64x512xf32, #tpu.memory_space<vmem>> -> memref<1x64x512xf32, #tpu.memory_space<vmem>>
    %dma_wait3A_776 = arith.constant 0 : i32
    %dma_wait3A_777 = tpu.memref_slice %arg2[%select_n3A, %multiple_of3A_768, %dma_wait3A_776] : memref<16x2048x512xf32, #tpu.memory_space<hbm>> -> memref<1x64x512xf32, #tpu.memory_space<hbm>>
    %dma_wait3A_778 = tpu.memref_slice %arg5[%dma_wait3A_770] : memref<2x!tpu.dma_semaphore, #tpu.memory_space<semaphore_mem>> -> memref<1x!tpu.dma_semaphore, #tpu.memory_space<semaphore_mem>>
    %dma_wait3A_779 = tpu.memref_squeeze %dma_wait3A_778 : memref<1x!tpu.dma_semaphore, #tpu.memory_space<semaphore_mem>> -> memref<!tpu.dma_semaphore, #tpu.memory_space<semaphore_mem>>
    %dma_wait3A_780 = arith.constant 0 : i32
    %dma_wait3A_781 = arith.constant 0 : i32
    %dma_wait3A_782 = arith.constant 0 : i32
    %dma_wait3A_783 = tpu.memref_slice %arg4[%dma_wait3A_769, %dma_wait3A_780, %dma_wait3A_781, %dma_wait3A_782] : memref<2x1x64x512xf32, #tpu.memory_space<vmem>> -> memref<1x1x64x512xf32, #tpu.memory_space<vmem>>
    %dma_wait3A_784 = tpu.memref_squeeze %dma_wait3A_783 : memref<1x1x64x512xf32, #tpu.memory_space<vmem>> -> memref<1x64x512xf32, #tpu.memory_space<vmem>>
    %dma_wait3A_785 = arith.constant 0 : i32
    %dma_wait3A_786 = tpu.memref_slice %arg2[%select_n3A, %multiple_of3A_768, %dma_wait3A_785] : memref<16x2048x512xf32, #tpu.memory_space<hbm>> -> memref<1x64x512xf32, #tpu.memory_space<hbm>>
    tpu.wait_dma2 semaphore(%dma_wait3A_779 : memref<!tpu.dma_semaphore, #tpu.memory_space<semaphore_mem>>) src(%dma_wait3A_786 : memref<1x64x512xf32, #tpu.memory_space<hbm>>) dst(%dma_wait3A_784 : memref<1x64x512xf32, #tpu.memory_space<vmem>>)
    %mul3A_787 = arith.constant 1024 : i32
    %mul3A_788 = arith.muli %select_n3A_30, %mul3A_787 : i32
    %add3A_789 = arith.constant 512 : i32
    %add3A_790 = arith.addi %mul3A_788, %add3A_789 : i32
    %multiple_of3A_791 = tpu.assume_multiple %add3A_790, 8 : i32
    %dma_start3A_792 = arith.constant 0 : i32
    %dma_start3A_793 = arith.constant 0 : i32
    %dma_start3A_794 = arith.constant 0 : i32
    %dma_start3A_795 = arith.constant 0 : i32
    %dma_start3A_796 = arith.constant 0 : i32
    %dma_start3A_797 = tpu.memref_slice %arg4[%dma_start3A_792, %dma_start3A_794, %dma_start3A_795, %dma_start3A_796] : memref<2x1x64x512xf32, #tpu.memory_space<vmem>> -> memref<1x1x64x512xf32, #tpu.memory_space<vmem>>
    %dma_start3A_798 = tpu.memref_squeeze %dma_start3A_797 : memref<1x1x64x512xf32, #tpu.memory_space<vmem>> -> memref<1x64x512xf32, #tpu.memory_space<vmem>>
    %dma_start3A_799 = arith.constant 0 : i32
    %dma_start3A_800 = tpu.memref_slice %arg3[%select_n3A, %multiple_of3A_791, %dma_start3A_799] : memref<16x2048x512xf32, #tpu.memory_space<hbm>> -> memref<1x64x512xf32, #tpu.memory_space<hbm>>
    %dma_start3A_801 = tpu.memref_slice %arg6[%dma_start3A_793] : memref<2x!tpu.dma_semaphore, #tpu.memory_space<semaphore_mem>> -> memref<1x!tpu.dma_semaphore, #tpu.memory_space<semaphore_mem>>
    %dma_start3A_802 = tpu.memref_squeeze %dma_start3A_801 : memref<1x!tpu.dma_semaphore, #tpu.memory_space<semaphore_mem>> -> memref<!tpu.dma_semaphore, #tpu.memory_space<semaphore_mem>>
    %dma_start3A_803 = arith.constant 0 : i32
    %dma_start3A_804 = tpu.memref_slice %arg3[%select_n3A, %multiple_of3A_791, %dma_start3A_803] : memref<16x2048x512xf32, #tpu.memory_space<hbm>> -> memref<1x64x512xf32, #tpu.memory_space<hbm>>
    %dma_start3A_805 = arith.constant 0 : i32
    %dma_start3A_806 = arith.constant 0 : i32
    %dma_start3A_807 = arith.constant 0 : i32
    %dma_start3A_808 = tpu.memref_slice %arg4[%dma_start3A_792, %dma_start3A_805, %dma_start3A_806, %dma_start3A_807] : memref<2x1x64x512xf32, #tpu.memory_space<vmem>> -> memref<1x1x64x512xf32, #tpu.memory_space<vmem>>
    %dma_start3A_809 = tpu.memref_squeeze %dma_start3A_808 : memref<1x1x64x512xf32, #tpu.memory_space<vmem>> -> memref<1x64x512xf32, #tpu.memory_space<vmem>>
    tpu.enqueue_dma source(%dma_start3A_809 : memref<1x64x512xf32, #tpu.memory_space<vmem>>) target(%dma_start3A_804 : memref<1x64x512xf32, #tpu.memory_space<hbm>>) target_semaphore(%dma_start3A_802 : memref<!tpu.dma_semaphore, #tpu.memory_space<semaphore_mem>>)
    %mul3A_810 = arith.constant 1024 : i32
    %mul3A_811 = arith.muli %select_n3A_30, %mul3A_810 : i32
    %add3A_812 = arith.constant 448 : i32
    %add3A_813 = arith.addi %mul3A_811, %add3A_812 : i32
    %multiple_of3A_814 = tpu.assume_multiple %add3A_813, 8 : i32
    %dma_wait3A_815 = arith.constant 1 : i32
    %dma_wait3A_816 = arith.constant 1 : i32
    %dma_wait3A_817 = arith.constant 0 : i32
    %dma_wait3A_818 = arith.constant 0 : i32
    %dma_wait3A_819 = arith.constant 0 : i32
    %dma_wait3A_820 = tpu.memref_slice %arg4[%dma_wait3A_815, %dma_wait3A_817, %dma_wait3A_818, %dma_wait3A_819] : memref<2x1x64x512xf32, #tpu.memory_space<vmem>> -> memref<1x1x64x512xf32, #tpu.memory_space<vmem>>
    %dma_wait3A_821 = tpu.memref_squeeze %dma_wait3A_820 : memref<1x1x64x512xf32, #tpu.memory_space<vmem>> -> memref<1x64x512xf32, #tpu.memory_space<vmem>>
    %dma_wait3A_822 = arith.constant 0 : i32
    %dma_wait3A_823 = tpu.memref_slice %arg3[%select_n3A, %multiple_of3A_814, %dma_wait3A_822] : memref<16x2048x512xf32, #tpu.memory_space<hbm>> -> memref<1x64x512xf32, #tpu.memory_space<hbm>>
    %dma_wait3A_824 = tpu.memref_slice %arg6[%dma_wait3A_816] : memref<2x!tpu.dma_semaphore, #tpu.memory_space<semaphore_mem>> -> memref<1x!tpu.dma_semaphore, #tpu.memory_space<semaphore_mem>>
    %dma_wait3A_825 = tpu.memref_squeeze %dma_wait3A_824 : memref<1x!tpu.dma_semaphore, #tpu.memory_space<semaphore_mem>> -> memref<!tpu.dma_semaphore, #tpu.memory_space<semaphore_mem>>
    %dma_wait3A_826 = arith.constant 0 : i32
    %dma_wait3A_827 = tpu.memref_slice %arg3[%select_n3A, %multiple_of3A_814, %dma_wait3A_826] : memref<16x2048x512xf32, #tpu.memory_space<hbm>> -> memref<1x64x512xf32, #tpu.memory_space<hbm>>
    %dma_wait3A_828 = arith.constant 0 : i32
    %dma_wait3A_829 = arith.constant 0 : i32
    %dma_wait3A_830 = arith.constant 0 : i32
    %dma_wait3A_831 = tpu.memref_slice %arg4[%dma_wait3A_815, %dma_wait3A_828, %dma_wait3A_829, %dma_wait3A_830] : memref<2x1x64x512xf32, #tpu.memory_space<vmem>> -> memref<1x1x64x512xf32, #tpu.memory_space<vmem>>
    %dma_wait3A_832 = tpu.memref_squeeze %dma_wait3A_831 : memref<1x1x64x512xf32, #tpu.memory_space<vmem>> -> memref<1x64x512xf32, #tpu.memory_space<vmem>>
    tpu.wait_dma2 semaphore(%dma_wait3A_825 : memref<!tpu.dma_semaphore, #tpu.memory_space<semaphore_mem>>) src(%dma_wait3A_832 : memref<1x64x512xf32, #tpu.memory_space<vmem>>) dst(%dma_wait3A_827 : memref<1x64x512xf32, #tpu.memory_space<hbm>>)
    %mul3A_833 = arith.constant 1024 : i32
    %mul3A_834 = arith.muli %select_n3A_30, %mul3A_833 : i32
    %add3A_835 = arith.constant 576 : i32
    %add3A_836 = arith.addi %mul3A_834, %add3A_835 : i32
    %multiple_of3A_837 = tpu.assume_multiple %add3A_836, 8 : i32
    %dma_start3A_838 = arith.constant 1 : i32
    %dma_start3A_839 = arith.constant 1 : i32
    %dma_start3A_840 = arith.constant 0 : i32
    %dma_start3A_841 = arith.constant 0 : i32
    %dma_start3A_842 = arith.constant 0 : i32
    %dma_start3A_843 = tpu.memref_slice %arg4[%dma_start3A_838, %dma_start3A_840, %dma_start3A_841, %dma_start3A_842] : memref<2x1x64x512xf32, #tpu.memory_space<vmem>> -> memref<1x1x64x512xf32, #tpu.memory_space<vmem>>
    %dma_start3A_844 = tpu.memref_squeeze %dma_start3A_843 : memref<1x1x64x512xf32, #tpu.memory_space<vmem>> -> memref<1x64x512xf32, #tpu.memory_space<vmem>>
    %dma_start3A_845 = arith.constant 0 : i32
    %dma_start3A_846 = tpu.memref_slice %arg2[%select_n3A, %multiple_of3A_837, %dma_start3A_845] : memref<16x2048x512xf32, #tpu.memory_space<hbm>> -> memref<1x64x512xf32, #tpu.memory_space<hbm>>
    %dma_start3A_847 = tpu.memref_slice %arg5[%dma_start3A_839] : memref<2x!tpu.dma_semaphore, #tpu.memory_space<semaphore_mem>> -> memref<1x!tpu.dma_semaphore, #tpu.memory_space<semaphore_mem>>
    %dma_start3A_848 = tpu.memref_squeeze %dma_start3A_847 : memref<1x!tpu.dma_semaphore, #tpu.memory_space<semaphore_mem>> -> memref<!tpu.dma_semaphore, #tpu.memory_space<semaphore_mem>>
    %dma_start3A_849 = arith.constant 0 : i32
    %dma_start3A_850 = arith.constant 0 : i32
    %dma_start3A_851 = arith.constant 0 : i32
    %dma_start3A_852 = tpu.memref_slice %arg4[%dma_start3A_838, %dma_start3A_849, %dma_start3A_850, %dma_start3A_851] : memref<2x1x64x512xf32, #tpu.memory_space<vmem>> -> memref<1x1x64x512xf32, #tpu.memory_space<vmem>>
    %dma_start3A_853 = tpu.memref_squeeze %dma_start3A_852 : memref<1x1x64x512xf32, #tpu.memory_space<vmem>> -> memref<1x64x512xf32, #tpu.memory_space<vmem>>
    %dma_start3A_854 = arith.constant 0 : i32
    %dma_start3A_855 = tpu.memref_slice %arg2[%select_n3A, %multiple_of3A_837, %dma_start3A_854] : memref<16x2048x512xf32, #tpu.memory_space<hbm>> -> memref<1x64x512xf32, #tpu.memory_space<hbm>>
    tpu.enqueue_dma source(%dma_start3A_855 : memref<1x64x512xf32, #tpu.memory_space<hbm>>) target(%dma_start3A_853 : memref<1x64x512xf32, #tpu.memory_space<vmem>>) target_semaphore(%dma_start3A_848 : memref<!tpu.dma_semaphore, #tpu.memory_space<semaphore_mem>>)
    %mul3A_856 = arith.constant 1024 : i32
    %mul3A_857 = arith.muli %select_n3A_30, %mul3A_856 : i32
    %add3A_858 = arith.constant 576 : i32
    %add3A_859 = arith.addi %mul3A_857, %add3A_858 : i32
    %multiple_of3A_860 = tpu.assume_multiple %add3A_859, 8 : i32
    %dma_wait3A_861 = arith.constant 1 : i32
    %dma_wait3A_862 = arith.constant 1 : i32
    %dma_wait3A_863 = arith.constant 0 : i32
    %dma_wait3A_864 = arith.constant 0 : i32
    %dma_wait3A_865 = arith.constant 0 : i32
    %dma_wait3A_866 = tpu.memref_slice %arg4[%dma_wait3A_861, %dma_wait3A_863, %dma_wait3A_864, %dma_wait3A_865] : memref<2x1x64x512xf32, #tpu.memory_space<vmem>> -> memref<1x1x64x512xf32, #tpu.memory_space<vmem>>
    %dma_wait3A_867 = tpu.memref_squeeze %dma_wait3A_866 : memref<1x1x64x512xf32, #tpu.memory_space<vmem>> -> memref<1x64x512xf32, #tpu.memory_space<vmem>>
    %dma_wait3A_868 = arith.constant 0 : i32
    %dma_wait3A_869 = tpu.memref_slice %arg2[%select_n3A, %multiple_of3A_860, %dma_wait3A_868] : memref<16x2048x512xf32, #tpu.memory_space<hbm>> -> memref<1x64x512xf32, #tpu.memory_space<hbm>>
    %dma_wait3A_870 = tpu.memref_slice %arg5[%dma_wait3A_862] : memref<2x!tpu.dma_semaphore, #tpu.memory_space<semaphore_mem>> -> memref<1x!tpu.dma_semaphore, #tpu.memory_space<semaphore_mem>>
    %dma_wait3A_871 = tpu.memref_squeeze %dma_wait3A_870 : memref<1x!tpu.dma_semaphore, #tpu.memory_space<semaphore_mem>> -> memref<!tpu.dma_semaphore, #tpu.memory_space<semaphore_mem>>
    %dma_wait3A_872 = arith.constant 0 : i32
    %dma_wait3A_873 = arith.constant 0 : i32
    %dma_wait3A_874 = arith.constant 0 : i32
    %dma_wait3A_875 = tpu.memref_slice %arg4[%dma_wait3A_861, %dma_wait3A_872, %dma_wait3A_873, %dma_wait3A_874] : memref<2x1x64x512xf32, #tpu.memory_space<vmem>> -> memref<1x1x64x512xf32, #tpu.memory_space<vmem>>
    %dma_wait3A_876 = tpu.memref_squeeze %dma_wait3A_875 : memref<1x1x64x512xf32, #tpu.memory_space<vmem>> -> memref<1x64x512xf32, #tpu.memory_space<vmem>>
    %dma_wait3A_877 = arith.constant 0 : i32
    %dma_wait3A_878 = tpu.memref_slice %arg2[%select_n3A, %multiple_of3A_860, %dma_wait3A_877] : memref<16x2048x512xf32, #tpu.memory_space<hbm>> -> memref<1x64x512xf32, #tpu.memory_space<hbm>>
    tpu.wait_dma2 semaphore(%dma_wait3A_871 : memref<!tpu.dma_semaphore, #tpu.memory_space<semaphore_mem>>) src(%dma_wait3A_878 : memref<1x64x512xf32, #tpu.memory_space<hbm>>) dst(%dma_wait3A_876 : memref<1x64x512xf32, #tpu.memory_space<vmem>>)
    %mul3A_879 = arith.constant 1024 : i32
    %mul3A_880 = arith.muli %select_n3A_30, %mul3A_879 : i32
    %add3A_881 = arith.constant 576 : i32
    %add3A_882 = arith.addi %mul3A_880, %add3A_881 : i32
    %multiple_of3A_883 = tpu.assume_multiple %add3A_882, 8 : i32
    %dma_start3A_884 = arith.constant 1 : i32
    %dma_start3A_885 = arith.constant 1 : i32
    %dma_start3A_886 = arith.constant 0 : i32
    %dma_start3A_887 = arith.constant 0 : i32
    %dma_start3A_888 = arith.constant 0 : i32
    %dma_start3A_889 = tpu.memref_slice %arg4[%dma_start3A_884, %dma_start3A_886, %dma_start3A_887, %dma_start3A_888] : memref<2x1x64x512xf32, #tpu.memory_space<vmem>> -> memref<1x1x64x512xf32, #tpu.memory_space<vmem>>
    %dma_start3A_890 = tpu.memref_squeeze %dma_start3A_889 : memref<1x1x64x512xf32, #tpu.memory_space<vmem>> -> memref<1x64x512xf32, #tpu.memory_space<vmem>>
    %dma_start3A_891 = arith.constant 0 : i32
    %dma_start3A_892 = tpu.memref_slice %arg3[%select_n3A, %multiple_of3A_883, %dma_start3A_891] : memref<16x2048x512xf32, #tpu.memory_space<hbm>> -> memref<1x64x512xf32, #tpu.memory_space<hbm>>
    %dma_start3A_893 = tpu.memref_slice %arg6[%dma_start3A_885] : memref<2x!tpu.dma_semaphore, #tpu.memory_space<semaphore_mem>> -> memref<1x!tpu.dma_semaphore, #tpu.memory_space<semaphore_mem>>
    %dma_start3A_894 = tpu.memref_squeeze %dma_start3A_893 : memref<1x!tpu.dma_semaphore, #tpu.memory_space<semaphore_mem>> -> memref<!tpu.dma_semaphore, #tpu.memory_space<semaphore_mem>>
    %dma_start3A_895 = arith.constant 0 : i32
    %dma_start3A_896 = tpu.memref_slice %arg3[%select_n3A, %multiple_of3A_883, %dma_start3A_895] : memref<16x2048x512xf32, #tpu.memory_space<hbm>> -> memref<1x64x512xf32, #tpu.memory_space<hbm>>
    %dma_start3A_897 = arith.constant 0 : i32
    %dma_start3A_898 = arith.constant 0 : i32
    %dma_start3A_899 = arith.constant 0 : i32
    %dma_start3A_900 = tpu.memref_slice %arg4[%dma_start3A_884, %dma_start3A_897, %dma_start3A_898, %dma_start3A_899] : memref<2x1x64x512xf32, #tpu.memory_space<vmem>> -> memref<1x1x64x512xf32, #tpu.memory_space<vmem>>
    %dma_start3A_901 = tpu.memref_squeeze %dma_start3A_900 : memref<1x1x64x512xf32, #tpu.memory_space<vmem>> -> memref<1x64x512xf32, #tpu.memory_space<vmem>>
    tpu.enqueue_dma source(%dma_start3A_901 : memref<1x64x512xf32, #tpu.memory_space<vmem>>) target(%dma_start3A_896 : memref<1x64x512xf32, #tpu.memory_space<hbm>>) target_semaphore(%dma_start3A_894 : memref<!tpu.dma_semaphore, #tpu.memory_space<semaphore_mem>>)
    %mul3A_902 = arith.constant 1024 : i32
    %mul3A_903 = arith.muli %select_n3A_30, %mul3A_902 : i32
    %add3A_904 = arith.constant 512 : i32
    %add3A_905 = arith.addi %mul3A_903, %add3A_904 : i32
    %multiple_of3A_906 = tpu.assume_multiple %add3A_905, 8 : i32
    %dma_wait3A_907 = arith.constant 0 : i32
    %dma_wait3A_908 = arith.constant 0 : i32
    %dma_wait3A_909 = arith.constant 0 : i32
    %dma_wait3A_910 = arith.constant 0 : i32
    %dma_wait3A_911 = arith.constant 0 : i32
    %dma_wait3A_912 = tpu.memref_slice %arg4[%dma_wait3A_907, %dma_wait3A_909, %dma_wait3A_910, %dma_wait3A_911] : memref<2x1x64x512xf32, #tpu.memory_space<vmem>> -> memref<1x1x64x512xf32, #tpu.memory_space<vmem>>
    %dma_wait3A_913 = tpu.memref_squeeze %dma_wait3A_912 : memref<1x1x64x512xf32, #tpu.memory_space<vmem>> -> memref<1x64x512xf32, #tpu.memory_space<vmem>>
    %dma_wait3A_914 = arith.constant 0 : i32
    %dma_wait3A_915 = tpu.memref_slice %arg3[%select_n3A, %multiple_of3A_906, %dma_wait3A_914] : memref<16x2048x512xf32, #tpu.memory_space<hbm>> -> memref<1x64x512xf32, #tpu.memory_space<hbm>>
    %dma_wait3A_916 = tpu.memref_slice %arg6[%dma_wait3A_908] : memref<2x!tpu.dma_semaphore, #tpu.memory_space<semaphore_mem>> -> memref<1x!tpu.dma_semaphore, #tpu.memory_space<semaphore_mem>>
    %dma_wait3A_917 = tpu.memref_squeeze %dma_wait3A_916 : memref<1x!tpu.dma_semaphore, #tpu.memory_space<semaphore_mem>> -> memref<!tpu.dma_semaphore, #tpu.memory_space<semaphore_mem>>
    %dma_wait3A_918 = arith.constant 0 : i32
    %dma_wait3A_919 = tpu.memref_slice %arg3[%select_n3A, %multiple_of3A_906, %dma_wait3A_918] : memref<16x2048x512xf32, #tpu.memory_space<hbm>> -> memref<1x64x512xf32, #tpu.memory_space<hbm>>
    %dma_wait3A_920 = arith.constant 0 : i32
    %dma_wait3A_921 = arith.constant 0 : i32
    %dma_wait3A_922 = arith.constant 0 : i32
    %dma_wait3A_923 = tpu.memref_slice %arg4[%dma_wait3A_907, %dma_wait3A_920, %dma_wait3A_921, %dma_wait3A_922] : memref<2x1x64x512xf32, #tpu.memory_space<vmem>> -> memref<1x1x64x512xf32, #tpu.memory_space<vmem>>
    %dma_wait3A_924 = tpu.memref_squeeze %dma_wait3A_923 : memref<1x1x64x512xf32, #tpu.memory_space<vmem>> -> memref<1x64x512xf32, #tpu.memory_space<vmem>>
    tpu.wait_dma2 semaphore(%dma_wait3A_917 : memref<!tpu.dma_semaphore, #tpu.memory_space<semaphore_mem>>) src(%dma_wait3A_924 : memref<1x64x512xf32, #tpu.memory_space<vmem>>) dst(%dma_wait3A_919 : memref<1x64x512xf32, #tpu.memory_space<hbm>>)
    %mul3A_925 = arith.constant 1024 : i32
    %mul3A_926 = arith.muli %select_n3A_30, %mul3A_925 : i32
    %add3A_927 = arith.constant 640 : i32
    %add3A_928 = arith.addi %mul3A_926, %add3A_927 : i32
    %multiple_of3A_929 = tpu.assume_multiple %add3A_928, 8 : i32
    %dma_start3A_930 = arith.constant 0 : i32
    %dma_start3A_931 = arith.constant 0 : i32
    %dma_start3A_932 = arith.constant 0 : i32
    %dma_start3A_933 = arith.constant 0 : i32
    %dma_start3A_934 = arith.constant 0 : i32
    %dma_start3A_935 = tpu.memref_slice %arg4[%dma_start3A_930, %dma_start3A_932, %dma_start3A_933, %dma_start3A_934] : memref<2x1x64x512xf32, #tpu.memory_space<vmem>> -> memref<1x1x64x512xf32, #tpu.memory_space<vmem>>
    %dma_start3A_936 = tpu.memref_squeeze %dma_start3A_935 : memref<1x1x64x512xf32, #tpu.memory_space<vmem>> -> memref<1x64x512xf32, #tpu.memory_space<vmem>>
    %dma_start3A_937 = arith.constant 0 : i32
    %dma_start3A_938 = tpu.memref_slice %arg2[%select_n3A, %multiple_of3A_929, %dma_start3A_937] : memref<16x2048x512xf32, #tpu.memory_space<hbm>> -> memref<1x64x512xf32, #tpu.memory_space<hbm>>
    %dma_start3A_939 = tpu.memref_slice %arg5[%dma_start3A_931] : memref<2x!tpu.dma_semaphore, #tpu.memory_space<semaphore_mem>> -> memref<1x!tpu.dma_semaphore, #tpu.memory_space<semaphore_mem>>
    %dma_start3A_940 = tpu.memref_squeeze %dma_start3A_939 : memref<1x!tpu.dma_semaphore, #tpu.memory_space<semaphore_mem>> -> memref<!tpu.dma_semaphore, #tpu.memory_space<semaphore_mem>>
    %dma_start3A_941 = arith.constant 0 : i32
    %dma_start3A_942 = arith.constant 0 : i32
    %dma_start3A_943 = arith.constant 0 : i32
    %dma_start3A_944 = tpu.memref_slice %arg4[%dma_start3A_930, %dma_start3A_941, %dma_start3A_942, %dma_start3A_943] : memref<2x1x64x512xf32, #tpu.memory_space<vmem>> -> memref<1x1x64x512xf32, #tpu.memory_space<vmem>>
    %dma_start3A_945 = tpu.memref_squeeze %dma_start3A_944 : memref<1x1x64x512xf32, #tpu.memory_space<vmem>> -> memref<1x64x512xf32, #tpu.memory_space<vmem>>
    %dma_start3A_946 = arith.constant 0 : i32
    %dma_start3A_947 = tpu.memref_slice %arg2[%select_n3A, %multiple_of3A_929, %dma_start3A_946] : memref<16x2048x512xf32, #tpu.memory_space<hbm>> -> memref<1x64x512xf32, #tpu.memory_space<hbm>>
    tpu.enqueue_dma source(%dma_start3A_947 : memref<1x64x512xf32, #tpu.memory_space<hbm>>) target(%dma_start3A_945 : memref<1x64x512xf32, #tpu.memory_space<vmem>>) target_semaphore(%dma_start3A_940 : memref<!tpu.dma_semaphore, #tpu.memory_space<semaphore_mem>>)
    %mul3A_948 = arith.constant 1024 : i32
    %mul3A_949 = arith.muli %select_n3A_30, %mul3A_948 : i32
    %add3A_950 = arith.constant 640 : i32
    %add3A_951 = arith.addi %mul3A_949, %add3A_950 : i32
    %multiple_of3A_952 = tpu.assume_multiple %add3A_951, 8 : i32
    %dma_wait3A_953 = arith.constant 0 : i32
    %dma_wait3A_954 = arith.constant 0 : i32
    %dma_wait3A_955 = arith.constant 0 : i32
    %dma_wait3A_956 = arith.constant 0 : i32
    %dma_wait3A_957 = arith.constant 0 : i32
    %dma_wait3A_958 = tpu.memref_slice %arg4[%dma_wait3A_953, %dma_wait3A_955, %dma_wait3A_956, %dma_wait3A_957] : memref<2x1x64x512xf32, #tpu.memory_space<vmem>> -> memref<1x1x64x512xf32, #tpu.memory_space<vmem>>
    %dma_wait3A_959 = tpu.memref_squeeze %dma_wait3A_958 : memref<1x1x64x512xf32, #tpu.memory_space<vmem>> -> memref<1x64x512xf32, #tpu.memory_space<vmem>>
    %dma_wait3A_960 = arith.constant 0 : i32
    %dma_wait3A_961 = tpu.memref_slice %arg2[%select_n3A, %multiple_of3A_952, %dma_wait3A_960] : memref<16x2048x512xf32, #tpu.memory_space<hbm>> -> memref<1x64x512xf32, #tpu.memory_space<hbm>>
    %dma_wait3A_962 = tpu.memref_slice %arg5[%dma_wait3A_954] : memref<2x!tpu.dma_semaphore, #tpu.memory_space<semaphore_mem>> -> memref<1x!tpu.dma_semaphore, #tpu.memory_space<semaphore_mem>>
    %dma_wait3A_963 = tpu.memref_squeeze %dma_wait3A_962 : memref<1x!tpu.dma_semaphore, #tpu.memory_space<semaphore_mem>> -> memref<!tpu.dma_semaphore, #tpu.memory_space<semaphore_mem>>
    %dma_wait3A_964 = arith.constant 0 : i32
    %dma_wait3A_965 = arith.constant 0 : i32
    %dma_wait3A_966 = arith.constant 0 : i32
    %dma_wait3A_967 = tpu.memref_slice %arg4[%dma_wait3A_953, %dma_wait3A_964, %dma_wait3A_965, %dma_wait3A_966] : memref<2x1x64x512xf32, #tpu.memory_space<vmem>> -> memref<1x1x64x512xf32, #tpu.memory_space<vmem>>
    %dma_wait3A_968 = tpu.memref_squeeze %dma_wait3A_967 : memref<1x1x64x512xf32, #tpu.memory_space<vmem>> -> memref<1x64x512xf32, #tpu.memory_space<vmem>>
    %dma_wait3A_969 = arith.constant 0 : i32
    %dma_wait3A_970 = tpu.memref_slice %arg2[%select_n3A, %multiple_of3A_952, %dma_wait3A_969] : memref<16x2048x512xf32, #tpu.memory_space<hbm>> -> memref<1x64x512xf32, #tpu.memory_space<hbm>>
    tpu.wait_dma2 semaphore(%dma_wait3A_963 : memref<!tpu.dma_semaphore, #tpu.memory_space<semaphore_mem>>) src(%dma_wait3A_970 : memref<1x64x512xf32, #tpu.memory_space<hbm>>) dst(%dma_wait3A_968 : memref<1x64x512xf32, #tpu.memory_space<vmem>>)
    %mul3A_971 = arith.constant 1024 : i32
    %mul3A_972 = arith.muli %select_n3A_30, %mul3A_971 : i32
    %add3A_973 = arith.constant 640 : i32
    %add3A_974 = arith.addi %mul3A_972, %add3A_973 : i32
    %multiple_of3A_975 = tpu.assume_multiple %add3A_974, 8 : i32
    %dma_start3A_976 = arith.constant 0 : i32
    %dma_start3A_977 = arith.constant 0 : i32
    %dma_start3A_978 = arith.constant 0 : i32
    %dma_start3A_979 = arith.constant 0 : i32
    %dma_start3A_980 = arith.constant 0 : i32
    %dma_start3A_981 = tpu.memref_slice %arg4[%dma_start3A_976, %dma_start3A_978, %dma_start3A_979, %dma_start3A_980] : memref<2x1x64x512xf32, #tpu.memory_space<vmem>> -> memref<1x1x64x512xf32, #tpu.memory_space<vmem>>
    %dma_start3A_982 = tpu.memref_squeeze %dma_start3A_981 : memref<1x1x64x512xf32, #tpu.memory_space<vmem>> -> memref<1x64x512xf32, #tpu.memory_space<vmem>>
    %dma_start3A_983 = arith.constant 0 : i32
    %dma_start3A_984 = tpu.memref_slice %arg3[%select_n3A, %multiple_of3A_975, %dma_start3A_983] : memref<16x2048x512xf32, #tpu.memory_space<hbm>> -> memref<1x64x512xf32, #tpu.memory_space<hbm>>
    %dma_start3A_985 = tpu.memref_slice %arg6[%dma_start3A_977] : memref<2x!tpu.dma_semaphore, #tpu.memory_space<semaphore_mem>> -> memref<1x!tpu.dma_semaphore, #tpu.memory_space<semaphore_mem>>
    %dma_start3A_986 = tpu.memref_squeeze %dma_start3A_985 : memref<1x!tpu.dma_semaphore, #tpu.memory_space<semaphore_mem>> -> memref<!tpu.dma_semaphore, #tpu.memory_space<semaphore_mem>>
    %dma_start3A_987 = arith.constant 0 : i32
    %dma_start3A_988 = tpu.memref_slice %arg3[%select_n3A, %multiple_of3A_975, %dma_start3A_987] : memref<16x2048x512xf32, #tpu.memory_space<hbm>> -> memref<1x64x512xf32, #tpu.memory_space<hbm>>
    %dma_start3A_989 = arith.constant 0 : i32
    %dma_start3A_990 = arith.constant 0 : i32
    %dma_start3A_991 = arith.constant 0 : i32
    %dma_start3A_992 = tpu.memref_slice %arg4[%dma_start3A_976, %dma_start3A_989, %dma_start3A_990, %dma_start3A_991] : memref<2x1x64x512xf32, #tpu.memory_space<vmem>> -> memref<1x1x64x512xf32, #tpu.memory_space<vmem>>
    %dma_start3A_993 = tpu.memref_squeeze %dma_start3A_992 : memref<1x1x64x512xf32, #tpu.memory_space<vmem>> -> memref<1x64x512xf32, #tpu.memory_space<vmem>>
    tpu.enqueue_dma source(%dma_start3A_993 : memref<1x64x512xf32, #tpu.memory_space<vmem>>) target(%dma_start3A_988 : memref<1x64x512xf32, #tpu.memory_space<hbm>>) target_semaphore(%dma_start3A_986 : memref<!tpu.dma_semaphore, #tpu.memory_space<semaphore_mem>>)
    %mul3A_994 = arith.constant 1024 : i32
    %mul3A_995 = arith.muli %select_n3A_30, %mul3A_994 : i32
    %add3A_996 = arith.constant 576 : i32
    %add3A_997 = arith.addi %mul3A_995, %add3A_996 : i32
    %multiple_of3A_998 = tpu.assume_multiple %add3A_997, 8 : i32
    %dma_wait3A_999 = arith.constant 1 : i32
    %dma_wait3A_1000 = arith.constant 1 : i32
    %dma_wait3A_1001 = arith.constant 0 : i32
    %dma_wait3A_1002 = arith.constant 0 : i32
    %dma_wait3A_1003 = arith.constant 0 : i32
    %dma_wait3A_1004 = tpu.memref_slice %arg4[%dma_wait3A_999, %dma_wait3A_1001, %dma_wait3A_1002, %dma_wait3A_1003] : memref<2x1x64x512xf32, #tpu.memory_space<vmem>> -> memref<1x1x64x512xf32, #tpu.memory_space<vmem>>
    %dma_wait3A_1005 = tpu.memref_squeeze %dma_wait3A_1004 : memref<1x1x64x512xf32, #tpu.memory_space<vmem>> -> memref<1x64x512xf32, #tpu.memory_space<vmem>>
    %dma_wait3A_1006 = arith.constant 0 : i32
    %dma_wait3A_1007 = tpu.memref_slice %arg3[%select_n3A, %multiple_of3A_998, %dma_wait3A_1006] : memref<16x2048x512xf32, #tpu.memory_space<hbm>> -> memref<1x64x512xf32, #tpu.memory_space<hbm>>
    %dma_wait3A_1008 = tpu.memref_slice %arg6[%dma_wait3A_1000] : memref<2x!tpu.dma_semaphore, #tpu.memory_space<semaphore_mem>> -> memref<1x!tpu.dma_semaphore, #tpu.memory_space<semaphore_mem>>
    %dma_wait3A_1009 = tpu.memref_squeeze %dma_wait3A_1008 : memref<1x!tpu.dma_semaphore, #tpu.memory_space<semaphore_mem>> -> memref<!tpu.dma_semaphore, #tpu.memory_space<semaphore_mem>>
    %dma_wait3A_1010 = arith.constant 0 : i32
    %dma_wait3A_1011 = tpu.memref_slice %arg3[%select_n3A, %multiple_of3A_998, %dma_wait3A_1010] : memref<16x2048x512xf32, #tpu.memory_space<hbm>> -> memref<1x64x512xf32, #tpu.memory_space<hbm>>
    %dma_wait3A_1012 = arith.constant 0 : i32
    %dma_wait3A_1013 = arith.constant 0 : i32
    %dma_wait3A_1014 = arith.constant 0 : i32
    %dma_wait3A_1015 = tpu.memref_slice %arg4[%dma_wait3A_999, %dma_wait3A_1012, %dma_wait3A_1013, %dma_wait3A_1014] : memref<2x1x64x512xf32, #tpu.memory_space<vmem>> -> memref<1x1x64x512xf32, #tpu.memory_space<vmem>>
    %dma_wait3A_1016 = tpu.memref_squeeze %dma_wait3A_1015 : memref<1x1x64x512xf32, #tpu.memory_space<vmem>> -> memref<1x64x512xf32, #tpu.memory_space<vmem>>
    tpu.wait_dma2 semaphore(%dma_wait3A_1009 : memref<!tpu.dma_semaphore, #tpu.memory_space<semaphore_mem>>) src(%dma_wait3A_1016 : memref<1x64x512xf32, #tpu.memory_space<vmem>>) dst(%dma_wait3A_1011 : memref<1x64x512xf32, #tpu.memory_space<hbm>>)
    %mul3A_1017 = arith.constant 1024 : i32
    %mul3A_1018 = arith.muli %select_n3A_30, %mul3A_1017 : i32
    %add3A_1019 = arith.constant 704 : i32
    %add3A_1020 = arith.addi %mul3A_1018, %add3A_1019 : i32
    %multiple_of3A_1021 = tpu.assume_multiple %add3A_1020, 8 : i32
    %dma_start3A_1022 = arith.constant 1 : i32
    %dma_start3A_1023 = arith.constant 1 : i32
    %dma_start3A_1024 = arith.constant 0 : i32
    %dma_start3A_1025 = arith.constant 0 : i32
    %dma_start3A_1026 = arith.constant 0 : i32
    %dma_start3A_1027 = tpu.memref_slice %arg4[%dma_start3A_1022, %dma_start3A_1024, %dma_start3A_1025, %dma_start3A_1026] : memref<2x1x64x512xf32, #tpu.memory_space<vmem>> -> memref<1x1x64x512xf32, #tpu.memory_space<vmem>>
    %dma_start3A_1028 = tpu.memref_squeeze %dma_start3A_1027 : memref<1x1x64x512xf32, #tpu.memory_space<vmem>> -> memref<1x64x512xf32, #tpu.memory_space<vmem>>
    %dma_start3A_1029 = arith.constant 0 : i32
    %dma_start3A_1030 = tpu.memref_slice %arg2[%select_n3A, %multiple_of3A_1021, %dma_start3A_1029] : memref<16x2048x512xf32, #tpu.memory_space<hbm>> -> memref<1x64x512xf32, #tpu.memory_space<hbm>>
    %dma_start3A_1031 = tpu.memref_slice %arg5[%dma_start3A_1023] : memref<2x!tpu.dma_semaphore, #tpu.memory_space<semaphore_mem>> -> memref<1x!tpu.dma_semaphore, #tpu.memory_space<semaphore_mem>>
    %dma_start3A_1032 = tpu.memref_squeeze %dma_start3A_1031 : memref<1x!tpu.dma_semaphore, #tpu.memory_space<semaphore_mem>> -> memref<!tpu.dma_semaphore, #tpu.memory_space<semaphore_mem>>
    %dma_start3A_1033 = arith.constant 0 : i32
    %dma_start3A_1034 = arith.constant 0 : i32
    %dma_start3A_1035 = arith.constant 0 : i32
    %dma_start3A_1036 = tpu.memref_slice %arg4[%dma_start3A_1022, %dma_start3A_1033, %dma_start3A_1034, %dma_start3A_1035] : memref<2x1x64x512xf32, #tpu.memory_space<vmem>> -> memref<1x1x64x512xf32, #tpu.memory_space<vmem>>
    %dma_start3A_1037 = tpu.memref_squeeze %dma_start3A_1036 : memref<1x1x64x512xf32, #tpu.memory_space<vmem>> -> memref<1x64x512xf32, #tpu.memory_space<vmem>>
    %dma_start3A_1038 = arith.constant 0 : i32
    %dma_start3A_1039 = tpu.memref_slice %arg2[%select_n3A, %multiple_of3A_1021, %dma_start3A_1038] : memref<16x2048x512xf32, #tpu.memory_space<hbm>> -> memref<1x64x512xf32, #tpu.memory_space<hbm>>
    tpu.enqueue_dma source(%dma_start3A_1039 : memref<1x64x512xf32, #tpu.memory_space<hbm>>) target(%dma_start3A_1037 : memref<1x64x512xf32, #tpu.memory_space<vmem>>) target_semaphore(%dma_start3A_1032 : memref<!tpu.dma_semaphore, #tpu.memory_space<semaphore_mem>>)
    %mul3A_1040 = arith.constant 1024 : i32
    %mul3A_1041 = arith.muli %select_n3A_30, %mul3A_1040 : i32
    %add3A_1042 = arith.constant 704 : i32
    %add3A_1043 = arith.addi %mul3A_1041, %add3A_1042 : i32
    %multiple_of3A_1044 = tpu.assume_multiple %add3A_1043, 8 : i32
    %dma_wait3A_1045 = arith.constant 1 : i32
    %dma_wait3A_1046 = arith.constant 1 : i32
    %dma_wait3A_1047 = arith.constant 0 : i32
    %dma_wait3A_1048 = arith.constant 0 : i32
    %dma_wait3A_1049 = arith.constant 0 : i32
    %dma_wait3A_1050 = tpu.memref_slice %arg4[%dma_wait3A_1045, %dma_wait3A_1047, %dma_wait3A_1048, %dma_wait3A_1049] : memref<2x1x64x512xf32, #tpu.memory_space<vmem>> -> memref<1x1x64x512xf32, #tpu.memory_space<vmem>>
    %dma_wait3A_1051 = tpu.memref_squeeze %dma_wait3A_1050 : memref<1x1x64x512xf32, #tpu.memory_space<vmem>> -> memref<1x64x512xf32, #tpu.memory_space<vmem>>
    %dma_wait3A_1052 = arith.constant 0 : i32
    %dma_wait3A_1053 = tpu.memref_slice %arg2[%select_n3A, %multiple_of3A_1044, %dma_wait3A_1052] : memref<16x2048x512xf32, #tpu.memory_space<hbm>> -> memref<1x64x512xf32, #tpu.memory_space<hbm>>
    %dma_wait3A_1054 = tpu.memref_slice %arg5[%dma_wait3A_1046] : memref<2x!tpu.dma_semaphore, #tpu.memory_space<semaphore_mem>> -> memref<1x!tpu.dma_semaphore, #tpu.memory_space<semaphore_mem>>
    %dma_wait3A_1055 = tpu.memref_squeeze %dma_wait3A_1054 : memref<1x!tpu.dma_semaphore, #tpu.memory_space<semaphore_mem>> -> memref<!tpu.dma_semaphore, #tpu.memory_space<semaphore_mem>>
    %dma_wait3A_1056 = arith.constant 0 : i32
    %dma_wait3A_1057 = arith.constant 0 : i32
    %dma_wait3A_1058 = arith.constant 0 : i32
    %dma_wait3A_1059 = tpu.memref_slice %arg4[%dma_wait3A_1045, %dma_wait3A_1056, %dma_wait3A_1057, %dma_wait3A_1058] : memref<2x1x64x512xf32, #tpu.memory_space<vmem>> -> memref<1x1x64x512xf32, #tpu.memory_space<vmem>>
    %dma_wait3A_1060 = tpu.memref_squeeze %dma_wait3A_1059 : memref<1x1x64x512xf32, #tpu.memory_space<vmem>> -> memref<1x64x512xf32, #tpu.memory_space<vmem>>
    %dma_wait3A_1061 = arith.constant 0 : i32
    %dma_wait3A_1062 = tpu.memref_slice %arg2[%select_n3A, %multiple_of3A_1044, %dma_wait3A_1061] : memref<16x2048x512xf32, #tpu.memory_space<hbm>> -> memref<1x64x512xf32, #tpu.memory_space<hbm>>
    tpu.wait_dma2 semaphore(%dma_wait3A_1055 : memref<!tpu.dma_semaphore, #tpu.memory_space<semaphore_mem>>) src(%dma_wait3A_1062 : memref<1x64x512xf32, #tpu.memory_space<hbm>>) dst(%dma_wait3A_1060 : memref<1x64x512xf32, #tpu.memory_space<vmem>>)
    %mul3A_1063 = arith.constant 1024 : i32
    %mul3A_1064 = arith.muli %select_n3A_30, %mul3A_1063 : i32
    %add3A_1065 = arith.constant 704 : i32
    %add3A_1066 = arith.addi %mul3A_1064, %add3A_1065 : i32
    %multiple_of3A_1067 = tpu.assume_multiple %add3A_1066, 8 : i32
    %dma_start3A_1068 = arith.constant 1 : i32
    %dma_start3A_1069 = arith.constant 1 : i32
    %dma_start3A_1070 = arith.constant 0 : i32
    %dma_start3A_1071 = arith.constant 0 : i32
    %dma_start3A_1072 = arith.constant 0 : i32
    %dma_start3A_1073 = tpu.memref_slice %arg4[%dma_start3A_1068, %dma_start3A_1070, %dma_start3A_1071, %dma_start3A_1072] : memref<2x1x64x512xf32, #tpu.memory_space<vmem>> -> memref<1x1x64x512xf32, #tpu.memory_space<vmem>>
    %dma_start3A_1074 = tpu.memref_squeeze %dma_start3A_1073 : memref<1x1x64x512xf32, #tpu.memory_space<vmem>> -> memref<1x64x512xf32, #tpu.memory_space<vmem>>
    %dma_start3A_1075 = arith.constant 0 : i32
    %dma_start3A_1076 = tpu.memref_slice %arg3[%select_n3A, %multiple_of3A_1067, %dma_start3A_1075] : memref<16x2048x512xf32, #tpu.memory_space<hbm>> -> memref<1x64x512xf32, #tpu.memory_space<hbm>>
    %dma_start3A_1077 = tpu.memref_slice %arg6[%dma_start3A_1069] : memref<2x!tpu.dma_semaphore, #tpu.memory_space<semaphore_mem>> -> memref<1x!tpu.dma_semaphore, #tpu.memory_space<semaphore_mem>>
    %dma_start3A_1078 = tpu.memref_squeeze %dma_start3A_1077 : memref<1x!tpu.dma_semaphore, #tpu.memory_space<semaphore_mem>> -> memref<!tpu.dma_semaphore, #tpu.memory_space<semaphore_mem>>
    %dma_start3A_1079 = arith.constant 0 : i32
    %dma_start3A_1080 = tpu.memref_slice %arg3[%select_n3A, %multiple_of3A_1067, %dma_start3A_1079] : memref<16x2048x512xf32, #tpu.memory_space<hbm>> -> memref<1x64x512xf32, #tpu.memory_space<hbm>>
    %dma_start3A_1081 = arith.constant 0 : i32
    %dma_start3A_1082 = arith.constant 0 : i32
    %dma_start3A_1083 = arith.constant 0 : i32
    %dma_start3A_1084 = tpu.memref_slice %arg4[%dma_start3A_1068, %dma_start3A_1081, %dma_start3A_1082, %dma_start3A_1083] : memref<2x1x64x512xf32, #tpu.memory_space<vmem>> -> memref<1x1x64x512xf32, #tpu.memory_space<vmem>>
    %dma_start3A_1085 = tpu.memref_squeeze %dma_start3A_1084 : memref<1x1x64x512xf32, #tpu.memory_space<vmem>> -> memref<1x64x512xf32, #tpu.memory_space<vmem>>
    tpu.enqueue_dma source(%dma_start3A_1085 : memref<1x64x512xf32, #tpu.memory_space<vmem>>) target(%dma_start3A_1080 : memref<1x64x512xf32, #tpu.memory_space<hbm>>) target_semaphore(%dma_start3A_1078 : memref<!tpu.dma_semaphore, #tpu.memory_space<semaphore_mem>>)
    %mul3A_1086 = arith.constant 1024 : i32
    %mul3A_1087 = arith.muli %select_n3A_30, %mul3A_1086 : i32
    %add3A_1088 = arith.constant 640 : i32
    %add3A_1089 = arith.addi %mul3A_1087, %add3A_1088 : i32
    %multiple_of3A_1090 = tpu.assume_multiple %add3A_1089, 8 : i32
    %dma_wait3A_1091 = arith.constant 0 : i32
    %dma_wait3A_1092 = arith.constant 0 : i32
    %dma_wait3A_1093 = arith.constant 0 : i32
    %dma_wait3A_1094 = arith.constant 0 : i32
    %dma_wait3A_1095 = arith.constant 0 : i32
    %dma_wait3A_1096 = tpu.memref_slice %arg4[%dma_wait3A_1091, %dma_wait3A_1093, %dma_wait3A_1094, %dma_wait3A_1095] : memref<2x1x64x512xf32, #tpu.memory_space<vmem>> -> memref<1x1x64x512xf32, #tpu.memory_space<vmem>>
    %dma_wait3A_1097 = tpu.memref_squeeze %dma_wait3A_1096 : memref<1x1x64x512xf32, #tpu.memory_space<vmem>> -> memref<1x64x512xf32, #tpu.memory_space<vmem>>
    %dma_wait3A_1098 = arith.constant 0 : i32
    %dma_wait3A_1099 = tpu.memref_slice %arg3[%select_n3A, %multiple_of3A_1090, %dma_wait3A_1098] : memref<16x2048x512xf32, #tpu.memory_space<hbm>> -> memref<1x64x512xf32, #tpu.memory_space<hbm>>
    %dma_wait3A_1100 = tpu.memref_slice %arg6[%dma_wait3A_1092] : memref<2x!tpu.dma_semaphore, #tpu.memory_space<semaphore_mem>> -> memref<1x!tpu.dma_semaphore, #tpu.memory_space<semaphore_mem>>
    %dma_wait3A_1101 = tpu.memref_squeeze %dma_wait3A_1100 : memref<1x!tpu.dma_semaphore, #tpu.memory_space<semaphore_mem>> -> memref<!tpu.dma_semaphore, #tpu.memory_space<semaphore_mem>>
    %dma_wait3A_1102 = arith.constant 0 : i32
    %dma_wait3A_1103 = tpu.memref_slice %arg3[%select_n3A, %multiple_of3A_1090, %dma_wait3A_1102] : memref<16x2048x512xf32, #tpu.memory_space<hbm>> -> memref<1x64x512xf32, #tpu.memory_space<hbm>>
    %dma_wait3A_1104 = arith.constant 0 : i32
    %dma_wait3A_1105 = arith.constant 0 : i32
    %dma_wait3A_1106 = arith.constant 0 : i32
    %dma_wait3A_1107 = tpu.memref_slice %arg4[%dma_wait3A_1091, %dma_wait3A_1104, %dma_wait3A_1105, %dma_wait3A_1106] : memref<2x1x64x512xf32, #tpu.memory_space<vmem>> -> memref<1x1x64x512xf32, #tpu.memory_space<vmem>>
    %dma_wait3A_1108 = tpu.memref_squeeze %dma_wait3A_1107 : memref<1x1x64x512xf32, #tpu.memory_space<vmem>> -> memref<1x64x512xf32, #tpu.memory_space<vmem>>
    tpu.wait_dma2 semaphore(%dma_wait3A_1101 : memref<!tpu.dma_semaphore, #tpu.memory_space<semaphore_mem>>) src(%dma_wait3A_1108 : memref<1x64x512xf32, #tpu.memory_space<vmem>>) dst(%dma_wait3A_1103 : memref<1x64x512xf32, #tpu.memory_space<hbm>>)
    %mul3A_1109 = arith.constant 1024 : i32
    %mul3A_1110 = arith.muli %select_n3A_30, %mul3A_1109 : i32
    %add3A_1111 = arith.constant 768 : i32
    %add3A_1112 = arith.addi %mul3A_1110, %add3A_1111 : i32
    %multiple_of3A_1113 = tpu.assume_multiple %add3A_1112, 8 : i32
    %dma_start3A_1114 = arith.constant 0 : i32
    %dma_start3A_1115 = arith.constant 0 : i32
    %dma_start3A_1116 = arith.constant 0 : i32
    %dma_start3A_1117 = arith.constant 0 : i32
    %dma_start3A_1118 = arith.constant 0 : i32
    %dma_start3A_1119 = tpu.memref_slice %arg4[%dma_start3A_1114, %dma_start3A_1116, %dma_start3A_1117, %dma_start3A_1118] : memref<2x1x64x512xf32, #tpu.memory_space<vmem>> -> memref<1x1x64x512xf32, #tpu.memory_space<vmem>>
    %dma_start3A_1120 = tpu.memref_squeeze %dma_start3A_1119 : memref<1x1x64x512xf32, #tpu.memory_space<vmem>> -> memref<1x64x512xf32, #tpu.memory_space<vmem>>
    %dma_start3A_1121 = arith.constant 0 : i32
    %dma_start3A_1122 = tpu.memref_slice %arg2[%select_n3A, %multiple_of3A_1113, %dma_start3A_1121] : memref<16x2048x512xf32, #tpu.memory_space<hbm>> -> memref<1x64x512xf32, #tpu.memory_space<hbm>>
    %dma_start3A_1123 = tpu.memref_slice %arg5[%dma_start3A_1115] : memref<2x!tpu.dma_semaphore, #tpu.memory_space<semaphore_mem>> -> memref<1x!tpu.dma_semaphore, #tpu.memory_space<semaphore_mem>>
    %dma_start3A_1124 = tpu.memref_squeeze %dma_start3A_1123 : memref<1x!tpu.dma_semaphore, #tpu.memory_space<semaphore_mem>> -> memref<!tpu.dma_semaphore, #tpu.memory_space<semaphore_mem>>
    %dma_start3A_1125 = arith.constant 0 : i32
    %dma_start3A_1126 = arith.constant 0 : i32
    %dma_start3A_1127 = arith.constant 0 : i32
    %dma_start3A_1128 = tpu.memref_slice %arg4[%dma_start3A_1114, %dma_start3A_1125, %dma_start3A_1126, %dma_start3A_1127] : memref<2x1x64x512xf32, #tpu.memory_space<vmem>> -> memref<1x1x64x512xf32, #tpu.memory_space<vmem>>
    %dma_start3A_1129 = tpu.memref_squeeze %dma_start3A_1128 : memref<1x1x64x512xf32, #tpu.memory_space<vmem>> -> memref<1x64x512xf32, #tpu.memory_space<vmem>>
    %dma_start3A_1130 = arith.constant 0 : i32
    %dma_start3A_1131 = tpu.memref_slice %arg2[%select_n3A, %multiple_of3A_1113, %dma_start3A_1130] : memref<16x2048x512xf32, #tpu.memory_space<hbm>> -> memref<1x64x512xf32, #tpu.memory_space<hbm>>
    tpu.enqueue_dma source(%dma_start3A_1131 : memref<1x64x512xf32, #tpu.memory_space<hbm>>) target(%dma_start3A_1129 : memref<1x64x512xf32, #tpu.memory_space<vmem>>) target_semaphore(%dma_start3A_1124 : memref<!tpu.dma_semaphore, #tpu.memory_space<semaphore_mem>>)
    %mul3A_1132 = arith.constant 1024 : i32
    %mul3A_1133 = arith.muli %select_n3A_30, %mul3A_1132 : i32
    %add3A_1134 = arith.constant 768 : i32
    %add3A_1135 = arith.addi %mul3A_1133, %add3A_1134 : i32
    %multiple_of3A_1136 = tpu.assume_multiple %add3A_1135, 8 : i32
    %dma_wait3A_1137 = arith.constant 0 : i32
    %dma_wait3A_1138 = arith.constant 0 : i32
    %dma_wait3A_1139 = arith.constant 0 : i32
    %dma_wait3A_1140 = arith.constant 0 : i32
    %dma_wait3A_1141 = arith.constant 0 : i32
    %dma_wait3A_1142 = tpu.memref_slice %arg4[%dma_wait3A_1137, %dma_wait3A_1139, %dma_wait3A_1140, %dma_wait3A_1141] : memref<2x1x64x512xf32, #tpu.memory_space<vmem>> -> memref<1x1x64x512xf32, #tpu.memory_space<vmem>>
    %dma_wait3A_1143 = tpu.memref_squeeze %dma_wait3A_1142 : memref<1x1x64x512xf32, #tpu.memory_space<vmem>> -> memref<1x64x512xf32, #tpu.memory_space<vmem>>
    %dma_wait3A_1144 = arith.constant 0 : i32
    %dma_wait3A_1145 = tpu.memref_slice %arg2[%select_n3A, %multiple_of3A_1136, %dma_wait3A_1144] : memref<16x2048x512xf32, #tpu.memory_space<hbm>> -> memref<1x64x512xf32, #tpu.memory_space<hbm>>
    %dma_wait3A_1146 = tpu.memref_slice %arg5[%dma_wait3A_1138] : memref<2x!tpu.dma_semaphore, #tpu.memory_space<semaphore_mem>> -> memref<1x!tpu.dma_semaphore, #tpu.memory_space<semaphore_mem>>
    %dma_wait3A_1147 = tpu.memref_squeeze %dma_wait3A_1146 : memref<1x!tpu.dma_semaphore, #tpu.memory_space<semaphore_mem>> -> memref<!tpu.dma_semaphore, #tpu.memory_space<semaphore_mem>>
    %dma_wait3A_1148 = arith.constant 0 : i32
    %dma_wait3A_1149 = arith.constant 0 : i32
    %dma_wait3A_1150 = arith.constant 0 : i32
    %dma_wait3A_1151 = tpu.memref_slice %arg4[%dma_wait3A_1137, %dma_wait3A_1148, %dma_wait3A_1149, %dma_wait3A_1150] : memref<2x1x64x512xf32, #tpu.memory_space<vmem>> -> memref<1x1x64x512xf32, #tpu.memory_space<vmem>>
    %dma_wait3A_1152 = tpu.memref_squeeze %dma_wait3A_1151 : memref<1x1x64x512xf32, #tpu.memory_space<vmem>> -> memref<1x64x512xf32, #tpu.memory_space<vmem>>
    %dma_wait3A_1153 = arith.constant 0 : i32
    %dma_wait3A_1154 = tpu.memref_slice %arg2[%select_n3A, %multiple_of3A_1136, %dma_wait3A_1153] : memref<16x2048x512xf32, #tpu.memory_space<hbm>> -> memref<1x64x512xf32, #tpu.memory_space<hbm>>
    tpu.wait_dma2 semaphore(%dma_wait3A_1147 : memref<!tpu.dma_semaphore, #tpu.memory_space<semaphore_mem>>) src(%dma_wait3A_1154 : memref<1x64x512xf32, #tpu.memory_space<hbm>>) dst(%dma_wait3A_1152 : memref<1x64x512xf32, #tpu.memory_space<vmem>>)
    %mul3A_1155 = arith.constant 1024 : i32
    %mul3A_1156 = arith.muli %select_n3A_30, %mul3A_1155 : i32
    %add3A_1157 = arith.constant 768 : i32
    %add3A_1158 = arith.addi %mul3A_1156, %add3A_1157 : i32
    %multiple_of3A_1159 = tpu.assume_multiple %add3A_1158, 8 : i32
    %dma_start3A_1160 = arith.constant 0 : i32
    %dma_start3A_1161 = arith.constant 0 : i32
    %dma_start3A_1162 = arith.constant 0 : i32
    %dma_start3A_1163 = arith.constant 0 : i32
    %dma_start3A_1164 = arith.constant 0 : i32
    %dma_start3A_1165 = tpu.memref_slice %arg4[%dma_start3A_1160, %dma_start3A_1162, %dma_start3A_1163, %dma_start3A_1164] : memref<2x1x64x512xf32, #tpu.memory_space<vmem>> -> memref<1x1x64x512xf32, #tpu.memory_space<vmem>>
    %dma_start3A_1166 = tpu.memref_squeeze %dma_start3A_1165 : memref<1x1x64x512xf32, #tpu.memory_space<vmem>> -> memref<1x64x512xf32, #tpu.memory_space<vmem>>
    %dma_start3A_1167 = arith.constant 0 : i32
    %dma_start3A_1168 = tpu.memref_slice %arg3[%select_n3A, %multiple_of3A_1159, %dma_start3A_1167] : memref<16x2048x512xf32, #tpu.memory_space<hbm>> -> memref<1x64x512xf32, #tpu.memory_space<hbm>>
    %dma_start3A_1169 = tpu.memref_slice %arg6[%dma_start3A_1161] : memref<2x!tpu.dma_semaphore, #tpu.memory_space<semaphore_mem>> -> memref<1x!tpu.dma_semaphore, #tpu.memory_space<semaphore_mem>>
    %dma_start3A_1170 = tpu.memref_squeeze %dma_start3A_1169 : memref<1x!tpu.dma_semaphore, #tpu.memory_space<semaphore_mem>> -> memref<!tpu.dma_semaphore, #tpu.memory_space<semaphore_mem>>
    %dma_start3A_1171 = arith.constant 0 : i32
    %dma_start3A_1172 = tpu.memref_slice %arg3[%select_n3A, %multiple_of3A_1159, %dma_start3A_1171] : memref<16x2048x512xf32, #tpu.memory_space<hbm>> -> memref<1x64x512xf32, #tpu.memory_space<hbm>>
    %dma_start3A_1173 = arith.constant 0 : i32
    %dma_start3A_1174 = arith.constant 0 : i32
    %dma_start3A_1175 = arith.constant 0 : i32
    %dma_start3A_1176 = tpu.memref_slice %arg4[%dma_start3A_1160, %dma_start3A_1173, %dma_start3A_1174, %dma_start3A_1175] : memref<2x1x64x512xf32, #tpu.memory_space<vmem>> -> memref<1x1x64x512xf32, #tpu.memory_space<vmem>>
    %dma_start3A_1177 = tpu.memref_squeeze %dma_start3A_1176 : memref<1x1x64x512xf32, #tpu.memory_space<vmem>> -> memref<1x64x512xf32, #tpu.memory_space<vmem>>
    tpu.enqueue_dma source(%dma_start3A_1177 : memref<1x64x512xf32, #tpu.memory_space<vmem>>) target(%dma_start3A_1172 : memref<1x64x512xf32, #tpu.memory_space<hbm>>) target_semaphore(%dma_start3A_1170 : memref<!tpu.dma_semaphore, #tpu.memory_space<semaphore_mem>>)
    %mul3A_1178 = arith.constant 1024 : i32
    %mul3A_1179 = arith.muli %select_n3A_30, %mul3A_1178 : i32
    %add3A_1180 = arith.constant 704 : i32
    %add3A_1181 = arith.addi %mul3A_1179, %add3A_1180 : i32
    %multiple_of3A_1182 = tpu.assume_multiple %add3A_1181, 8 : i32
    %dma_wait3A_1183 = arith.constant 1 : i32
    %dma_wait3A_1184 = arith.constant 1 : i32
    %dma_wait3A_1185 = arith.constant 0 : i32
    %dma_wait3A_1186 = arith.constant 0 : i32
    %dma_wait3A_1187 = arith.constant 0 : i32
    %dma_wait3A_1188 = tpu.memref_slice %arg4[%dma_wait3A_1183, %dma_wait3A_1185, %dma_wait3A_1186, %dma_wait3A_1187] : memref<2x1x64x512xf32, #tpu.memory_space<vmem>> -> memref<1x1x64x512xf32, #tpu.memory_space<vmem>>
    %dma_wait3A_1189 = tpu.memref_squeeze %dma_wait3A_1188 : memref<1x1x64x512xf32, #tpu.memory_space<vmem>> -> memref<1x64x512xf32, #tpu.memory_space<vmem>>
    %dma_wait3A_1190 = arith.constant 0 : i32
    %dma_wait3A_1191 = tpu.memref_slice %arg3[%select_n3A, %multiple_of3A_1182, %dma_wait3A_1190] : memref<16x2048x512xf32, #tpu.memory_space<hbm>> -> memref<1x64x512xf32, #tpu.memory_space<hbm>>
    %dma_wait3A_1192 = tpu.memref_slice %arg6[%dma_wait3A_1184] : memref<2x!tpu.dma_semaphore, #tpu.memory_space<semaphore_mem>> -> memref<1x!tpu.dma_semaphore, #tpu.memory_space<semaphore_mem>>
    %dma_wait3A_1193 = tpu.memref_squeeze %dma_wait3A_1192 : memref<1x!tpu.dma_semaphore, #tpu.memory_space<semaphore_mem>> -> memref<!tpu.dma_semaphore, #tpu.memory_space<semaphore_mem>>
    %dma_wait3A_1194 = arith.constant 0 : i32
    %dma_wait3A_1195 = tpu.memref_slice %arg3[%select_n3A, %multiple_of3A_1182, %dma_wait3A_1194] : memref<16x2048x512xf32, #tpu.memory_space<hbm>> -> memref<1x64x512xf32, #tpu.memory_space<hbm>>
    %dma_wait3A_1196 = arith.constant 0 : i32
    %dma_wait3A_1197 = arith.constant 0 : i32
    %dma_wait3A_1198 = arith.constant 0 : i32
    %dma_wait3A_1199 = tpu.memref_slice %arg4[%dma_wait3A_1183, %dma_wait3A_1196, %dma_wait3A_1197, %dma_wait3A_1198] : memref<2x1x64x512xf32, #tpu.memory_space<vmem>> -> memref<1x1x64x512xf32, #tpu.memory_space<vmem>>
    %dma_wait3A_1200 = tpu.memref_squeeze %dma_wait3A_1199 : memref<1x1x64x512xf32, #tpu.memory_space<vmem>> -> memref<1x64x512xf32, #tpu.memory_space<vmem>>
    tpu.wait_dma2 semaphore(%dma_wait3A_1193 : memref<!tpu.dma_semaphore, #tpu.memory_space<semaphore_mem>>) src(%dma_wait3A_1200 : memref<1x64x512xf32, #tpu.memory_space<vmem>>) dst(%dma_wait3A_1195 : memref<1x64x512xf32, #tpu.memory_space<hbm>>)
    %mul3A_1201 = arith.constant 1024 : i32
    %mul3A_1202 = arith.muli %select_n3A_30, %mul3A_1201 : i32
    %add3A_1203 = arith.constant 832 : i32
    %add3A_1204 = arith.addi %mul3A_1202, %add3A_1203 : i32
    %multiple_of3A_1205 = tpu.assume_multiple %add3A_1204, 8 : i32
    %dma_start3A_1206 = arith.constant 1 : i32
    %dma_start3A_1207 = arith.constant 1 : i32
    %dma_start3A_1208 = arith.constant 0 : i32
    %dma_start3A_1209 = arith.constant 0 : i32
    %dma_start3A_1210 = arith.constant 0 : i32
    %dma_start3A_1211 = tpu.memref_slice %arg4[%dma_start3A_1206, %dma_start3A_1208, %dma_start3A_1209, %dma_start3A_1210] : memref<2x1x64x512xf32, #tpu.memory_space<vmem>> -> memref<1x1x64x512xf32, #tpu.memory_space<vmem>>
    %dma_start3A_1212 = tpu.memref_squeeze %dma_start3A_1211 : memref<1x1x64x512xf32, #tpu.memory_space<vmem>> -> memref<1x64x512xf32, #tpu.memory_space<vmem>>
    %dma_start3A_1213 = arith.constant 0 : i32
    %dma_start3A_1214 = tpu.memref_slice %arg2[%select_n3A, %multiple_of3A_1205, %dma_start3A_1213] : memref<16x2048x512xf32, #tpu.memory_space<hbm>> -> memref<1x64x512xf32, #tpu.memory_space<hbm>>
    %dma_start3A_1215 = tpu.memref_slice %arg5[%dma_start3A_1207] : memref<2x!tpu.dma_semaphore, #tpu.memory_space<semaphore_mem>> -> memref<1x!tpu.dma_semaphore, #tpu.memory_space<semaphore_mem>>
    %dma_start3A_1216 = tpu.memref_squeeze %dma_start3A_1215 : memref<1x!tpu.dma_semaphore, #tpu.memory_space<semaphore_mem>> -> memref<!tpu.dma_semaphore, #tpu.memory_space<semaphore_mem>>
    %dma_start3A_1217 = arith.constant 0 : i32
    %dma_start3A_1218 = arith.constant 0 : i32
    %dma_start3A_1219 = arith.constant 0 : i32
    %dma_start3A_1220 = tpu.memref_slice %arg4[%dma_start3A_1206, %dma_start3A_1217, %dma_start3A_1218, %dma_start3A_1219] : memref<2x1x64x512xf32, #tpu.memory_space<vmem>> -> memref<1x1x64x512xf32, #tpu.memory_space<vmem>>
    %dma_start3A_1221 = tpu.memref_squeeze %dma_start3A_1220 : memref<1x1x64x512xf32, #tpu.memory_space<vmem>> -> memref<1x64x512xf32, #tpu.memory_space<vmem>>
    %dma_start3A_1222 = arith.constant 0 : i32
    %dma_start3A_1223 = tpu.memref_slice %arg2[%select_n3A, %multiple_of3A_1205, %dma_start3A_1222] : memref<16x2048x512xf32, #tpu.memory_space<hbm>> -> memref<1x64x512xf32, #tpu.memory_space<hbm>>
    tpu.enqueue_dma source(%dma_start3A_1223 : memref<1x64x512xf32, #tpu.memory_space<hbm>>) target(%dma_start3A_1221 : memref<1x64x512xf32, #tpu.memory_space<vmem>>) target_semaphore(%dma_start3A_1216 : memref<!tpu.dma_semaphore, #tpu.memory_space<semaphore_mem>>)
    %mul3A_1224 = arith.constant 1024 : i32
    %mul3A_1225 = arith.muli %select_n3A_30, %mul3A_1224 : i32
    %add3A_1226 = arith.constant 832 : i32
    %add3A_1227 = arith.addi %mul3A_1225, %add3A_1226 : i32
    %multiple_of3A_1228 = tpu.assume_multiple %add3A_1227, 8 : i32
    %dma_wait3A_1229 = arith.constant 1 : i32
    %dma_wait3A_1230 = arith.constant 1 : i32
    %dma_wait3A_1231 = arith.constant 0 : i32
    %dma_wait3A_1232 = arith.constant 0 : i32
    %dma_wait3A_1233 = arith.constant 0 : i32
    %dma_wait3A_1234 = tpu.memref_slice %arg4[%dma_wait3A_1229, %dma_wait3A_1231, %dma_wait3A_1232, %dma_wait3A_1233] : memref<2x1x64x512xf32, #tpu.memory_space<vmem>> -> memref<1x1x64x512xf32, #tpu.memory_space<vmem>>
    %dma_wait3A_1235 = tpu.memref_squeeze %dma_wait3A_1234 : memref<1x1x64x512xf32, #tpu.memory_space<vmem>> -> memref<1x64x512xf32, #tpu.memory_space<vmem>>
    %dma_wait3A_1236 = arith.constant 0 : i32
    %dma_wait3A_1237 = tpu.memref_slice %arg2[%select_n3A, %multiple_of3A_1228, %dma_wait3A_1236] : memref<16x2048x512xf32, #tpu.memory_space<hbm>> -> memref<1x64x512xf32, #tpu.memory_space<hbm>>
    %dma_wait3A_1238 = tpu.memref_slice %arg5[%dma_wait3A_1230] : memref<2x!tpu.dma_semaphore, #tpu.memory_space<semaphore_mem>> -> memref<1x!tpu.dma_semaphore, #tpu.memory_space<semaphore_mem>>
    %dma_wait3A_1239 = tpu.memref_squeeze %dma_wait3A_1238 : memref<1x!tpu.dma_semaphore, #tpu.memory_space<semaphore_mem>> -> memref<!tpu.dma_semaphore, #tpu.memory_space<semaphore_mem>>
    %dma_wait3A_1240 = arith.constant 0 : i32
    %dma_wait3A_1241 = arith.constant 0 : i32
    %dma_wait3A_1242 = arith.constant 0 : i32
    %dma_wait3A_1243 = tpu.memref_slice %arg4[%dma_wait3A_1229, %dma_wait3A_1240, %dma_wait3A_1241, %dma_wait3A_1242] : memref<2x1x64x512xf32, #tpu.memory_space<vmem>> -> memref<1x1x64x512xf32, #tpu.memory_space<vmem>>
    %dma_wait3A_1244 = tpu.memref_squeeze %dma_wait3A_1243 : memref<1x1x64x512xf32, #tpu.memory_space<vmem>> -> memref<1x64x512xf32, #tpu.memory_space<vmem>>
    %dma_wait3A_1245 = arith.constant 0 : i32
    %dma_wait3A_1246 = tpu.memref_slice %arg2[%select_n3A, %multiple_of3A_1228, %dma_wait3A_1245] : memref<16x2048x512xf32, #tpu.memory_space<hbm>> -> memref<1x64x512xf32, #tpu.memory_space<hbm>>
    tpu.wait_dma2 semaphore(%dma_wait3A_1239 : memref<!tpu.dma_semaphore, #tpu.memory_space<semaphore_mem>>) src(%dma_wait3A_1246 : memref<1x64x512xf32, #tpu.memory_space<hbm>>) dst(%dma_wait3A_1244 : memref<1x64x512xf32, #tpu.memory_space<vmem>>)
    %mul3A_1247 = arith.constant 1024 : i32
    %mul3A_1248 = arith.muli %select_n3A_30, %mul3A_1247 : i32
    %add3A_1249 = arith.constant 832 : i32
    %add3A_1250 = arith.addi %mul3A_1248, %add3A_1249 : i32
    %multiple_of3A_1251 = tpu.assume_multiple %add3A_1250, 8 : i32
    %dma_start3A_1252 = arith.constant 1 : i32
    %dma_start3A_1253 = arith.constant 1 : i32
    %dma_start3A_1254 = arith.constant 0 : i32
    %dma_start3A_1255 = arith.constant 0 : i32
    %dma_start3A_1256 = arith.constant 0 : i32
    %dma_start3A_1257 = tpu.memref_slice %arg4[%dma_start3A_1252, %dma_start3A_1254, %dma_start3A_1255, %dma_start3A_1256] : memref<2x1x64x512xf32, #tpu.memory_space<vmem>> -> memref<1x1x64x512xf32, #tpu.memory_space<vmem>>
    %dma_start3A_1258 = tpu.memref_squeeze %dma_start3A_1257 : memref<1x1x64x512xf32, #tpu.memory_space<vmem>> -> memref<1x64x512xf32, #tpu.memory_space<vmem>>
    %dma_start3A_1259 = arith.constant 0 : i32
    %dma_start3A_1260 = tpu.memref_slice %arg3[%select_n3A, %multiple_of3A_1251, %dma_start3A_1259] : memref<16x2048x512xf32, #tpu.memory_space<hbm>> -> memref<1x64x512xf32, #tpu.memory_space<hbm>>
    %dma_start3A_1261 = tpu.memref_slice %arg6[%dma_start3A_1253] : memref<2x!tpu.dma_semaphore, #tpu.memory_space<semaphore_mem>> -> memref<1x!tpu.dma_semaphore, #tpu.memory_space<semaphore_mem>>
    %dma_start3A_1262 = tpu.memref_squeeze %dma_start3A_1261 : memref<1x!tpu.dma_semaphore, #tpu.memory_space<semaphore_mem>> -> memref<!tpu.dma_semaphore, #tpu.memory_space<semaphore_mem>>
    %dma_start3A_1263 = arith.constant 0 : i32
    %dma_start3A_1264 = tpu.memref_slice %arg3[%select_n3A, %multiple_of3A_1251, %dma_start3A_1263] : memref<16x2048x512xf32, #tpu.memory_space<hbm>> -> memref<1x64x512xf32, #tpu.memory_space<hbm>>
    %dma_start3A_1265 = arith.constant 0 : i32
    %dma_start3A_1266 = arith.constant 0 : i32
    %dma_start3A_1267 = arith.constant 0 : i32
    %dma_start3A_1268 = tpu.memref_slice %arg4[%dma_start3A_1252, %dma_start3A_1265, %dma_start3A_1266, %dma_start3A_1267] : memref<2x1x64x512xf32, #tpu.memory_space<vmem>> -> memref<1x1x64x512xf32, #tpu.memory_space<vmem>>
    %dma_start3A_1269 = tpu.memref_squeeze %dma_start3A_1268 : memref<1x1x64x512xf32, #tpu.memory_space<vmem>> -> memref<1x64x512xf32, #tpu.memory_space<vmem>>
    tpu.enqueue_dma source(%dma_start3A_1269 : memref<1x64x512xf32, #tpu.memory_space<vmem>>) target(%dma_start3A_1264 : memref<1x64x512xf32, #tpu.memory_space<hbm>>) target_semaphore(%dma_start3A_1262 : memref<!tpu.dma_semaphore, #tpu.memory_space<semaphore_mem>>)
    %mul3A_1270 = arith.constant 1024 : i32
    %mul3A_1271 = arith.muli %select_n3A_30, %mul3A_1270 : i32
    %add3A_1272 = arith.constant 768 : i32
    %add3A_1273 = arith.addi %mul3A_1271, %add3A_1272 : i32
    %multiple_of3A_1274 = tpu.assume_multiple %add3A_1273, 8 : i32
    %dma_wait3A_1275 = arith.constant 0 : i32
    %dma_wait3A_1276 = arith.constant 0 : i32
    %dma_wait3A_1277 = arith.constant 0 : i32
    %dma_wait3A_1278 = arith.constant 0 : i32
    %dma_wait3A_1279 = arith.constant 0 : i32
    %dma_wait3A_1280 = tpu.memref_slice %arg4[%dma_wait3A_1275, %dma_wait3A_1277, %dma_wait3A_1278, %dma_wait3A_1279] : memref<2x1x64x512xf32, #tpu.memory_space<vmem>> -> memref<1x1x64x512xf32, #tpu.memory_space<vmem>>
    %dma_wait3A_1281 = tpu.memref_squeeze %dma_wait3A_1280 : memref<1x1x64x512xf32, #tpu.memory_space<vmem>> -> memref<1x64x512xf32, #tpu.memory_space<vmem>>
    %dma_wait3A_1282 = arith.constant 0 : i32
    %dma_wait3A_1283 = tpu.memref_slice %arg3[%select_n3A, %multiple_of3A_1274, %dma_wait3A_1282] : memref<16x2048x512xf32, #tpu.memory_space<hbm>> -> memref<1x64x512xf32, #tpu.memory_space<hbm>>
    %dma_wait3A_1284 = tpu.memref_slice %arg6[%dma_wait3A_1276] : memref<2x!tpu.dma_semaphore, #tpu.memory_space<semaphore_mem>> -> memref<1x!tpu.dma_semaphore, #tpu.memory_space<semaphore_mem>>
    %dma_wait3A_1285 = tpu.memref_squeeze %dma_wait3A_1284 : memref<1x!tpu.dma_semaphore, #tpu.memory_space<semaphore_mem>> -> memref<!tpu.dma_semaphore, #tpu.memory_space<semaphore_mem>>
    %dma_wait3A_1286 = arith.constant 0 : i32
    %dma_wait3A_1287 = tpu.memref_slice %arg3[%select_n3A, %multiple_of3A_1274, %dma_wait3A_1286] : memref<16x2048x512xf32, #tpu.memory_space<hbm>> -> memref<1x64x512xf32, #tpu.memory_space<hbm>>
    %dma_wait3A_1288 = arith.constant 0 : i32
    %dma_wait3A_1289 = arith.constant 0 : i32
    %dma_wait3A_1290 = arith.constant 0 : i32
    %dma_wait3A_1291 = tpu.memref_slice %arg4[%dma_wait3A_1275, %dma_wait3A_1288, %dma_wait3A_1289, %dma_wait3A_1290] : memref<2x1x64x512xf32, #tpu.memory_space<vmem>> -> memref<1x1x64x512xf32, #tpu.memory_space<vmem>>
    %dma_wait3A_1292 = tpu.memref_squeeze %dma_wait3A_1291 : memref<1x1x64x512xf32, #tpu.memory_space<vmem>> -> memref<1x64x512xf32, #tpu.memory_space<vmem>>
    tpu.wait_dma2 semaphore(%dma_wait3A_1285 : memref<!tpu.dma_semaphore, #tpu.memory_space<semaphore_mem>>) src(%dma_wait3A_1292 : memref<1x64x512xf32, #tpu.memory_space<vmem>>) dst(%dma_wait3A_1287 : memref<1x64x512xf32, #tpu.memory_space<hbm>>)
    %mul3A_1293 = arith.constant 1024 : i32
    %mul3A_1294 = arith.muli %select_n3A_30, %mul3A_1293 : i32
    %add3A_1295 = arith.constant 896 : i32
    %add3A_1296 = arith.addi %mul3A_1294, %add3A_1295 : i32
    %multiple_of3A_1297 = tpu.assume_multiple %add3A_1296, 8 : i32
    %dma_start3A_1298 = arith.constant 0 : i32
    %dma_start3A_1299 = arith.constant 0 : i32
    %dma_start3A_1300 = arith.constant 0 : i32
    %dma_start3A_1301 = arith.constant 0 : i32
    %dma_start3A_1302 = arith.constant 0 : i32
    %dma_start3A_1303 = tpu.memref_slice %arg4[%dma_start3A_1298, %dma_start3A_1300, %dma_start3A_1301, %dma_start3A_1302] : memref<2x1x64x512xf32, #tpu.memory_space<vmem>> -> memref<1x1x64x512xf32, #tpu.memory_space<vmem>>
    %dma_start3A_1304 = tpu.memref_squeeze %dma_start3A_1303 : memref<1x1x64x512xf32, #tpu.memory_space<vmem>> -> memref<1x64x512xf32, #tpu.memory_space<vmem>>
    %dma_start3A_1305 = arith.constant 0 : i32
    %dma_start3A_1306 = tpu.memref_slice %arg2[%select_n3A, %multiple_of3A_1297, %dma_start3A_1305] : memref<16x2048x512xf32, #tpu.memory_space<hbm>> -> memref<1x64x512xf32, #tpu.memory_space<hbm>>
    %dma_start3A_1307 = tpu.memref_slice %arg5[%dma_start3A_1299] : memref<2x!tpu.dma_semaphore, #tpu.memory_space<semaphore_mem>> -> memref<1x!tpu.dma_semaphore, #tpu.memory_space<semaphore_mem>>
    %dma_start3A_1308 = tpu.memref_squeeze %dma_start3A_1307 : memref<1x!tpu.dma_semaphore, #tpu.memory_space<semaphore_mem>> -> memref<!tpu.dma_semaphore, #tpu.memory_space<semaphore_mem>>
    %dma_start3A_1309 = arith.constant 0 : i32
    %dma_start3A_1310 = arith.constant 0 : i32
    %dma_start3A_1311 = arith.constant 0 : i32
    %dma_start3A_1312 = tpu.memref_slice %arg4[%dma_start3A_1298, %dma_start3A_1309, %dma_start3A_1310, %dma_start3A_1311] : memref<2x1x64x512xf32, #tpu.memory_space<vmem>> -> memref<1x1x64x512xf32, #tpu.memory_space<vmem>>
    %dma_start3A_1313 = tpu.memref_squeeze %dma_start3A_1312 : memref<1x1x64x512xf32, #tpu.memory_space<vmem>> -> memref<1x64x512xf32, #tpu.memory_space<vmem>>
    %dma_start3A_1314 = arith.constant 0 : i32
    %dma_start3A_1315 = tpu.memref_slice %arg2[%select_n3A, %multiple_of3A_1297, %dma_start3A_1314] : memref<16x2048x512xf32, #tpu.memory_space<hbm>> -> memref<1x64x512xf32, #tpu.memory_space<hbm>>
    tpu.enqueue_dma source(%dma_start3A_1315 : memref<1x64x512xf32, #tpu.memory_space<hbm>>) target(%dma_start3A_1313 : memref<1x64x512xf32, #tpu.memory_space<vmem>>) target_semaphore(%dma_start3A_1308 : memref<!tpu.dma_semaphore, #tpu.memory_space<semaphore_mem>>)
    %mul3A_1316 = arith.constant 1024 : i32
    %mul3A_1317 = arith.muli %select_n3A_30, %mul3A_1316 : i32
    %add3A_1318 = arith.constant 896 : i32
    %add3A_1319 = arith.addi %mul3A_1317, %add3A_1318 : i32
    %multiple_of3A_1320 = tpu.assume_multiple %add3A_1319, 8 : i32
    %dma_wait3A_1321 = arith.constant 0 : i32
    %dma_wait3A_1322 = arith.constant 0 : i32
    %dma_wait3A_1323 = arith.constant 0 : i32
    %dma_wait3A_1324 = arith.constant 0 : i32
    %dma_wait3A_1325 = arith.constant 0 : i32
    %dma_wait3A_1326 = tpu.memref_slice %arg4[%dma_wait3A_1321, %dma_wait3A_1323, %dma_wait3A_1324, %dma_wait3A_1325] : memref<2x1x64x512xf32, #tpu.memory_space<vmem>> -> memref<1x1x64x512xf32, #tpu.memory_space<vmem>>
    %dma_wait3A_1327 = tpu.memref_squeeze %dma_wait3A_1326 : memref<1x1x64x512xf32, #tpu.memory_space<vmem>> -> memref<1x64x512xf32, #tpu.memory_space<vmem>>
    %dma_wait3A_1328 = arith.constant 0 : i32
    %dma_wait3A_1329 = tpu.memref_slice %arg2[%select_n3A, %multiple_of3A_1320, %dma_wait3A_1328] : memref<16x2048x512xf32, #tpu.memory_space<hbm>> -> memref<1x64x512xf32, #tpu.memory_space<hbm>>
    %dma_wait3A_1330 = tpu.memref_slice %arg5[%dma_wait3A_1322] : memref<2x!tpu.dma_semaphore, #tpu.memory_space<semaphore_mem>> -> memref<1x!tpu.dma_semaphore, #tpu.memory_space<semaphore_mem>>
    %dma_wait3A_1331 = tpu.memref_squeeze %dma_wait3A_1330 : memref<1x!tpu.dma_semaphore, #tpu.memory_space<semaphore_mem>> -> memref<!tpu.dma_semaphore, #tpu.memory_space<semaphore_mem>>
    %dma_wait3A_1332 = arith.constant 0 : i32
    %dma_wait3A_1333 = arith.constant 0 : i32
    %dma_wait3A_1334 = arith.constant 0 : i32
    %dma_wait3A_1335 = tpu.memref_slice %arg4[%dma_wait3A_1321, %dma_wait3A_1332, %dma_wait3A_1333, %dma_wait3A_1334] : memref<2x1x64x512xf32, #tpu.memory_space<vmem>> -> memref<1x1x64x512xf32, #tpu.memory_space<vmem>>
    %dma_wait3A_1336 = tpu.memref_squeeze %dma_wait3A_1335 : memref<1x1x64x512xf32, #tpu.memory_space<vmem>> -> memref<1x64x512xf32, #tpu.memory_space<vmem>>
    %dma_wait3A_1337 = arith.constant 0 : i32
    %dma_wait3A_1338 = tpu.memref_slice %arg2[%select_n3A, %multiple_of3A_1320, %dma_wait3A_1337] : memref<16x2048x512xf32, #tpu.memory_space<hbm>> -> memref<1x64x512xf32, #tpu.memory_space<hbm>>
    tpu.wait_dma2 semaphore(%dma_wait3A_1331 : memref<!tpu.dma_semaphore, #tpu.memory_space<semaphore_mem>>) src(%dma_wait3A_1338 : memref<1x64x512xf32, #tpu.memory_space<hbm>>) dst(%dma_wait3A_1336 : memref<1x64x512xf32, #tpu.memory_space<vmem>>)
    %mul3A_1339 = arith.constant 1024 : i32
    %mul3A_1340 = arith.muli %select_n3A_30, %mul3A_1339 : i32
    %add3A_1341 = arith.constant 896 : i32
    %add3A_1342 = arith.addi %mul3A_1340, %add3A_1341 : i32
    %multiple_of3A_1343 = tpu.assume_multiple %add3A_1342, 8 : i32
    %dma_start3A_1344 = arith.constant 0 : i32
    %dma_start3A_1345 = arith.constant 0 : i32
    %dma_start3A_1346 = arith.constant 0 : i32
    %dma_start3A_1347 = arith.constant 0 : i32
    %dma_start3A_1348 = arith.constant 0 : i32
    %dma_start3A_1349 = tpu.memref_slice %arg4[%dma_start3A_1344, %dma_start3A_1346, %dma_start3A_1347, %dma_start3A_1348] : memref<2x1x64x512xf32, #tpu.memory_space<vmem>> -> memref<1x1x64x512xf32, #tpu.memory_space<vmem>>
    %dma_start3A_1350 = tpu.memref_squeeze %dma_start3A_1349 : memref<1x1x64x512xf32, #tpu.memory_space<vmem>> -> memref<1x64x512xf32, #tpu.memory_space<vmem>>
    %dma_start3A_1351 = arith.constant 0 : i32
    %dma_start3A_1352 = tpu.memref_slice %arg3[%select_n3A, %multiple_of3A_1343, %dma_start3A_1351] : memref<16x2048x512xf32, #tpu.memory_space<hbm>> -> memref<1x64x512xf32, #tpu.memory_space<hbm>>
    %dma_start3A_1353 = tpu.memref_slice %arg6[%dma_start3A_1345] : memref<2x!tpu.dma_semaphore, #tpu.memory_space<semaphore_mem>> -> memref<1x!tpu.dma_semaphore, #tpu.memory_space<semaphore_mem>>
    %dma_start3A_1354 = tpu.memref_squeeze %dma_start3A_1353 : memref<1x!tpu.dma_semaphore, #tpu.memory_space<semaphore_mem>> -> memref<!tpu.dma_semaphore, #tpu.memory_space<semaphore_mem>>
    %dma_start3A_1355 = arith.constant 0 : i32
    %dma_start3A_1356 = tpu.memref_slice %arg3[%select_n3A, %multiple_of3A_1343, %dma_start3A_1355] : memref<16x2048x512xf32, #tpu.memory_space<hbm>> -> memref<1x64x512xf32, #tpu.memory_space<hbm>>
    %dma_start3A_1357 = arith.constant 0 : i32
    %dma_start3A_1358 = arith.constant 0 : i32
    %dma_start3A_1359 = arith.constant 0 : i32
    %dma_start3A_1360 = tpu.memref_slice %arg4[%dma_start3A_1344, %dma_start3A_1357, %dma_start3A_1358, %dma_start3A_1359] : memref<2x1x64x512xf32, #tpu.memory_space<vmem>> -> memref<1x1x64x512xf32, #tpu.memory_space<vmem>>
    %dma_start3A_1361 = tpu.memref_squeeze %dma_start3A_1360 : memref<1x1x64x512xf32, #tpu.memory_space<vmem>> -> memref<1x64x512xf32, #tpu.memory_space<vmem>>
    tpu.enqueue_dma source(%dma_start3A_1361 : memref<1x64x512xf32, #tpu.memory_space<vmem>>) target(%dma_start3A_1356 : memref<1x64x512xf32, #tpu.memory_space<hbm>>) target_semaphore(%dma_start3A_1354 : memref<!tpu.dma_semaphore, #tpu.memory_space<semaphore_mem>>)
    %mul3A_1362 = arith.constant 1024 : i32
    %mul3A_1363 = arith.muli %select_n3A_30, %mul3A_1362 : i32
    %add3A_1364 = arith.constant 832 : i32
    %add3A_1365 = arith.addi %mul3A_1363, %add3A_1364 : i32
    %multiple_of3A_1366 = tpu.assume_multiple %add3A_1365, 8 : i32
    %dma_wait3A_1367 = arith.constant 1 : i32
    %dma_wait3A_1368 = arith.constant 1 : i32
    %dma_wait3A_1369 = arith.constant 0 : i32
    %dma_wait3A_1370 = arith.constant 0 : i32
    %dma_wait3A_1371 = arith.constant 0 : i32
    %dma_wait3A_1372 = tpu.memref_slice %arg4[%dma_wait3A_1367, %dma_wait3A_1369, %dma_wait3A_1370, %dma_wait3A_1371] : memref<2x1x64x512xf32, #tpu.memory_space<vmem>> -> memref<1x1x64x512xf32, #tpu.memory_space<vmem>>
    %dma_wait3A_1373 = tpu.memref_squeeze %dma_wait3A_1372 : memref<1x1x64x512xf32, #tpu.memory_space<vmem>> -> memref<1x64x512xf32, #tpu.memory_space<vmem>>
    %dma_wait3A_1374 = arith.constant 0 : i32
    %dma_wait3A_1375 = tpu.memref_slice %arg3[%select_n3A, %multiple_of3A_1366, %dma_wait3A_1374] : memref<16x2048x512xf32, #tpu.memory_space<hbm>> -> memref<1x64x512xf32, #tpu.memory_space<hbm>>
    %dma_wait3A_1376 = tpu.memref_slice %arg6[%dma_wait3A_1368] : memref<2x!tpu.dma_semaphore, #tpu.memory_space<semaphore_mem>> -> memref<1x!tpu.dma_semaphore, #tpu.memory_space<semaphore_mem>>
    %dma_wait3A_1377 = tpu.memref_squeeze %dma_wait3A_1376 : memref<1x!tpu.dma_semaphore, #tpu.memory_space<semaphore_mem>> -> memref<!tpu.dma_semaphore, #tpu.memory_space<semaphore_mem>>
    %dma_wait3A_1378 = arith.constant 0 : i32
    %dma_wait3A_1379 = tpu.memref_slice %arg3[%select_n3A, %multiple_of3A_1366, %dma_wait3A_1378] : memref<16x2048x512xf32, #tpu.memory_space<hbm>> -> memref<1x64x512xf32, #tpu.memory_space<hbm>>
    %dma_wait3A_1380 = arith.constant 0 : i32
    %dma_wait3A_1381 = arith.constant 0 : i32
    %dma_wait3A_1382 = arith.constant 0 : i32
    %dma_wait3A_1383 = tpu.memref_slice %arg4[%dma_wait3A_1367, %dma_wait3A_1380, %dma_wait3A_1381, %dma_wait3A_1382] : memref<2x1x64x512xf32, #tpu.memory_space<vmem>> -> memref<1x1x64x512xf32, #tpu.memory_space<vmem>>
    %dma_wait3A_1384 = tpu.memref_squeeze %dma_wait3A_1383 : memref<1x1x64x512xf32, #tpu.memory_space<vmem>> -> memref<1x64x512xf32, #tpu.memory_space<vmem>>
    tpu.wait_dma2 semaphore(%dma_wait3A_1377 : memref<!tpu.dma_semaphore, #tpu.memory_space<semaphore_mem>>) src(%dma_wait3A_1384 : memref<1x64x512xf32, #tpu.memory_space<vmem>>) dst(%dma_wait3A_1379 : memref<1x64x512xf32, #tpu.memory_space<hbm>>)
    %mul3A_1385 = arith.constant 1024 : i32
    %mul3A_1386 = arith.muli %select_n3A_30, %mul3A_1385 : i32
    %add3A_1387 = arith.constant 960 : i32
    %add3A_1388 = arith.addi %mul3A_1386, %add3A_1387 : i32
    %multiple_of3A_1389 = tpu.assume_multiple %add3A_1388, 8 : i32
    %dma_start3A_1390 = arith.constant 1 : i32
    %dma_start3A_1391 = arith.constant 1 : i32
    %dma_start3A_1392 = arith.constant 0 : i32
    %dma_start3A_1393 = arith.constant 0 : i32
    %dma_start3A_1394 = arith.constant 0 : i32
    %dma_start3A_1395 = tpu.memref_slice %arg4[%dma_start3A_1390, %dma_start3A_1392, %dma_start3A_1393, %dma_start3A_1394] : memref<2x1x64x512xf32, #tpu.memory_space<vmem>> -> memref<1x1x64x512xf32, #tpu.memory_space<vmem>>
    %dma_start3A_1396 = tpu.memref_squeeze %dma_start3A_1395 : memref<1x1x64x512xf32, #tpu.memory_space<vmem>> -> memref<1x64x512xf32, #tpu.memory_space<vmem>>
    %dma_start3A_1397 = arith.constant 0 : i32
    %dma_start3A_1398 = tpu.memref_slice %arg2[%select_n3A, %multiple_of3A_1389, %dma_start3A_1397] : memref<16x2048x512xf32, #tpu.memory_space<hbm>> -> memref<1x64x512xf32, #tpu.memory_space<hbm>>
    %dma_start3A_1399 = tpu.memref_slice %arg5[%dma_start3A_1391] : memref<2x!tpu.dma_semaphore, #tpu.memory_space<semaphore_mem>> -> memref<1x!tpu.dma_semaphore, #tpu.memory_space<semaphore_mem>>
    %dma_start3A_1400 = tpu.memref_squeeze %dma_start3A_1399 : memref<1x!tpu.dma_semaphore, #tpu.memory_space<semaphore_mem>> -> memref<!tpu.dma_semaphore, #tpu.memory_space<semaphore_mem>>
    %dma_start3A_1401 = arith.constant 0 : i32
    %dma_start3A_1402 = arith.constant 0 : i32
    %dma_start3A_1403 = arith.constant 0 : i32
    %dma_start3A_1404 = tpu.memref_slice %arg4[%dma_start3A_1390, %dma_start3A_1401, %dma_start3A_1402, %dma_start3A_1403] : memref<2x1x64x512xf32, #tpu.memory_space<vmem>> -> memref<1x1x64x512xf32, #tpu.memory_space<vmem>>
    %dma_start3A_1405 = tpu.memref_squeeze %dma_start3A_1404 : memref<1x1x64x512xf32, #tpu.memory_space<vmem>> -> memref<1x64x512xf32, #tpu.memory_space<vmem>>
    %dma_start3A_1406 = arith.constant 0 : i32
    %dma_start3A_1407 = tpu.memref_slice %arg2[%select_n3A, %multiple_of3A_1389, %dma_start3A_1406] : memref<16x2048x512xf32, #tpu.memory_space<hbm>> -> memref<1x64x512xf32, #tpu.memory_space<hbm>>
    tpu.enqueue_dma source(%dma_start3A_1407 : memref<1x64x512xf32, #tpu.memory_space<hbm>>) target(%dma_start3A_1405 : memref<1x64x512xf32, #tpu.memory_space<vmem>>) target_semaphore(%dma_start3A_1400 : memref<!tpu.dma_semaphore, #tpu.memory_space<semaphore_mem>>)
    %mul3A_1408 = arith.constant 1024 : i32
    %mul3A_1409 = arith.muli %select_n3A_30, %mul3A_1408 : i32
    %add3A_1410 = arith.constant 960 : i32
    %add3A_1411 = arith.addi %mul3A_1409, %add3A_1410 : i32
    %multiple_of3A_1412 = tpu.assume_multiple %add3A_1411, 8 : i32
    %dma_wait3A_1413 = arith.constant 1 : i32
    %dma_wait3A_1414 = arith.constant 1 : i32
    %dma_wait3A_1415 = arith.constant 0 : i32
    %dma_wait3A_1416 = arith.constant 0 : i32
    %dma_wait3A_1417 = arith.constant 0 : i32
    %dma_wait3A_1418 = tpu.memref_slice %arg4[%dma_wait3A_1413, %dma_wait3A_1415, %dma_wait3A_1416, %dma_wait3A_1417] : memref<2x1x64x512xf32, #tpu.memory_space<vmem>> -> memref<1x1x64x512xf32, #tpu.memory_space<vmem>>
    %dma_wait3A_1419 = tpu.memref_squeeze %dma_wait3A_1418 : memref<1x1x64x512xf32, #tpu.memory_space<vmem>> -> memref<1x64x512xf32, #tpu.memory_space<vmem>>
    %dma_wait3A_1420 = arith.constant 0 : i32
    %dma_wait3A_1421 = tpu.memref_slice %arg2[%select_n3A, %multiple_of3A_1412, %dma_wait3A_1420] : memref<16x2048x512xf32, #tpu.memory_space<hbm>> -> memref<1x64x512xf32, #tpu.memory_space<hbm>>
    %dma_wait3A_1422 = tpu.memref_slice %arg5[%dma_wait3A_1414] : memref<2x!tpu.dma_semaphore, #tpu.memory_space<semaphore_mem>> -> memref<1x!tpu.dma_semaphore, #tpu.memory_space<semaphore_mem>>
    %dma_wait3A_1423 = tpu.memref_squeeze %dma_wait3A_1422 : memref<1x!tpu.dma_semaphore, #tpu.memory_space<semaphore_mem>> -> memref<!tpu.dma_semaphore, #tpu.memory_space<semaphore_mem>>
    %dma_wait3A_1424 = arith.constant 0 : i32
    %dma_wait3A_1425 = arith.constant 0 : i32
    %dma_wait3A_1426 = arith.constant 0 : i32
    %dma_wait3A_1427 = tpu.memref_slice %arg4[%dma_wait3A_1413, %dma_wait3A_1424, %dma_wait3A_1425, %dma_wait3A_1426] : memref<2x1x64x512xf32, #tpu.memory_space<vmem>> -> memref<1x1x64x512xf32, #tpu.memory_space<vmem>>
    %dma_wait3A_1428 = tpu.memref_squeeze %dma_wait3A_1427 : memref<1x1x64x512xf32, #tpu.memory_space<vmem>> -> memref<1x64x512xf32, #tpu.memory_space<vmem>>
    %dma_wait3A_1429 = arith.constant 0 : i32
    %dma_wait3A_1430 = tpu.memref_slice %arg2[%select_n3A, %multiple_of3A_1412, %dma_wait3A_1429] : memref<16x2048x512xf32, #tpu.memory_space<hbm>> -> memref<1x64x512xf32, #tpu.memory_space<hbm>>
    tpu.wait_dma2 semaphore(%dma_wait3A_1423 : memref<!tpu.dma_semaphore, #tpu.memory_space<semaphore_mem>>) src(%dma_wait3A_1430 : memref<1x64x512xf32, #tpu.memory_space<hbm>>) dst(%dma_wait3A_1428 : memref<1x64x512xf32, #tpu.memory_space<vmem>>)
    %mul3A_1431 = arith.constant 1024 : i32
    %mul3A_1432 = arith.muli %select_n3A_30, %mul3A_1431 : i32
    %add3A_1433 = arith.constant 960 : i32
    %add3A_1434 = arith.addi %mul3A_1432, %add3A_1433 : i32
    %multiple_of3A_1435 = tpu.assume_multiple %add3A_1434, 8 : i32
    %dma_start3A_1436 = arith.constant 1 : i32
    %dma_start3A_1437 = arith.constant 1 : i32
    %dma_start3A_1438 = arith.constant 0 : i32
    %dma_start3A_1439 = arith.constant 0 : i32
    %dma_start3A_1440 = arith.constant 0 : i32
    %dma_start3A_1441 = tpu.memref_slice %arg4[%dma_start3A_1436, %dma_start3A_1438, %dma_start3A_1439, %dma_start3A_1440] : memref<2x1x64x512xf32, #tpu.memory_space<vmem>> -> memref<1x1x64x512xf32, #tpu.memory_space<vmem>>
    %dma_start3A_1442 = tpu.memref_squeeze %dma_start3A_1441 : memref<1x1x64x512xf32, #tpu.memory_space<vmem>> -> memref<1x64x512xf32, #tpu.memory_space<vmem>>
    %dma_start3A_1443 = arith.constant 0 : i32
    %dma_start3A_1444 = tpu.memref_slice %arg3[%select_n3A, %multiple_of3A_1435, %dma_start3A_1443] : memref<16x2048x512xf32, #tpu.memory_space<hbm>> -> memref<1x64x512xf32, #tpu.memory_space<hbm>>
    %dma_start3A_1445 = tpu.memref_slice %arg6[%dma_start3A_1437] : memref<2x!tpu.dma_semaphore, #tpu.memory_space<semaphore_mem>> -> memref<1x!tpu.dma_semaphore, #tpu.memory_space<semaphore_mem>>
    %dma_start3A_1446 = tpu.memref_squeeze %dma_start3A_1445 : memref<1x!tpu.dma_semaphore, #tpu.memory_space<semaphore_mem>> -> memref<!tpu.dma_semaphore, #tpu.memory_space<semaphore_mem>>
    %dma_start3A_1447 = arith.constant 0 : i32
    %dma_start3A_1448 = tpu.memref_slice %arg3[%select_n3A, %multiple_of3A_1435, %dma_start3A_1447] : memref<16x2048x512xf32, #tpu.memory_space<hbm>> -> memref<1x64x512xf32, #tpu.memory_space<hbm>>
    %dma_start3A_1449 = arith.constant 0 : i32
    %dma_start3A_1450 = arith.constant 0 : i32
    %dma_start3A_1451 = arith.constant 0 : i32
    %dma_start3A_1452 = tpu.memref_slice %arg4[%dma_start3A_1436, %dma_start3A_1449, %dma_start3A_1450, %dma_start3A_1451] : memref<2x1x64x512xf32, #tpu.memory_space<vmem>> -> memref<1x1x64x512xf32, #tpu.memory_space<vmem>>
    %dma_start3A_1453 = tpu.memref_squeeze %dma_start3A_1452 : memref<1x1x64x512xf32, #tpu.memory_space<vmem>> -> memref<1x64x512xf32, #tpu.memory_space<vmem>>
    tpu.enqueue_dma source(%dma_start3A_1453 : memref<1x64x512xf32, #tpu.memory_space<vmem>>) target(%dma_start3A_1448 : memref<1x64x512xf32, #tpu.memory_space<hbm>>) target_semaphore(%dma_start3A_1446 : memref<!tpu.dma_semaphore, #tpu.memory_space<semaphore_mem>>)
    %mul3A_1454 = arith.constant 1024 : i32
    %mul3A_1455 = arith.muli %select_n3A_30, %mul3A_1454 : i32
    %add3A_1456 = arith.constant 960 : i32
    %add3A_1457 = arith.addi %mul3A_1455, %add3A_1456 : i32
    %multiple_of3A_1458 = tpu.assume_multiple %add3A_1457, 8 : i32
    %dma_wait3A_1459 = arith.constant 1 : i32
    %dma_wait3A_1460 = arith.constant 1 : i32
    %dma_wait3A_1461 = arith.constant 0 : i32
    %dma_wait3A_1462 = arith.constant 0 : i32
    %dma_wait3A_1463 = arith.constant 0 : i32
    %dma_wait3A_1464 = tpu.memref_slice %arg4[%dma_wait3A_1459, %dma_wait3A_1461, %dma_wait3A_1462, %dma_wait3A_1463] : memref<2x1x64x512xf32, #tpu.memory_space<vmem>> -> memref<1x1x64x512xf32, #tpu.memory_space<vmem>>
    %dma_wait3A_1465 = tpu.memref_squeeze %dma_wait3A_1464 : memref<1x1x64x512xf32, #tpu.memory_space<vmem>> -> memref<1x64x512xf32, #tpu.memory_space<vmem>>
    %dma_wait3A_1466 = arith.constant 0 : i32
    %dma_wait3A_1467 = tpu.memref_slice %arg3[%select_n3A, %multiple_of3A_1458, %dma_wait3A_1466] : memref<16x2048x512xf32, #tpu.memory_space<hbm>> -> memref<1x64x512xf32, #tpu.memory_space<hbm>>
    %dma_wait3A_1468 = tpu.memref_slice %arg6[%dma_wait3A_1460] : memref<2x!tpu.dma_semaphore, #tpu.memory_space<semaphore_mem>> -> memref<1x!tpu.dma_semaphore, #tpu.memory_space<semaphore_mem>>
    %dma_wait3A_1469 = tpu.memref_squeeze %dma_wait3A_1468 : memref<1x!tpu.dma_semaphore, #tpu.memory_space<semaphore_mem>> -> memref<!tpu.dma_semaphore, #tpu.memory_space<semaphore_mem>>
    %dma_wait3A_1470 = arith.constant 0 : i32
    %dma_wait3A_1471 = tpu.memref_slice %arg3[%select_n3A, %multiple_of3A_1458, %dma_wait3A_1470] : memref<16x2048x512xf32, #tpu.memory_space<hbm>> -> memref<1x64x512xf32, #tpu.memory_space<hbm>>
    %dma_wait3A_1472 = arith.constant 0 : i32
    %dma_wait3A_1473 = arith.constant 0 : i32
    %dma_wait3A_1474 = arith.constant 0 : i32
    %dma_wait3A_1475 = tpu.memref_slice %arg4[%dma_wait3A_1459, %dma_wait3A_1472, %dma_wait3A_1473, %dma_wait3A_1474] : memref<2x1x64x512xf32, #tpu.memory_space<vmem>> -> memref<1x1x64x512xf32, #tpu.memory_space<vmem>>
    %dma_wait3A_1476 = tpu.memref_squeeze %dma_wait3A_1475 : memref<1x1x64x512xf32, #tpu.memory_space<vmem>> -> memref<1x64x512xf32, #tpu.memory_space<vmem>>
    tpu.wait_dma2 semaphore(%dma_wait3A_1469 : memref<!tpu.dma_semaphore, #tpu.memory_space<semaphore_mem>>) src(%dma_wait3A_1476 : memref<1x64x512xf32, #tpu.memory_space<vmem>>) dst(%dma_wait3A_1471 : memref<1x64x512xf32, #tpu.memory_space<hbm>>)
    return
  }
}

module attributes {stable_mosaic.version = 14 : i64} {
  func.func @_fix_body(%arg0: i32, %arg1: i32, %arg2: memref<16xi32, #tpu.memory_space<smem>>, %arg3: memref<16xi32, #tpu.memory_space<smem>>, %arg4: memref<1x256x512xf32, #tpu.memory_space<vmem>>, %arg5: memref<1x1x512xf32, #tpu.memory_space<vmem>>, %arg6: memref<1x64x512xf32, #tpu.memory_space<vmem>>, %arg7: memref<1x256x512xf32, #tpu.memory_space<vmem>>) attributes {dimension_semantics = [#tpu.dimension_semantics<arbitrary>, #tpu.dimension_semantics<arbitrary>], iteration_bounds = array<i64: 16, 2>, scalar_prefetch = 2 : i64, scratch_operands = 0 : i64, tpu.core_type = #tpu.core_type<tc>, window_params = [{transform_indices = @transform_0, window_bounds = array<i64: 1, 256, 512>}, {transform_indices = @transform_1, window_bounds = array<i64: 1, 1, 512>}, {transform_indices = @transform_2, window_bounds = array<i64: 1, 64, 512>}, {transform_indices = @transform_3, window_bounds = array<i64: 1, 256, 512>}]} {
    %get3A = arith.index_cast %arg0 : i32 to index
    %get3A_0 = memref.load %arg2[%get3A] : memref<16xi32, #tpu.memory_space<smem>>
    %jit3A = arith.constant 256 : i32
    %div3A = arith.divsi %get3A_0, %jit3A : i32
    %sign3A = arith.constant 0 : i32
    %sign3A_1 = arith.cmpi sgt, %get3A_0, %sign3A : i32
    %sign3A_2 = arith.extui %sign3A_1 : i1 to i32
    %sign3A_3 = arith.constant 0 : i32
    %sign3A_4 = arith.cmpi slt, %get3A_0, %sign3A_3 : i32
    %sign3A_5 = arith.extui %sign3A_4 : i1 to i32
    %sign3A_6 = arith.subi %sign3A_2, %sign3A_5 : i32
    %sign3A_7 = arith.constant 0 : i32
    %sign3A_8 = arith.cmpi sgt, %jit3A, %sign3A_7 : i32
    %sign3A_9 = arith.extui %sign3A_8 : i1 to i32
    %sign3A_10 = arith.constant 0 : i32
    %sign3A_11 = arith.cmpi slt, %jit3A, %sign3A_10 : i32
    %sign3A_12 = arith.extui %sign3A_11 : i1 to i32
    %sign3A_13 = arith.subi %sign3A_9, %sign3A_12 : i32
    %ne3A = arith.cmpi ne, %sign3A_6, %sign3A_13 : i32
    %rem3A = arith.remsi %get3A_0, %jit3A : i32
    %ne3A_14 = arith.constant 0 : i32
    %ne3A_15 = arith.cmpi ne, %rem3A, %ne3A_14 : i32
    %and3A = arith.andi %ne3A, %ne3A_15 : i1
    %sub3A = arith.constant 1 : i32
    %sub3A_16 = arith.subi %div3A, %sub3A : i32
    %select_n3A = arith.select %and3A, %sub3A_16, %div3A : i32
    %add3A = arith.addi %select_n3A, %arg1 : i32
    %min3A = arith.constant 7 : i32
    %min3A_17 = arith.minsi %add3A, %min3A : i32
    %get3A_18 = arith.constant 0 : index
    %get3A_19 = arith.constant 0 : index
    %get3A_20 = arith.constant 0 : index
    %get3A_21 = vector.load %arg4[%get3A_18, %get3A_19, %get3A_20] : memref<1x256x512xf32, #tpu.memory_space<vmem>>, vector<1x256x512xf32>
    %get3A_22 = vector.shape_cast %get3A_21 : vector<1x256x512xf32> to vector<256x512xf32>
    %mul3A = arith.constant 256 : i32
    %mul3A_23 = arith.muli %min3A_17, %mul3A : i32
    %sub3A_24 = arith.subi %mul3A_23, %get3A_0 : i32
    %get3A_25 = arith.constant 0 : index
    %get3A_26 = arith.constant 0 : index
    %get3A_27 = arith.constant 0 : index
    %get3A_28 = vector.load %arg5[%get3A_25, %get3A_26, %get3A_27] : memref<1x1x512xf32, #tpu.memory_space<vmem>>, vector<1x1x512xf32>
    %get3A_29 = vector.shape_cast %get3A_28 : vector<1x1x512xf32> to vector<1x512xf32>
    %get3A_30 = arith.constant 0 : index
    %get3A_31 = arith.constant 0 : index
    %get3A_32 = arith.constant 0 : index
    %get3A_33 = vector.load %arg6[%get3A_30, %get3A_31, %get3A_32] : memref<1x64x512xf32, #tpu.memory_space<vmem>>, vector<1x64x512xf32>
    %get3A_34 = vector.shape_cast %get3A_33 : vector<1x64x512xf32> to vector<64x512xf32>
    %concatenate3A = tpu.concatenate %get3A_29, %get3A_34, %get3A_29 in 0 : vector<1x512xf32>, vector<64x512xf32>, vector<1x512xf32> -> vector<66x512xf32>
    %iota3A = tpu.iota {dimensions = array<i32: 0>} : vector<256x66xi32>
    %add3A_35 = vector.broadcast %sub3A_24 : i32 to vector<256x66xi32>
    %add3A_36 = arith.addi %iota3A, %add3A_35 : vector<256x66xi32>
    %iota3A_37 = tpu.iota {dimensions = array<i32: 1>} : vector<256x66xi32>
    %eq3A = arith.cmpi eq, %add3A_36, %iota3A_37 : vector<256x66xi32>
    %convert_element_type3A = arith.extui %eq3A : vector<256x66xi1> to vector<256x66xi32>
    %convert_element_type3A_38 = arith.sitofp %convert_element_type3A : vector<256x66xi32> to vector<256x66xf32>
    %dot_general3A = arith.constant dense<0.000000e+00> : vector<256x512xf32>
    %dot_general3A_39 = tpu.matmul %convert_element_type3A_38, %concatenate3A, %dot_general3A {dimension_numbers = #tpu.dot_dimension_numbers<[1], [0], [0], [1], [0, 0, 1, 1], [], []>, precision = #tpu.contract_precision<fp32>, transpose_lhs_hint = false} : vector<256x66xf32>, vector<66x512xf32>, vector<256x512xf32> -> vector<256x512xf32>
    %iota3A_40 = tpu.iota {dimensions = array<i32: 0>} : vector<256x1xi32>
    %add3A_41 = vector.broadcast %sub3A_24 : i32 to vector<256x1xi32>
    %add3A_42 = arith.addi %add3A_41, %iota3A_40 : vector<256x1xi32>
    %ge3A = arith.constant 0 : i32
    %ge3A_43 = vector.broadcast %ge3A : i32 to vector<256x1xi32>
    %ge3A_44 = arith.cmpi sge, %add3A_42, %ge3A_43 : vector<256x1xi32>
    %lt3A = arith.constant 66 : i32
    %lt3A_45 = vector.broadcast %lt3A : i32 to vector<256x1xi32>
    %lt3A_46 = arith.cmpi slt, %add3A_42, %lt3A_45 : vector<256x1xi32>
    %and3A_47 = arith.andi %ge3A_44, %lt3A_46 : vector<256x1xi1>
    %broadcast_in_dim3A = vector.shape_cast %and3A_47 : vector<256x1xi1> to vector<256x1xi1>
    %broadcast_in_dim3A_48 = vector.broadcast %broadcast_in_dim3A : vector<256x1xi1> to vector<256x512xi1>
    %select_n3A_49 = arith.select %broadcast_in_dim3A_48, %dot_general3A_39, %get3A_22 : vector<256x512xi1>, vector<256x512xf32>
    %swap3A = arith.constant 0 : index
    %swap3A_50 = arith.constant 0 : index
    %swap3A_51 = arith.constant 0 : index
    %swap3A_52 = vector.load %arg7[%swap3A, %swap3A_50, %swap3A_51] : memref<1x256x512xf32, #tpu.memory_space<vmem>>, vector<1x256x512xf32>
    %swap3A_53 = vector.shape_cast %swap3A_52 : vector<1x256x512xf32> to vector<256x512xf32>
    %swap3A_54 = vector.shape_cast %select_n3A_49 : vector<256x512xf32> to vector<1x256x512xf32>
    tpu.vector_store %arg7[%swap3A, %swap3A_50, %swap3A_51], %swap3A_54 {strides = array<i32>} : memref<1x256x512xf32, #tpu.memory_space<vmem>>, vector<1x256x512xf32>,
    return
  }
  func.func @transform_0(%arg0: i32, %arg1: i32, %arg2: memref<16xi32, #tpu.memory_space<smem>>, %arg3: memref<16xi32, #tpu.memory_space<smem>>) -> (i32, i32, i32) {
    %get3A = arith.index_cast %arg0 : i32 to index
    %get3A_0 = memref.load %arg2[%get3A] : memref<16xi32, #tpu.memory_space<smem>>
    %jit3A = arith.constant 256 : i32
    %div3A = arith.divsi %get3A_0, %jit3A : i32
    %sign3A = arith.constant 0 : i32
    %sign3A_1 = arith.cmpi sgt, %get3A_0, %sign3A : i32
    %sign3A_2 = arith.extui %sign3A_1 : i1 to i32
    %sign3A_3 = arith.constant 0 : i32
    %sign3A_4 = arith.cmpi slt, %get3A_0, %sign3A_3 : i32
    %sign3A_5 = arith.extui %sign3A_4 : i1 to i32
    %sign3A_6 = arith.subi %sign3A_2, %sign3A_5 : i32
    %sign3A_7 = arith.constant 0 : i32
    %sign3A_8 = arith.cmpi sgt, %jit3A, %sign3A_7 : i32
    %sign3A_9 = arith.extui %sign3A_8 : i1 to i32
    %sign3A_10 = arith.constant 0 : i32
    %sign3A_11 = arith.cmpi slt, %jit3A, %sign3A_10 : i32
    %sign3A_12 = arith.extui %sign3A_11 : i1 to i32
    %sign3A_13 = arith.subi %sign3A_9, %sign3A_12 : i32
    %ne3A = arith.cmpi ne, %sign3A_6, %sign3A_13 : i32
    %rem3A = arith.remsi %get3A_0, %jit3A : i32
    %ne3A_14 = arith.constant 0 : i32
    %ne3A_15 = arith.cmpi ne, %rem3A, %ne3A_14 : i32
    %and3A = arith.andi %ne3A, %ne3A_15 : i1
    %sub3A = arith.constant 1 : i32
    %sub3A_16 = arith.subi %div3A, %sub3A : i32
    %select_n3A = arith.select %and3A, %sub3A_16, %div3A : i32
    %add3A = arith.addi %select_n3A, %arg1 : i32
    %min3A = arith.constant 7 : i32
    %min3A_17 = arith.minsi %add3A, %min3A : i32
    %c0_i32 = arith.constant 0 : i32
    %c0_i32_18 = arith.constant 0 : i32
    return %arg0, %min3A_17, %c0_i32 : i32, i32, i32
  }
  func.func @transform_1(%arg0: i32, %arg1: i32, %arg2: memref<16xi32, #tpu.memory_space<smem>>, %arg3: memref<16xi32, #tpu.memory_space<smem>>) -> (i32, i32, i32) {
    %c0_i32 = arith.constant 0 : i32
    %c0_i32_0 = arith.constant 0 : i32
    %c0_i32_1 = arith.constant 0 : i32
    return %arg0, %c0_i32, %c0_i32_0 : i32, i32, i32
  }
  func.func @transform_2(%arg0: i32, %arg1: i32, %arg2: memref<16xi32, #tpu.memory_space<smem>>, %arg3: memref<16xi32, #tpu.memory_space<smem>>) -> (i32, i32, i32) {
    %get3A = arith.index_cast %arg0 : i32 to index
    %get3A_0 = memref.load %arg3[%get3A] : memref<16xi32, #tpu.memory_space<smem>>
    %c0_i32 = arith.constant 0 : i32
    %c0_i32_1 = arith.constant 0 : i32
    %c0_i32_2 = arith.constant 0 : i32
    return %get3A_0, %c0_i32, %c0_i32_1 : i32, i32, i32
  }
  func.func @transform_3(%arg0: i32, %arg1: i32, %arg2: memref<16xi32, #tpu.memory_space<smem>>, %arg3: memref<16xi32, #tpu.memory_space<smem>>) -> (i32, i32, i32) {
    %get3A = arith.index_cast %arg0 : i32 to index
    %get3A_0 = memref.load %arg2[%get3A] : memref<16xi32, #tpu.memory_space<smem>>
    %jit3A = arith.constant 256 : i32
    %div3A = arith.divsi %get3A_0, %jit3A : i32
    %sign3A = arith.constant 0 : i32
    %sign3A_1 = arith.cmpi sgt, %get3A_0, %sign3A : i32
    %sign3A_2 = arith.extui %sign3A_1 : i1 to i32
    %sign3A_3 = arith.constant 0 : i32
    %sign3A_4 = arith.cmpi slt, %get3A_0, %sign3A_3 : i32
    %sign3A_5 = arith.extui %sign3A_4 : i1 to i32
    %sign3A_6 = arith.subi %sign3A_2, %sign3A_5 : i32
    %sign3A_7 = arith.constant 0 : i32
    %sign3A_8 = arith.cmpi sgt, %jit3A, %sign3A_7 : i32
    %sign3A_9 = arith.extui %sign3A_8 : i1 to i32
    %sign3A_10 = arith.constant 0 : i32
    %sign3A_11 = arith.cmpi slt, %jit3A, %sign3A_10 : i32
    %sign3A_12 = arith.extui %sign3A_11 : i1 to i32
    %sign3A_13 = arith.subi %sign3A_9, %sign3A_12 : i32
    %ne3A = arith.cmpi ne, %sign3A_6, %sign3A_13 : i32
    %rem3A = arith.remsi %get3A_0, %jit3A : i32
    %ne3A_14 = arith.constant 0 : i32
    %ne3A_15 = arith.cmpi ne, %rem3A, %ne3A_14 : i32
    %and3A = arith.andi %ne3A, %ne3A_15 : i1
    %sub3A = arith.constant 1 : i32
    %sub3A_16 = arith.subi %div3A, %sub3A : i32
    %select_n3A = arith.select %and3A, %sub3A_16, %div3A : i32
    %add3A = arith.addi %select_n3A, %arg1 : i32
    %min3A = arith.constant 7 : i32
    %min3A_17 = arith.minsi %add3A, %min3A : i32
    %c0_i32 = arith.constant 0 : i32
    %c0_i32_18 = arith.constant 0 : i32
    return %arg0, %min3A_17, %c0_i32 : i32, i32, i32
  }
}

module attributes {stable_mosaic.version = 14 : i64} {
  func.func @_x_body(%arg0: i32, %arg1: i32, %arg2: memref<16xi32, #tpu.memory_space<smem>>, %arg3: memref<16xi32, #tpu.memory_space<smem>>, %arg4: memref<1x1024x512xf32, #tpu.memory_space<vmem>>, %arg5: memref<1x1x512xf32, #tpu.memory_space<vmem>>, %arg6: memref<1x64x512xf32, #tpu.memory_space<vmem>>, %arg7: memref<1x1024x512xf32, #tpu.memory_space<vmem>>, %arg8: memref<1x512xf32, #tpu.memory_space<vmem>>) attributes {dimension_semantics = [#tpu.dimension_semantics<arbitrary>, #tpu.dimension_semantics<arbitrary>], iteration_bounds = array<i64: 16, 3>, scalar_prefetch = 2 : i64, scratch_operands = 1 : i64, tpu.core_type = #tpu.core_type<tc>, window_params = [{transform_indices = @transform_0, window_bounds = array<i64: 1, 1024, 512>}, {transform_indices = @transform_1, window_bounds = array<i64: 1, 1, 512>}, {transform_indices = @transform_2, window_bounds = array<i64: 1, 64, 512>}, {transform_indices = @transform_3, window_bounds = array<i64: 1, 1024, 512>}]} {
    %get3A = arith.index_cast %arg0 : i32 to index
    %get3A_0 = memref.load %arg2[%get3A] : memref<16xi32, #tpu.memory_space<smem>>
    %get3A_1 = arith.constant 0 : index
    %get3A_2 = arith.constant 0 : index
    %get3A_3 = arith.constant 0 : index
    %get3A_4 = vector.load %arg4[%get3A_1, %get3A_2, %get3A_3] : memref<1x1024x512xf32, #tpu.memory_space<vmem>>, vector<1x1024x512xf32>
    %get3A_5 = vector.shape_cast %get3A_4 : vector<1x1024x512xf32> to vector<1024x512xf32>
    %eq3A = arith.constant 0 : i32
    %eq3A_6 = arith.cmpi eq, %arg1, %eq3A : i32
    %convert_element_type3A = arith.extui %eq3A_6 : i1 to i32
    %cond3A = arith.constant 0 : i32
    %cond3A_7 = arith.cmpi ne, %convert_element_type3A, %cond3A : i32
    scf.if %cond3A_7 {
      %get3A_41 = arith.constant 0 : index
      %get3A_42 = arith.constant 0 : index
      %get3A_43 = arith.constant 0 : index
      %get3A_44 = vector.load %arg5[%get3A_41, %get3A_42, %get3A_43] : memref<1x1x512xf32, #tpu.memory_space<vmem>>, vector<1x1x512xf32>
      %get3A_45 = vector.shape_cast %get3A_44 : vector<1x1x512xf32> to vector<1x512xf32>
      %swap3A_46 = arith.constant 0 : index
      %swap3A_47 = arith.constant 0 : index
      %swap3A_48 = vector.load %arg8[%swap3A_46, %swap3A_47] : memref<1x512xf32, #tpu.memory_space<vmem>>, vector<1x512xf32>
      tpu.vector_store %arg8[%swap3A_46, %swap3A_47], %get3A_45 {strides = array<i32>} : memref<1x512xf32, #tpu.memory_space<vmem>>, vector<1x512xf32>,
    } else {
    }
    %get3A_8 = arith.constant 0 : index
    %get3A_9 = arith.constant 0 : index
    %get3A_10 = vector.load %arg8[%get3A_8, %get3A_9] : memref<1x512xf32, #tpu.memory_space<vmem>>, vector<1x512xf32>
    %swap3A = arith.constant 0 : index
    %swap3A_11 = arith.constant 0 : index
    %swap3A_12 = arith.constant 0 : index
    %swap3A_13 = vector.load %arg7[%swap3A, %swap3A_11, %swap3A_12] : memref<1x1024x512xf32, #tpu.memory_space<vmem>>, vector<1x1x512xf32>
    %swap3A_14 = vector.shape_cast %swap3A_13 : vector<1x1x512xf32> to vector<1x512xf32>
    %swap3A_15 = vector.shape_cast %get3A_10 : vector<1x512xf32> to vector<1x1x512xf32>
    tpu.vector_store %arg7[%swap3A, %swap3A_11, %swap3A_12], %swap3A_15 {strides = array<i32>} : memref<1x1024x512xf32, #tpu.memory_space<vmem>>, vector<1x1x512xf32>,
    %slice3A = vector.extract_strided_slice %get3A_5 {offsets = [0, 0], sizes = [1023, 512], strides = [1, 1]} : vector<1024x512xf32> to vector<1023x512xf32>
    %swap3A_16 = arith.constant 0 : index
    %swap3A_17 = arith.constant 1 : index
    %swap3A_18 = arith.constant 0 : index
    %swap3A_19 = vector.load %arg7[%swap3A_16, %swap3A_17, %swap3A_18] : memref<1x1024x512xf32, #tpu.memory_space<vmem>>, vector<1x1023x512xf32>
    %swap3A_20 = vector.shape_cast %swap3A_19 : vector<1x1023x512xf32> to vector<1023x512xf32>
    %swap3A_21 = vector.shape_cast %slice3A : vector<1023x512xf32> to vector<1x1023x512xf32>
    tpu.vector_store %arg7[%swap3A_16, %swap3A_17, %swap3A_18], %swap3A_21 {strides = array<i32>} : memref<1x1024x512xf32, #tpu.memory_space<vmem>>, vector<1x1023x512xf32>,
    %add3A = arith.constant 1 : i32
    %add3A_22 = arith.addi %get3A_0, %add3A : i32
    %mul3A = arith.constant 1024 : i32
    %mul3A_23 = arith.muli %arg1, %mul3A : i32
    %sub3A = arith.subi %add3A_22, %mul3A_23 : i32
    %add3A_24 = arith.constant 66 : i32
    %add3A_25 = arith.addi %get3A_0, %add3A_24 : i32
    %mul3A_26 = arith.constant 1024 : i32
    %mul3A_27 = arith.muli %arg1, %mul3A_26 : i32
    %gt3A = arith.cmpi sgt, %add3A_25, %mul3A_27 : i32
    %add3A_28 = arith.constant 1 : i32
    %add3A_29 = arith.addi %get3A_0, %add3A_28 : i32
    %mul3A_30 = arith.constant 1024 : i32
    %mul3A_31 = arith.muli %arg1, %mul3A_30 : i32
    %add3A_32 = arith.constant 1024 : i32
    %add3A_33 = arith.addi %mul3A_31, %add3A_32 : i32
    %lt3A = arith.cmpi slt, %add3A_29, %add3A_33 : i32
    %and3A = arith.andi %gt3A, %lt3A : i1
    %convert_element_type3A_34 = arith.extui %and3A : i1 to i32
    %cond3A_35 = arith.constant 0 : i32
    %cond3A_36 = arith.cmpi ne, %convert_element_type3A_34, %cond3A_35 : i32
    scf.if %cond3A_36 {
      %jit3A = arith.constant 8 : i32
      %div3A = arith.divsi %sub3A, %jit3A : i32
      %sign3A = arith.constant 0 : i32
      %sign3A_41 = arith.cmpi sgt, %sub3A, %sign3A : i32
      %sign3A_42 = arith.extui %sign3A_41 : i1 to i32
      %sign3A_43 = arith.constant 0 : i32
      %sign3A_44 = arith.cmpi slt, %sub3A, %sign3A_43 : i32
      %sign3A_45 = arith.extui %sign3A_44 : i1 to i32
      %sign3A_46 = arith.subi %sign3A_42, %sign3A_45 : i32
      %sign3A_47 = arith.constant 0 : i32
      %sign3A_48 = arith.cmpi sgt, %jit3A, %sign3A_47 : i32
      %sign3A_49 = arith.extui %sign3A_48 : i1 to i32
      %sign3A_50 = arith.constant 0 : i32
      %sign3A_51 = arith.cmpi slt, %jit3A, %sign3A_50 : i32
      %sign3A_52 = arith.extui %sign3A_51 : i1 to i32
      %sign3A_53 = arith.subi %sign3A_49, %sign3A_52 : i32
      %ne3A = arith.cmpi ne, %sign3A_46, %sign3A_53 : i32
      %rem3A = arith.remsi %sub3A, %jit3A : i32
      %ne3A_54 = arith.constant 0 : i32
      %ne3A_55 = arith.cmpi ne, %rem3A, %ne3A_54 : i32
      %and3A_56 = arith.andi %ne3A, %ne3A_55 : i1
      %sub3A_57 = arith.constant 1 : i32
      %sub3A_58 = arith.subi %div3A, %sub3A_57 : i32
      %select_n3A = arith.select %and3A_56, %sub3A_58, %div3A : i32
      %mul3A_59 = arith.constant 8 : i32
      %mul3A_60 = arith.muli %select_n3A, %mul3A_59 : i32
      %jit3A_61 = arith.constant 0 : i32
      %jit3A_62 = arith.constant 936 : i32
      %max3A = arith.maxsi %jit3A_61, %mul3A_60 : i32
      %min3A = arith.minsi %jit3A_62, %max3A : i32
      %multiple_of3A = tpu.assume_multiple %min3A, 8 : i32
      %get3A_63 = arith.constant 0 : index
      %get3A_64 = arith.index_cast %multiple_of3A : i32 to index
      %get3A_65 = arith.constant 0 : index
      %get3A_66 = vector.load %arg7[%get3A_63, %get3A_64, %get3A_65] : memref<1x1024x512xf32, #tpu.memory_space<vmem>>, vector<1x88x512xf32>
      %get3A_67 = vector.shape_cast %get3A_66 : vector<1x88x512xf32> to vector<88x512xf32>
      %sub3A_68 = arith.subi %multiple_of3A, %sub3A : i32
      %get3A_69 = arith.constant 0 : index
      %get3A_70 = arith.constant 0 : index
      %get3A_71 = arith.constant 0 : index
      %get3A_72 = vector.load %arg5[%get3A_69, %get3A_70, %get3A_71] : memref<1x1x512xf32, #tpu.memory_space<vmem>>, vector<1x1x512xf32>
      %get3A_73 = vector.shape_cast %get3A_72 : vector<1x1x512xf32> to vector<1x512xf32>
      %get3A_74 = arith.constant 0 : index
      %get3A_75 = arith.constant 0 : index
      %get3A_76 = arith.constant 0 : index
      %get3A_77 = vector.load %arg6[%get3A_74, %get3A_75, %get3A_76] : memref<1x64x512xf32, #tpu.memory_space<vmem>>, vector<1x64x512xf32>
      %get3A_78 = vector.shape_cast %get3A_77 : vector<1x64x512xf32> to vector<64x512xf32>
      %concatenate3A = tpu.concatenate %get3A_73, %get3A_78 in 0 : vector<1x512xf32>, vector<64x512xf32> -> vector<65x512xf32>
      %iota3A = tpu.iota {dimensions = array<i32: 0>} : vector<88x65xi32>
      %add3A_79 = vector.broadcast %sub3A_68 : i32 to vector<88x65xi32>
      %add3A_80 = arith.addi %iota3A, %add3A_79 : vector<88x65xi32>
      %iota3A_81 = tpu.iota {dimensions = array<i32: 1>} : vector<88x65xi32>
      %eq3A_82 = arith.cmpi eq, %add3A_80, %iota3A_81 : vector<88x65xi32>
      %convert_element_type3A_83 = arith.extui %eq3A_82 : vector<88x65xi1> to vector<88x65xi32>
      %convert_element_type3A_84 = arith.sitofp %convert_element_type3A_83 : vector<88x65xi32> to vector<88x65xf32>
      %dot_general3A = arith.constant dense<0.000000e+00> : vector<88x512xf32>
      %dot_general3A_85 = tpu.matmul %convert_element_type3A_84, %concatenate3A, %dot_general3A {dimension_numbers = #tpu.dot_dimension_numbers<[1], [0], [0], [1], [0, 0, 1, 1], [], []>, precision = #tpu.contract_precision<fp32>, transpose_lhs_hint = false} : vector<88x65xf32>, vector<65x512xf32>, vector<88x512xf32> -> vector<88x512xf32>
      %iota3A_86 = tpu.iota {dimensions = array<i32: 0>} : vector<88x1xi32>
      %add3A_87 = vector.broadcast %sub3A_68 : i32 to vector<88x1xi32>
      %add3A_88 = arith.addi %add3A_87, %iota3A_86 : vector<88x1xi32>
      %ge3A = arith.constant 0 : i32
      %ge3A_89 = vector.broadcast %ge3A : i32 to vector<88x1xi32>
      %ge3A_90 = arith.cmpi sge, %add3A_88, %ge3A_89 : vector<88x1xi32>
      %lt3A_91 = arith.constant 65 : i32
      %lt3A_92 = vector.broadcast %lt3A_91 : i32 to vector<88x1xi32>
      %lt3A_93 = arith.cmpi slt, %add3A_88, %lt3A_92 : vector<88x1xi32>
      %and3A_94 = arith.andi %ge3A_90, %lt3A_93 : vector<88x1xi1>
      %broadcast_in_dim3A = vector.shape_cast %and3A_94 : vector<88x1xi1> to vector<88x1xi1>
      %broadcast_in_dim3A_95 = vector.broadcast %broadcast_in_dim3A : vector<88x1xi1> to vector<88x512xi1>
      %select_n3A_96 = arith.select %broadcast_in_dim3A_95, %dot_general3A_85, %get3A_67 : vector<88x512xi1>, vector<88x512xf32>
      %swap3A_97 = arith.constant 0 : index
      %swap3A_98 = arith.index_cast %multiple_of3A : i32 to index
      %swap3A_99 = arith.constant 0 : index
      %swap3A_100 = vector.load %arg7[%swap3A_97, %swap3A_98, %swap3A_99] : memref<1x1024x512xf32, #tpu.memory_space<vmem>>, vector<1x88x512xf32>
      %swap3A_101 = vector.shape_cast %swap3A_100 : vector<1x88x512xf32> to vector<88x512xf32>
      %swap3A_102 = vector.shape_cast %select_n3A_96 : vector<88x512xf32> to vector<1x88x512xf32>
      tpu.vector_store %arg7[%swap3A_97, %swap3A_98, %swap3A_99], %swap3A_102 {strides = array<i32>} : memref<1x1024x512xf32, #tpu.memory_space<vmem>>, vector<1x88x512xf32>,
    } else {
    }
    %slice3A_37 = vector.extract_strided_slice %get3A_5 {offsets = [1023, 0], sizes = [1, 512], strides = [1, 1]} : vector<1024x512xf32> to vector<1x512xf32>
    %swap3A_38 = arith.constant 0 : index
    %swap3A_39 = arith.constant 0 : index
    %swap3A_40 = vector.load %arg8[%swap3A_38, %swap3A_39] : memref<1x512xf32, #tpu.memory_space<vmem>>, vector<1x512xf32>
    tpu.vector_store %arg8[%swap3A_38, %swap3A_39], %slice3A_37 {strides = array<i32>} : memref<1x512xf32, #tpu.memory_space<vmem>>, vector<1x512xf32>,
    return
  }
  func.func @transform_0(%arg0: i32, %arg1: i32, %arg2: memref<16xi32, #tpu.memory_space<smem>>, %arg3: memref<16xi32, #tpu.memory_space<smem>>) -> (i32, i32, i32) {
    %min3A = arith.constant 1 : i32
    %min3A_0 = arith.minsi %arg1, %min3A : i32
    %c0_i32 = arith.constant 0 : i32
    %c0_i32_1 = arith.constant 0 : i32
    return %arg0, %min3A_0, %c0_i32 : i32, i32, i32
  }
  func.func @transform_1(%arg0: i32, %arg1: i32, %arg2: memref<16xi32, #tpu.memory_space<smem>>, %arg3: memref<16xi32, #tpu.memory_space<smem>>) -> (i32, i32, i32) {
    %c0_i32 = arith.constant 0 : i32
    %c0_i32_0 = arith.constant 0 : i32
    %c0_i32_1 = arith.constant 0 : i32
    return %arg0, %c0_i32, %c0_i32_0 : i32, i32, i32
  }
  func.func @transform_2(%arg0: i32, %arg1: i32, %arg2: memref<16xi32, #tpu.memory_space<smem>>, %arg3: memref<16xi32, #tpu.memory_space<smem>>) -> (i32, i32, i32) {
    %get3A = arith.index_cast %arg0 : i32 to index
    %get3A_0 = memref.load %arg3[%get3A] : memref<16xi32, #tpu.memory_space<smem>>
    %c0_i32 = arith.constant 0 : i32
    %c0_i32_1 = arith.constant 0 : i32
    %c0_i32_2 = arith.constant 0 : i32
    return %get3A_0, %c0_i32, %c0_i32_1 : i32, i32, i32
  }
  func.func @transform_3(%arg0: i32, %arg1: i32, %arg2: memref<16xi32, #tpu.memory_space<smem>>, %arg3: memref<16xi32, #tpu.memory_space<smem>>) -> (i32, i32, i32) {
    %c0_i32 = arith.constant 0 : i32
    %c0_i32_0 = arith.constant 0 : i32
    return %arg0, %arg1, %c0_i32 : i32, i32, i32
  }
}

</mosaic_0001>

<sc_bundles>
// kernel: kernel.5.cloned.1.call-start
scs
__scs_entry_jumppad:
0x0: {  	(pc) =	sbr.rel $0x88, $3  }
0x1: {  	(tag) =	ssettag $0x0;
	lr =	simm.s32 $0x1  }
0x2: {  	[smem:$0x3F9B] =	sst lr;
	_ =	strace $0xD0000000  }
0x3: {  	_ = 	snop  }
0x4: {  	_ = 	snop  }
0x5: {  	_ = 	snop  }
0x6: {  	_ = 	snop  }
0x7: {  	_ = 	snop  }
__scs_overlays_trampoline_lowered:
0x8: {  	[smem:$0x3FAA] =	sst s0  }
0x9: {  	[smem:$0x3FAB] =	sst s1  }
0xa: {  	[smem:$0x3FAC] =	sst s2  }
0xb: {  	[smem:$0x3FAD] =	sst s3  }
0xc: {  	[smem:$0x3FAE] =	sst s4  }
0xd: {  	[smem:$0x3FAF] =	sst s5  }
0xe: {  	[smem:$0x3FB0] =	sst s6  }
0xf: {  	[smem:$0x3FB1] =	sst s7  }
0x10: {  	[smem:$0x3FB2] =	sst s8  }
0x11: {  	[smem:$0x3FB3] =	sst s9;
	s0 =	simm.s32 @!p0 $0x0  }
0x12: {  	s1 =	sld [smem:$0x3F99];
	s0 =	simm.s32 @p0 $0x1  }
0x13: {  	[smem:$0x3FB4] =	sst s0;
	s0 =	simm.s32 @!p1 $0x0  }
0x14: {  	s2 =	sld [smem:$0x3F98];
	s0 =	simm.s32 @p1 $0x1  }
0x15: {  	[smem:$0x3FB5] =	sst s0;
	s0 =	simm.s32 @!p2 $0x0  }
0x16: {  	s3 =	sld [smem:$0x3FDB];
	s0 =	simm.s32 @p2 $0x1  }
0x17: {  	s4 =	simm.s32 $0x1BF5;
	[smem:$0x3FB7] =	sst s0  }
0x18: {  	s0 =	sld [smem:$0x3F9A];
	_ =	swait.ge [sflag:s4], $0x0  }
0x19: {  	s7 =	sld [smem:$0x3F9B]  }
0x1a: {  	s8 =	sadd.s32 $0xFFFFE003, lr  }
0x1b: {  	s9 =	sadd.s32 $0xFFFFFEF7, lr;
	s5 =	simm.s32 $0xFFFFFFFF;
	p2 =	slt.u32 s8, $0xFFFFF086  }
0x1c: {  	p1 =	slt.u32 s9, $0xF7A;
	s5 =	simm.s32 @!p2 $0x0  }
0x1d: {  	s5 =	simm.s32 @p1 $0x1;
	p0 =	seq.s32 s7, s2  }
0x1e: {  	s7 =	smul.u32 @!p0 $0xF7A, s2;
	p2 =	seq.s32 @!p0 s5, $0x0  }
0x1f: {  	s9 =	smul.u32 $0xF7A, s1;
	s8 =	simm.s32 @!p0 $0x1BF5;
	p2 =	por !p2, p0  }
0x20: {  	[sflag:s8] =	ssyncset.s32 @!p0 $0xFFFFF086;
	s6 =	sadd.s32 @!p0 s3, s7;
	s7 =	simm.s32 @!p0 $0x108  }
0x21: {  	s3 =	sadd.s32 s3, s9;
	s6 =	sadd.s32 @!p0 $0x88, s6;
	s7 =	simm.s32 @p2 $0x1082  }
0x22: {  	[simem:s7], [sflag:s8] =	dma.local @!p0 [hbm:s6], $0xF7A  }
0x23: {  	s9 =	sor.u32 $0xD0000000, s2;
	s6 =	simm.s32 $0x108;
	_ =	swait.ge @!p0 [sflag:s8], $0x0  }
0x24: {  	s3 =	sadd.s32 $0x88, s3;
	s6 =	simm.s32 @!p1 $0x1082;
	[sflag:s4] =	ssyncset.s32 $0xFFFFF086  }
0x25: {  	[simem:s6], [sflag:s4] =	dma.local [hbm:s3], $0xF7A  }
0x26: {  	[smem:$0x3F9B] =	sst s1;
	(tag) =	ssettag s2;
	_ =	strace s9  }
0x27: {  	s1 =	sld [smem:$0x3FAB]  }
0x28: {  	s2 =	sld [smem:$0x3FAC]  }
0x29: {  	s4 =	sld [smem:$0x3FAE]  }
0x2a: {  	p0 =	seq.s32 s5, $0x0;
	s5 =	sld [smem:$0x3FAF]  }
0x2b: {  	s6 =	sld [smem:$0x3FB0]  }
0x2c: {  	s7 =	sld [smem:$0x3FB1]  }
0x2d: {  	s3 =	simm.s32 $0x108;
	s8 =	sld [smem:$0x3FB2]  }
0x2e: {  	s3 =	simm.s32 @!p0 $0x1082;
	s9 =	sld [smem:$0x3FB3]  }
0x2f: {  	lr =	sadd.s32 s0, s3;
	s0 =	sld [smem:$0x3FAA]  }
0x30: {  	s3 =	sld [smem:$0x3FAD]  }
0x31: {  	[smem:$0x3FB6] =	sst s10  }
0x32: {  	s10 =	sld [smem:$0x3FB4];
	_ =	sdelay $0x3  }
0x33: {  	p0 =	seq.s32 s10, $0x1;
	s10 =	sld [smem:$0x3FB6];
	_ =	sdelay $0x3  }
0x34: {  	[smem:$0x3FB6] =	sst s10  }
0x35: {  	s10 =	sld [smem:$0x3FB5];
	_ =	sdelay $0x3  }
0x36: {  	p1 =	seq.s32 s10, $0x1;
	s10 =	sld [smem:$0x3FB6];
	_ =	sdelay $0x3  }
0x37: {  	[smem:$0x3FB6] =	sst s10  }
0x38: {  	s10 =	sld [smem:$0x3FB7]  }
0x39: {  	_ = 	snop;
	(pc) =	sbr.ind lr, $3  }
0x3a: {  	_ = 	snop  }
0x3b: {  	_ = 	snop  }
0x3c: {  	p2 =	seq.s32 s10, $0x1;
	s10 =	sld [smem:$0x3FB6]  }
0x3d: {  	_ =	shalt  }
0x3e: {  	_ =	shalt  }
0x3f: {  	_ =	shalt  }
0x40: {  	_ =	shalt  }
0x41: {  	_ =	shalt  }
0x42: {  	_ =	shalt  }
0x43: {  	_ =	shalt  }
0x44: {  	_ =	shalt  }
0x45: {  	_ =	shalt  }
0x46: {  	_ =	shalt  }
0x47: {  	_ =	shalt  }
0x48: {  	_ =	shalt  }
0x49: {  	_ =	shalt  }
0x4a: {  	_ =	shalt  }
0x4b: {  	_ =	shalt  }
0x4c: {  	_ =	shalt  }
0x4d: {  	_ =	shalt  }
0x4e: {  	_ =	shalt  }
0x4f: {  	_ =	shalt  }
0x50: {  	_ =	shalt  }
0x51: {  	_ =	shalt  }
0x52: {  	_ =	shalt  }
0x53: {  	_ =	shalt  }
0x54: {  	_ =	shalt  }
0x55: {  	_ =	shalt  }
0x56: {  	_ =	shalt  }
0x57: {  	_ =	shalt  }
0x58: {  	_ =	shalt  }
0x59: {  	_ =	shalt  }
0x5a: {  	_ =	shalt  }
0x5b: {  	_ =	shalt  }
0x5c: {  	_ =	shalt  }
0x5d: {  	_ =	shalt  }
0x5e: {  	_ =	shalt  }
0x5f: {  	_ =	shalt  }
0x60: {  	_ =	shalt  }
0x61: {  	_ =	shalt  }
0x62: {  	_ =	shalt  }
0x63: {  	_ =	shalt  }
0x64: {  	_ =	shalt  }
0x65: {  	_ =	shalt  }
0x66: {  	_ =	shalt  }
0x67: {  	_ =	shalt  }
0x68: {  	_ =	shalt  }
0x69: {  	_ =	shalt  }
0x6a: {  	_ =	shalt  }
0x6b: {  	_ =	shalt  }
0x6c: {  	_ =	shalt  }
0x6d: {  	_ =	shalt  }
0x6e: {  	_ =	shalt  }
0x6f: {  	_ =	shalt  }
0x70: {  	_ =	shalt  }
0x71: {  	_ =	shalt  }
0x72: {  	_ =	shalt  }
0x73: {  	_ =	shalt  }
0x74: {  	_ =	shalt  }
0x75: {  	_ =	shalt  }
0x76: {  	_ =	shalt  }
0x77: {  	_ =	shalt  }
0x78: {  	_ =	shalt  }
0x79: {  	_ =	shalt  }
0x7a: {  	_ =	shalt  }
0x7b: {  	_ =	shalt  }
0x7c: {  	_ =	shalt  }
0x7d: {  	_ =	shalt  }
0x7e: {  	_ =	shalt  }
0x7f: {  	_ =	shalt  }
0x80: {  	_ =	shalt  }
0x81: {  	_ =	shalt  }
0x82: {  	_ =	shalt  }
0x83: {  	_ =	shalt  }
0x84: {  	_ =	shalt  }
0x85: {  	_ =	shalt  }
0x86: {  	_ =	shalt  }
0x87: {  	_ =	shalt  }
.Lfunc_end0:
.L_simem_size_0:
called_computation_lowered:
.L_overlay_start_0:
0x88: {  	s2 =	sld [smem:$0x3FD9]  }
0x89: {  	s3 =	sld [smem:$0x3FFE];
	_ =	sdelay $0x1  }
0x8a: {  	s1 =	srdreg.scid  }
0x8b: {  	s0 =	sand.u32 $0x1, s1  }
0x8c: {  	s15 =	sshll.u32 s0, $0xA;
	s2 =	sadd.s32 s3, s2  }
0x8d: {  	s2 =	sadd.s32 s2, s15  }
0x8e: {  	[smem:$0x3FC2] =	sst s2  }
0x8f: {  	_ = 	snop  }
0x90: {  	s2 =	sld [smem:$0x3FD0];
	_ =	sdelay $0x2  }
0x91: {  	s4 =	simm.s32 $0xA;
	s5 =	simm.s32 $0x10;
	s16 =	sld [smem:$0x3FC8]  }
0x92: {  	[smem:s5], [sflag:s4] =	dma.local [hbm:s2], $0x1  }
0x93: {  	_ =	swait.eq [sflag:s4], $0x1  }
0x94: {  	[sflag:s4] =	ssyncset.done $0x0  }
0x95: {  	[sflag:s4] =	ssyncadd.s32 $0xFFFFFFFF  }
0x96: {  	s17 =	sld [smem:$0x11];
	(tm) =	ssettm $0x1  }
0x97: {  	s18 =	sld [smem:$0x3FFB];
	_ =	sdelay $0x3  }
0x98: {  	_ =	strace s18  }
0x99: {  	s4 =	sld [smem:$0x3FFC];
	_ =	sdelay $0x3  }
0x9a: {  	_ =	strace s4  }
0x9b: {  	s4 =	sld [smem:$0x3FFD];
	_ =	sdelay $0x3  }
0x9c: {  	_ =	strace s4  }
0x9d: {  	_ =	strace $0x8FFFFFFF  }
0x9e: {  	s19 =	sld [smem:$0x3FDB];
	_ =	sdelay $0x1  }
0x9f: {  	s20 =	simm.s32 $_scs_section_size  }
0xa0: {  	s6 =	simm.s32 $_size__tile_overlayer_lowered;
	s7 =	simm.s32 $_tile_overlayer_lowered  }
0xa1: {  	s23 =	simm.s32 $0x1BFF;
	s22 =	sshll.u32 s7, $0x1;
	s4 =	sadd.s32 s20, s19  }
0xa2: {  	s8 =	simm.s32 $0x0;
	s21 =	sshll.u32 s6, $0x1;
	s6 =	sadd.s32 s22, s4  }
0xa3: {  	[timem:s8], [sflag:s23] =	dma.local [hbm:s6], s21  }
0xa4: {  	_ =	swait.ge [sflag:s23], s21  }
0xa5: {  	s5 =	ssub.s32 $0x0, s21;
	[sflag:s23] =	ssyncset.done $0x0  }
0xa6: {  	[sflag:s23] =	ssyncadd.s32 s5;
	_ =	sdelay $0x1  }
0xa7: {  	s24 =	simm.s32 $0x1B8B  }
0xa8: {  	_ =	swait.ge [sflag:s24], $0x1  }
0xa9: {  	[sflag:s24] =	ssyncset.done $0x0  }
0xaa: {  	s25 =	simm.s32 $0x1B8E;
	[sflag:s24] =	ssyncadd.s32 $0xFFFFFFFF  }
0xab: {  	s26 =	simm.s32 $execute0_lowered;
	[smem:$0x3FD2] =	sst s25  }
0xac: {  	s5 =	sshll.u32 s26, $0x1;
	_ =	strace $0x80000046;
	[dreg:$0x1] =	wrdreg $0xFFFFFFFF  }
0xad: {  	s28 =	simm.s32 $_size_execute0_lowered;
	s4 =	sadd.s32 s4, s5;
	[dreg:$0x0] =	wrdreg $0x0  }
0xae: {  	s5 =	sshll.u32 s28, $0x1;
	[dreg:$0x2] =	wrdreg s4  }
0xaf: {  	[dreg:$0x3] =	wrdreg s5  }
0xb0: {  	[dreg:$0x4] =	wrdreg $0xC0  }
0xb1: {  	_ =	task [dreg:s8], $0x5FFFF  }
0xb2: {  	[dreg:$0x1] =	wrdreg $0xFFFFFFFF  }
0xb3: {  	[dreg:$0x0] =	wrdreg $0x60  }
0xb4: {  	[dreg:$0x2] =	wrdreg s16  }
0xb5: {  	[dreg:$0x3] =	wrdreg s17  }
0xb6: {  	[dreg:$0x4] =	wrdreg $0x9  }
0xb7: {  	_ =	task.clear_ibuf [dreg:s8], $0x5FFFF;
	_ =	strace $0x90000046  }
0xb8: {  	s29 =	simm.s32 $0x9;
	_ =	strace $0x80000048  }
0xb9: {  	_ =	swait.ge [sflag:s29], $0x1  }
0xba: {  	[sflag:s29] =	ssyncadd.s32 $0xFFFFFFFF  }
0xbb: {  	_ =	strace $0x90000048  }
0xbc: {  	_ =	sfence  }
0xbd: {  	s30 =	sld [smem:$0x0];
	_ =	sdelay $0x2  }
0xbe: {  	s31 =	sshll.u32 s1, $0xD;
	s1 =	sshrl.u32 s1, $0x2  }
0xbf: {  	s3 =	sand.u32 $0x4000, s31;
	s1 =	sadd.s32 s1, s30  }
0xc0: {  	s0 =	sor.u32 s3, s0;
	s1 =	sshll.u32 s1, $0x11  }
0xc1: {  	s0 =	sor.u32 s1, s0  }
0xc2: {  	s0 =	sadd.s32 $0x8F2B, s0  }
0xc3: {  	[sflag:s0] =	ssyncadd.remote.s32 $0x1  }
0xc4: {  	_ =	sfence.sel $0xFFFF  }
0xc5: {  	[dreg:$0x0] =	wrdreg $0xFFFFFFFF;
	(pc) =	sbr.abs _section_cstart, $3  }
0xc6: {  	[dreg:$0x1] =	wrdreg $0xFFFFFFFF  }
0xc7: {  	_ =	task.clear_ibuf [dreg:s8], $0x2FFFF;
	_ =	strace $0x9FFFFFFF  }
0xc8: {  	(tm) =	ssettm $0x7FFFFFFF  }
0xc9: {  	_ =	shalt  }
tec
execute0_lowered:
.L_overlay_start_1:
0x0: {  	(tag) =	ssettag $0x1  }
0x1: {  	s0 =	srdreg.scid  }
0x2: {  	s1 =	sand.u32 $0x1, s0  }
0x3: {  	s3 =	stileid.u32;
	s0 =	sshll.u32 s1, $0x4  }
0x4: {  	s2 =	sand.u32 $0x1, s3;
	s0 =	sor.u32 s3, s0  }
0x5: {  	p1 =	seq.s32 s2, $0x1;
	p0 =	seq.s32 s0, $0x0  }
0x6: {  	p0 =	por !p0, !p1  }
0x7: {  	s2 =	simm.s32 $0x1;
	p0 =	por !p0, !p0  }
0x8: {  	s0 =	sshrl.u32 s0, $0x1;
	s2 =	simm.s32 @!p0 $0x0  }
0x9: {  	s9 =	sshll.u32 s3, $0x13;
	s0 =	ssub.s32 s0, s2  }
0xa: {  	s3 =	sand.u32 $0x80000, s9;
	s0 =	sshll.u32 s0, $0x14  }
0xb: {  	s30 =	rddreg [dreg:$0x0];
	s2 =	simm.s32 $0x0;
	s0 =	sor.u32 s3, s0  }
0xc: {  	[smem:$0x7FF] =	sst s2;
	s0 =	sshrl.u32 s0, $0x3  }
0xd: {  	s11 =	rddreg [dreg:$0x1];
	_ =	strace $0x80000047;
	s10 =	sadd.s32 s30, s0  }
0xe: {  	s12 =	sadd.s32 s11, s0;
	s4 =	sor.u32 $0x1000, s0;
	[dreg:$0x3] =	wrdreg s10  }
0xf: {  	[dreg:$0x4] =	wrdreg s12;
	s13 =	sadd.s32 s30, s4  }
0x10: {  	s15 =	sor.u32 $0x2000, s0;
	s14 =	sadd.s32 s11, s4;
	[dreg:$0x5] =	wrdreg s13  }
0x11: {  	s16 =	sadd.s32 s30, s15;
	[dreg:$0x6] =	wrdreg s14  }
0x12: {  	s18 =	sor.u32 $0x3000, s0;
	s17 =	sadd.s32 s11, s15;
	[dreg:$0x7] =	wrdreg s16  }
0x13: {  	s19 =	sadd.s32 s30, s18;
	[dreg:$0x8] =	wrdreg s17  }
0x14: {  	[dreg:$0x9] =	wrdreg s19  }
0x15: {  	s8 =	sor.u32 $0x4000, s0;
	s20 =	sadd.s32 s11, s18;
	s21 =	rddreg [dreg:$0x3]  }
0x16: {  	s5 =	sadd.s32 s30, s8;
	[dreg:$0xa] =	wrdreg s20  }
0x17: {  	s3 =	simm.s32 $0x1;
	[dreg:$0xb] =	wrdreg s5  }
0x18: {  	[tilespmem:s2], [sflag:$0x1] =	stream.linear.gather [hbm4b:s21+s2], $0x8000, $0x38;
	[tilespmem:$0x10000] =	vst v63  }
0x19: {  	_ =	swait.ge [sflag:s3], $0x8000  }
0x1a: {  	[sflag:s3] =	ssyncset.done $0x0  }
0x1b: {  	s22 =	rddreg [dreg:$0x4];
	[sflag:s3] =	ssyncadd.s32 $0xFFFF8000  }
0x1c: {  	[hbm4b:s22+s2] =	stream.linear.scatter [tilespmem:s2], [sflag:$0x3], $0x8000, $0x38;
	[tilespmem:$0x10000] =	vst v63  }
0x1d: {  	s4 =	simm.s32 $0x8000;
	s5 =	simm.s32 $0x2;
	s6 =	rddreg [dreg:$0x5]  }
0x1e: {  	[tilespmem:s4], [sflag:$0x2] =	stream.linear.gather [hbm4b:s6+s2], $0x8000, $0x38;
	[tilespmem:$0x10000] =	vst v63  }
0x1f: {  	_ =	swait.ge [sflag:s5], $0x8000  }
0x20: {  	[sflag:s5] =	ssyncset.done $0x0  }
0x21: {  	s6 =	simm.s32 $0x3;
	s7 =	rddreg [dreg:$0x6];
	[sflag:s5] =	ssyncadd.s32 $0xFFFF8000  }
0x22: {  	[hbm4b:s7+s2] =	stream.linear.scatter [tilespmem:s4], [sflag:$0x4], $0x8000, $0x38;
	[tilespmem:$0x10000] =	vst v63  }
0x23: {  	_ =	swait.ge [sflag:s6], $0x8000  }
0x24: {  	[sflag:s6] =	ssyncset.done $0x0  }
0x25: {  	s23 =	rddreg [dreg:$0x7];
	[sflag:s6] =	ssyncadd.s32 $0xFFFF8000  }
0x26: {  	[tilespmem:s2], [sflag:$0x1] =	stream.linear.gather [hbm4b:s23+s2], $0x8000, $0x38;
	[tilespmem:$0x10000] =	vst v63  }
0x27: {  	_ =	swait.ge [sflag:s3], $0x8000  }
0x28: {  	[sflag:s3] =	ssyncset.done $0x0  }
0x29: {  	s7 =	simm.s32 $0x4;
	s9 =	rddreg [dreg:$0x8];
	[sflag:s3] =	ssyncadd.s32 $0xFFFF8000  }
0x2a: {  	[hbm4b:s9+s2] =	stream.linear.scatter [tilespmem:s2], [sflag:$0x3], $0x8000, $0x38;
	[tilespmem:$0x10000] =	vst v63  }
0x2b: {  	_ =	swait.ge [sflag:s7], $0x8000  }
0x2c: {  	[sflag:s7] =	ssyncset.done $0x0  }
0x2d: {  	s24 =	rddreg [dreg:$0x9];
	[sflag:s7] =	ssyncadd.s32 $0xFFFF8000  }
0x2e: {  	[tilespmem:s4], [sflag:$0x2] =	stream.linear.gather [hbm4b:s24+s2], $0x8000, $0x38;
	[tilespmem:$0x10000] =	vst v63  }
0x2f: {  	_ =	swait.ge [sflag:s5], $0x8000  }
0x30: {  	[sflag:s5] =	ssyncset.done $0x0  }
0x31: {  	s25 =	rddreg [dreg:$0xa];
	[sflag:s5] =	ssyncadd.s32 $0xFFFF8000  }
0x32: {  	[hbm4b:s25+s2] =	stream.linear.scatter [tilespmem:s4], [sflag:$0x4], $0x8000, $0x38;
	[tilespmem:$0x10000] =	vst v63  }
0x33: {  	_ =	swait.ge [sflag:s6], $0x8000  }
0x34: {  	[sflag:s6] =	ssyncset.done $0x0  }
0x35: {  	s26 =	rddreg [dreg:$0xb];
	[sflag:s6] =	ssyncadd.s32 $0xFFFF8000  }
0x36: {  	[tilespmem:s2], [sflag:$0x1] =	stream.linear.gather [hbm4b:s26+s2], $0x8000, $0x38;
	[tilespmem:$0x10000] =	vst v63  }
0x37: {  	_ =	swait.ge [sflag:s3], $0x8000  }
0x38: {  	s8 =	sadd.s32 s11, s8;
	[sflag:s3] =	ssyncset.done $0x0  }
0x39: {  	[dreg:$0xc] =	wrdreg s8;
	[sflag:s3] =	ssyncadd.s32 $0xFFFF8000  }
0x3a: {  	[hbm4b:s8+s2] =	stream.linear.scatter [tilespmem:s2], [sflag:$0x3], $0x8000, $0x38;
	[tilespmem:$0x10000] =	vst v63  }
0x3b: {  	_ =	swait.ge [sflag:s7], $0x8000  }
0x3c: {  	s10 =	sor.u32 $0x5000, s0;
	[sflag:s7] =	ssyncset.done $0x0  }
0x3d: {  	s9 =	sadd.s32 s30, s10;
	[sflag:s7] =	ssyncadd.s32 $0xFFFF8000  }
0x3e: {  	[tilespmem:s4], [sflag:$0x2] =	stream.linear.gather [hbm4b:s9+s2], $0x8000, $0x38;
	[tilespmem:$0x10000] =	vst v63  }
0x3f: {  	_ =	swait.ge [sflag:s5], $0x8000  }
0x40: {  	[sflag:s5] =	ssyncset.done $0x0  }
0x41: {  	s10 =	sadd.s32 s11, s10;
	[sflag:s5] =	ssyncadd.s32 $0xFFFF8000  }
0x42: {  	[hbm4b:s10+s2] =	stream.linear.scatter [tilespmem:s4], [sflag:$0x4], $0x8000, $0x38;
	[tilespmem:$0x10000] =	vst v63  }
0x43: {  	_ =	swait.ge [sflag:s6], $0x8000  }
0x44: {  	s12 =	sor.u32 $0x6000, s0;
	[sflag:s6] =	ssyncset.done $0x0  }
0x45: {  	s8 =	smov.u32 s11;
	s11 =	sadd.s32 s30, s12;
	[sflag:s6] =	ssyncadd.s32 $0xFFFF8000  }
0x46: {  	[tilespmem:s2], [sflag:$0x1] =	stream.linear.gather [hbm4b:s11+s2], $0x8000, $0x38;
	[tilespmem:$0x10000] =	vst v63  }
0x47: {  	_ =	swait.ge [sflag:s3], $0x8000  }
0x48: {  	[sflag:s3] =	ssyncset.done $0x0  }
0x49: {  	s12 =	sadd.s32 s8, s12;
	[sflag:s3] =	ssyncadd.s32 $0xFFFF8000  }
0x4a: {  	[hbm4b:s12+s2] =	stream.linear.scatter [tilespmem:s2], [sflag:$0x3], $0x8000, $0x38;
	[tilespmem:$0x10000] =	vst v63  }
0x4b: {  	_ =	swait.ge [sflag:s7], $0x8000  }
0x4c: {  	s14 =	sor.u32 $0x7000, s0;
	[sflag:s7] =	ssyncset.done $0x0  }
0x4d: {  	s13 =	sadd.s32 s30, s14;
	[sflag:s7] =	ssyncadd.s32 $0xFFFF8000  }
0x4e: {  	[tilespmem:s4], [sflag:$0x2] =	stream.linear.gather [hbm4b:s13+s2], $0x8000, $0x38;
	[tilespmem:$0x10000] =	vst v63  }
0x4f: {  	_ =	swait.ge [sflag:s5], $0x8000  }
0x50: {  	[sflag:s5] =	ssyncset.done $0x0  }
0x51: {  	s14 =	sadd.s32 s8, s14;
	[sflag:s5] =	ssyncadd.s32 $0xFFFF8000  }
0x52: {  	[hbm4b:s14+s2] =	stream.linear.scatter [tilespmem:s4], [sflag:$0x4], $0x8000, $0x38;
	[tilespmem:$0x10000] =	vst v63  }
0x53: {  	_ =	swait.ge [sflag:s6], $0x8000  }
0x54: {  	s16 =	sor.u32 $0x8000, s0;
	[sflag:s6] =	ssyncset.done $0x0  }
0x55: {  	s15 =	sadd.s32 s30, s16;
	[sflag:s6] =	ssyncadd.s32 $0xFFFF8000  }
0x56: {  	[tilespmem:s2], [sflag:$0x1] =	stream.linear.gather [hbm4b:s15+s2], $0x8000, $0x38;
	[tilespmem:$0x10000] =	vst v63  }
0x57: {  	_ =	swait.ge [sflag:s3], $0x8000  }
0x58: {  	[sflag:s3] =	ssyncset.done $0x0  }
0x59: {  	s16 =	sadd.s32 s8, s16;
	[sflag:s3] =	ssyncadd.s32 $0xFFFF8000  }
0x5a: {  	[hbm4b:s16+s2] =	stream.linear.scatter [tilespmem:s2], [sflag:$0x3], $0x8000, $0x38;
	[tilespmem:$0x10000] =	vst v63  }
0x5b: {  	_ =	swait.ge [sflag:s7], $0x8000  }
0x5c: {  	s18 =	sor.u32 $0x9000, s0;
	[sflag:s7] =	ssyncset.done $0x0  }
0x5d: {  	s17 =	sadd.s32 s30, s18;
	[sflag:s7] =	ssyncadd.s32 $0xFFFF8000  }
0x5e: {  	[tilespmem:s4], [sflag:$0x2] =	stream.linear.gather [hbm4b:s17+s2], $0x8000, $0x38;
	[tilespmem:$0x10000] =	vst v63  }
0x5f: {  	_ =	swait.ge [sflag:s5], $0x8000  }
0x60: {  	[sflag:s5] =	ssyncset.done $0x0  }
0x61: {  	s18 =	sadd.s32 s8, s18;
	[sflag:s5] =	ssyncadd.s32 $0xFFFF8000  }
0x62: {  	[hbm4b:s18+s2] =	stream.linear.scatter [tilespmem:s4], [sflag:$0x4], $0x8000, $0x38;
	[tilespmem:$0x10000] =	vst v63  }
0x63: {  	_ =	swait.ge [sflag:s6], $0x8000  }
0x64: {  	s20 =	sor.u32 $0xA000, s0;
	[sflag:s6] =	ssyncset.done $0x0  }
0x65: {  	s19 =	sadd.s32 s30, s20;
	[sflag:s6] =	ssyncadd.s32 $0xFFFF8000  }
0x66: {  	[tilespmem:s2], [sflag:$0x1] =	stream.linear.gather [hbm4b:s19+s2], $0x8000, $0x38;
	[tilespmem:$0x10000] =	vst v63  }
0x67: {  	_ =	swait.ge [sflag:s3], $0x8000  }
0x68: {  	[sflag:s3] =	ssyncset.done $0x0  }
0x69: {  	s20 =	sadd.s32 s8, s20;
	[sflag:s3] =	ssyncadd.s32 $0xFFFF8000  }
0x6a: {  	[hbm4b:s20+s2] =	stream.linear.scatter [tilespmem:s2], [sflag:$0x3], $0x8000, $0x38;
	[tilespmem:$0x10000] =	vst v63  }
0x6b: {  	_ =	swait.ge [sflag:s7], $0x8000  }
0x6c: {  	s22 =	sor.u32 $0xB000, s0;
	[sflag:s7] =	ssyncset.done $0x0  }
0x6d: {  	s21 =	sadd.s32 s30, s22;
	[sflag:s7] =	ssyncadd.s32 $0xFFFF8000  }
0x6e: {  	[tilespmem:s4], [sflag:$0x2] =	stream.linear.gather [hbm4b:s21+s2], $0x8000, $0x38;
	[tilespmem:$0x10000] =	vst v63  }
0x6f: {  	_ =	swait.ge [sflag:s5], $0x8000  }
0x70: {  	[sflag:s5] =	ssyncset.done $0x0  }
0x71: {  	s22 =	sadd.s32 s8, s22;
	[sflag:s5] =	ssyncadd.s32 $0xFFFF8000  }
0x72: {  	[hbm4b:s22+s2] =	stream.linear.scatter [tilespmem:s4], [sflag:$0x4], $0x8000, $0x38;
	[tilespmem:$0x10000] =	vst v63  }
0x73: {  	_ =	swait.ge [sflag:s6], $0x8000  }
0x74: {  	s24 =	sor.u32 $0xC000, s0;
	[sflag:s6] =	ssyncset.done $0x0  }
0x75: {  	s23 =	sadd.s32 s30, s24;
	[sflag:s6] =	ssyncadd.s32 $0xFFFF8000  }
0x76: {  	[tilespmem:s2], [sflag:$0x1] =	stream.linear.gather [hbm4b:s23+s2], $0x8000, $0x38;
	[tilespmem:$0x10000] =	vst v63  }
0x77: {  	_ =	swait.ge [sflag:s3], $0x8000  }
0x78: {  	[sflag:s3] =	ssyncset.done $0x0  }
0x79: {  	s24 =	sadd.s32 s8, s24;
	[sflag:s3] =	ssyncadd.s32 $0xFFFF8000  }
0x7a: {  	[hbm4b:s24+s2] =	stream.linear.scatter [tilespmem:s2], [sflag:$0x3], $0x8000, $0x38;
	[tilespmem:$0x10000] =	vst v63  }
0x7b: {  	_ =	swait.ge [sflag:s7], $0x8000  }
0x7c: {  	s26 =	sor.u32 $0xD000, s0;
	[sflag:s7] =	ssyncset.done $0x0  }
0x7d: {  	s25 =	sadd.s32 s30, s26;
	[sflag:s7] =	ssyncadd.s32 $0xFFFF8000  }
0x7e: {  	[tilespmem:s4], [sflag:$0x2] =	stream.linear.gather [hbm4b:s25+s2], $0x8000, $0x38;
	[tilespmem:$0x10000] =	vst v63  }
0x7f: {  	_ =	swait.ge [sflag:s5], $0x8000  }
0x80: {  	[sflag:s5] =	ssyncset.done $0x0  }
0x81: {  	s26 =	sadd.s32 s8, s26;
	[sflag:s5] =	ssyncadd.s32 $0xFFFF8000  }
0x82: {  	[hbm4b:s26+s2] =	stream.linear.scatter [tilespmem:s4], [sflag:$0x4], $0x8000, $0x38;
	[tilespmem:$0x10000] =	vst v63  }
0x83: {  	_ =	swait.ge [sflag:s6], $0x8000  }
0x84: {  	s29 =	sor.u32 $0xE000, s0;
	[sflag:s6] =	ssyncset.done $0x0  }
0x85: {  	s28 =	sadd.s32 s30, s29;
	[sflag:s6] =	ssyncadd.s32 $0xFFFF8000  }
0x86: {  	[tilespmem:s2], [sflag:$0x1] =	stream.linear.gather [hbm4b:s28+s2], $0x8000, $0x38;
	[tilespmem:$0x10000] =	vst v63  }
0x87: {  	_ =	swait.ge [sflag:s3], $0x8000  }
0x88: {  	s1 =	ssub.s32 $0x2, s1;
	[sflag:s3] =	ssyncset.done $0x0  }
0x89: {  	s31 =	sshrl.u32 s1, $0x1;
	s29 =	sadd.s32 s8, s29;
	[sflag:s3] =	ssyncadd.s32 $0xFFFF8000  }
0x8a: {  	[hbm4b:s29+s2] =	stream.linear.scatter [tilespmem:s2], [sflag:$0x3], $0x8000, $0x38;
	[tilespmem:$0x10000] =	vst v63  }
0x8b: {  	s1 =	ssub.s32 s1, s31;
	s0 =	sor.u32 $0xF000, s0;
	_ =	swait.ge [sflag:s7], $0x8000  }
0x8c: {  	s31 =	sadd.s32 s8, s0;
	s8 =	smax.u32 s1, $0x1;
	[sflag:s7] =	ssyncset.done $0x0  }
0x8d: {  	s30 =	sadd.s32 s30, s0;
	p0 =	sne.s32 s8, $0x1;
	[sflag:s7] =	ssyncadd.s32 $0xFFFF8000  }
0x8e: {  	[tilespmem:s4], [sflag:$0x2] =	stream.linear.gather [hbm4b:s30+s2], $0x8000, $0x38;
	[tilespmem:$0x10000] =	vst v63  }
.Ltmp0:
0x8f: {  	_ =	swait.ge [sflag:s5], $0x8000;
	(pc) =	sbr.rel @!p0 .LBB2_2-.Ltmp0, $4  }
0x90: {  	[sflag:s5] =	ssyncset.done $0x0  }
0x91: {  	[sflag:s5] =	ssyncadd.s32 $0xFFFF8000  }
0x92: {  	[hbm4b:s31+s2] =	stream.linear.scatter [tilespmem:s4], [sflag:$0x4], $0x8000, $0x38;
	[tilespmem:$0x10000] =	vst v63  }
0x93: {  	s1 =	sadd.s32 $0xFFFFFFFF, s8;
	_ =	swait.ge [sflag:s7], $0x8000  }
.LBB2_1:
0x94: {  	[sflag:s7] =	ssyncset.done $0x0  }
0x95: {  	s0 =	rddreg [dreg:$0x3];
	[sflag:s7] =	ssyncadd.s32 $0xFFFF8000  }
0x96: {  	[tilespmem:s2], [sflag:$0x1] =	stream.linear.gather [hbm4b:s0+s2], $0x8000, $0x38;
	[tilespmem:$0x10000] =	vst v63  }
0x97: {  	_ =	swait.ge [sflag:s3], $0x8000  }
0x98: {  	[sflag:s3] =	ssyncset.done $0x0  }
0x99: {  	s0 =	rddreg [dreg:$0x4];
	[sflag:s3] =	ssyncadd.s32 $0xFFFF8000  }
0x9a: {  	[hbm4b:s0+s2] =	stream.linear.scatter [tilespmem:s2], [sflag:$0x3], $0x8000, $0x38;
	[tilespmem:$0x10000] =	vst v63  }
0x9b: {  	s8 =	rddreg [dreg:$0x5]  }
0x9c: {  	[tilespmem:s4], [sflag:$0x2] =	stream.linear.gather [hbm4b:s8+s2], $0x8000, $0x38;
	[tilespmem:$0x10000] =	vst v63  }
0x9d: {  	_ =	swait.ge [sflag:s5], $0x8000  }
0x9e: {  	[sflag:s5] =	ssyncset.done $0x0  }
0x9f: {  	s8 =	rddreg [dreg:$0x6];
	[sflag:s5] =	ssyncadd.s32 $0xFFFF8000  }
0xa0: {  	[hbm4b:s8+s2] =	stream.linear.scatter [tilespmem:s4], [sflag:$0x4], $0x8000, $0x38;
	[tilespmem:$0x10000] =	vst v63  }
0xa1: {  	_ =	swait.ge [sflag:s6], $0x8000  }
0xa2: {  	[sflag:s6] =	ssyncset.done $0x0  }
0xa3: {  	s8 =	rddreg [dreg:$0x7];
	[sflag:s6] =	ssyncadd.s32 $0xFFFF8000  }
0xa4: {  	[tilespmem:s2], [sflag:$0x1] =	stream.linear.gather [hbm4b:s8+s2], $0x8000, $0x38;
	[tilespmem:$0x10000] =	vst v63  }
0xa5: {  	_ =	swait.ge [sflag:s3], $0x8000  }
0xa6: {  	[sflag:s3] =	ssyncset.done $0x0  }
0xa7: {  	s8 =	rddreg [dreg:$0x8];
	[sflag:s3] =	ssyncadd.s32 $0xFFFF8000  }
0xa8: {  	[hbm4b:s8+s2] =	stream.linear.scatter [tilespmem:s2], [sflag:$0x3], $0x8000, $0x38;
	[tilespmem:$0x10000] =	vst v63  }
0xa9: {  	_ =	swait.ge [sflag:s7], $0x8000  }
0xaa: {  	[sflag:s7] =	ssyncset.done $0x0  }
0xab: {  	s8 =	rddreg [dreg:$0x9];
	[sflag:s7] =	ssyncadd.s32 $0xFFFF8000  }
0xac: {  	[tilespmem:s4], [sflag:$0x2] =	stream.linear.gather [hbm4b:s8+s2], $0x8000, $0x38;
	[tilespmem:$0x10000] =	vst v63  }
0xad: {  	_ =	swait.ge [sflag:s5], $0x8000  }
0xae: {  	[sflag:s5] =	ssyncset.done $0x0  }
0xaf: {  	s8 =	rddreg [dreg:$0xa];
	[sflag:s5] =	ssyncadd.s32 $0xFFFF8000  }
0xb0: {  	[hbm4b:s8+s2] =	stream.linear.scatter [tilespmem:s4], [sflag:$0x4], $0x8000, $0x38;
	[tilespmem:$0x10000] =	vst v63  }
0xb1: {  	_ =	swait.ge [sflag:s6], $0x8000  }
0xb2: {  	[sflag:s6] =	ssyncset.done $0x0  }
0xb3: {  	s8 =	rddreg [dreg:$0xb];
	[sflag:s6] =	ssyncadd.s32 $0xFFFF8000  }
0xb4: {  	[tilespmem:s2], [sflag:$0x1] =	stream.linear.gather [hbm4b:s8+s2], $0x8000, $0x38;
	[tilespmem:$0x10000] =	vst v63  }
0xb5: {  	_ =	swait.ge [sflag:s3], $0x8000  }
0xb6: {  	[sflag:s3] =	ssyncset.done $0x0  }
0xb7: {  	s8 =	rddreg [dreg:$0xc];
	[sflag:s3] =	ssyncadd.s32 $0xFFFF8000  }
0xb8: {  	[hbm4b:s8+s2] =	stream.linear.scatter [tilespmem:s2], [sflag:$0x3], $0x8000, $0x38;
	[tilespmem:$0x10000] =	vst v63  }
0xb9: {  	_ =	swait.ge [sflag:s7], $0x8000  }
0xba: {  	[sflag:s7] =	ssyncset.done $0x0  }
0xbb: {  	[sflag:s7] =	ssyncadd.s32 $0xFFFF8000  }
0xbc: {  	[tilespmem:s4], [sflag:$0x2] =	stream.linear.gather [hbm4b:s9+s2], $0x8000, $0x38;
	[tilespmem:$0x10000] =	vst v63  }
0xbd: {  	_ =	swait.ge [sflag:s5], $0x8000  }
0xbe: {  	[sflag:s5] =	ssyncset.done $0x0  }
0xbf: {  	[sflag:s5] =	ssyncadd.s32 $0xFFFF8000  }
0xc0: {  	[hbm4b:s10+s2] =	stream.linear.scatter [tilespmem:s4], [sflag:$0x4], $0x8000, $0x38;
	[tilespmem:$0x10000] =	vst v63  }
0xc1: {  	_ =	swait.ge [sflag:s6], $0x8000  }
0xc2: {  	[sflag:s6] =	ssyncset.done $0x0  }
0xc3: {  	[sflag:s6] =	ssyncadd.s32 $0xFFFF8000  }
0xc4: {  	[tilespmem:s2], [sflag:$0x1] =	stream.linear.gather [hbm4b:s11+s2], $0x8000, $0x38;
	[tilespmem:$0x10000] =	vst v63  }
0xc5: {  	_ =	swait.ge [sflag:s3], $0x8000  }
0xc6: {  	[sflag:s3] =	ssyncset.done $0x0  }
0xc7: {  	[sflag:s3] =	ssyncadd.s32 $0xFFFF8000  }
0xc8: {  	[hbm4b:s12+s2] =	stream.linear.scatter [tilespmem:s2], [sflag:$0x3], $0x8000, $0x38;
	[tilespmem:$0x10000] =	vst v63  }
0xc9: {  	_ =	swait.ge [sflag:s7], $0x8000  }
0xca: {  	[sflag:s7] =	ssyncset.done $0x0  }
0xcb: {  	[sflag:s7] =	ssyncadd.s32 $0xFFFF8000  }
0xcc: {  	[tilespmem:s4], [sflag:$0x2] =	stream.linear.gather [hbm4b:s13+s2], $0x8000, $0x38;
	[tilespmem:$0x10000] =	vst v63  }
0xcd: {  	_ =	swait.ge [sflag:s5], $0x8000  }
0xce: {  	[sflag:s5] =	ssyncset.done $0x0  }
0xcf: {  	[sflag:s5] =	ssyncadd.s32 $0xFFFF8000  }
0xd0: {  	[hbm4b:s14+s2] =	stream.linear.scatter [tilespmem:s4], [sflag:$0x4], $0x8000, $0x38;
	[tilespmem:$0x10000] =	vst v63  }
0xd1: {  	_ =	swait.ge [sflag:s6], $0x8000  }
0xd2: {  	[sflag:s6] =	ssyncset.done $0x0  }
0xd3: {  	[sflag:s6] =	ssyncadd.s32 $0xFFFF8000  }
0xd4: {  	[tilespmem:s2], [sflag:$0x1] =	stream.linear.gather [hbm4b:s15+s2], $0x8000, $0x38;
	[tilespmem:$0x10000] =	vst v63  }
0xd5: {  	_ =	swait.ge [sflag:s3], $0x8000  }
0xd6: {  	[sflag:s3] =	ssyncset.done $0x0  }
0xd7: {  	[sflag:s3] =	ssyncadd.s32 $0xFFFF8000  }
0xd8: {  	[hbm4b:s16+s2] =	stream.linear.scatter [tilespmem:s2], [sflag:$0x3], $0x8000, $0x38;
	[tilespmem:$0x10000] =	vst v63  }
0xd9: {  	_ =	swait.ge [sflag:s7], $0x8000  }
0xda: {  	[sflag:s7] =	ssyncset.done $0x0  }
0xdb: {  	[sflag:s7] =	ssyncadd.s32 $0xFFFF8000  }
0xdc: {  	[tilespmem:s4], [sflag:$0x2] =	stream.linear.gather [hbm4b:s17+s2], $0x8000, $0x38;
	[tilespmem:$0x10000] =	vst v63  }
0xdd: {  	_ =	swait.ge [sflag:s5], $0x8000  }
0xde: {  	[sflag:s5] =	ssyncset.done $0x0  }
0xdf: {  	[sflag:s5] =	ssyncadd.s32 $0xFFFF8000  }
0xe0: {  	[hbm4b:s18+s2] =	stream.linear.scatter [tilespmem:s4], [sflag:$0x4], $0x8000, $0x38;
	[tilespmem:$0x10000] =	vst v63  }
0xe1: {  	_ =	swait.ge [sflag:s6], $0x8000  }
0xe2: {  	[sflag:s6] =	ssyncset.done $0x0  }
0xe3: {  	[sflag:s6] =	ssyncadd.s32 $0xFFFF8000  }
0xe4: {  	[tilespmem:s2], [sflag:$0x1] =	stream.linear.gather [hbm4b:s19+s2], $0x8000, $0x38;
	[tilespmem:$0x10000] =	vst v63  }
0xe5: {  	_ =	swait.ge [sflag:s3], $0x8000  }
0xe6: {  	[sflag:s3] =	ssyncset.done $0x0  }
0xe7: {  	[sflag:s3] =	ssyncadd.s32 $0xFFFF8000  }
0xe8: {  	[hbm4b:s20+s2] =	stream.linear.scatter [tilespmem:s2], [sflag:$0x3], $0x8000, $0x38;
	[tilespmem:$0x10000] =	vst v63  }
0xe9: {  	_ =	swait.ge [sflag:s7], $0x8000  }
0xea: {  	[sflag:s7] =	ssyncset.done $0x0  }
0xeb: {  	[sflag:s7] =	ssyncadd.s32 $0xFFFF8000  }
0xec: {  	[tilespmem:s4], [sflag:$0x2] =	stream.linear.gather [hbm4b:s21+s2], $0x8000, $0x38;
	[tilespmem:$0x10000] =	vst v63  }
0xed: {  	_ =	swait.ge [sflag:s5], $0x8000  }
0xee: {  	[sflag:s5] =	ssyncset.done $0x0  }
0xef: {  	[sflag:s5] =	ssyncadd.s32 $0xFFFF8000  }
0xf0: {  	[hbm4b:s22+s2] =	stream.linear.scatter [tilespmem:s4], [sflag:$0x4], $0x8000, $0x38;
	[tilespmem:$0x10000] =	vst v63  }
0xf1: {  	_ =	swait.ge [sflag:s6], $0x8000  }
0xf2: {  	[sflag:s6] =	ssyncset.done $0x0  }
0xf3: {  	[sflag:s6] =	ssyncadd.s32 $0xFFFF8000  }
0xf4: {  	[tilespmem:s2], [sflag:$0x1] =	stream.linear.gather [hbm4b:s23+s2], $0x8000, $0x38;
	[tilespmem:$0x10000] =	vst v63  }
0xf5: {  	_ =	swait.ge [sflag:s3], $0x8000  }
0xf6: {  	[sflag:s3] =	ssyncset.done $0x0  }
0xf7: {  	[sflag:s3] =	ssyncadd.s32 $0xFFFF8000  }
0xf8: {  	[hbm4b:s24+s2] =	stream.linear.scatter [tilespmem:s2], [sflag:$0x3], $0x8000, $0x38;
	[tilespmem:$0x10000] =	vst v63  }
0xf9: {  	_ =	swait.ge [sflag:s7], $0x8000  }
0xfa: {  	[sflag:s7] =	ssyncset.done $0x0  }
0xfb: {  	[sflag:s7] =	ssyncadd.s32 $0xFFFF8000  }
0xfc: {  	[tilespmem:s4], [sflag:$0x2] =	stream.linear.gather [hbm4b:s25+s2], $0x8000, $0x38;
	[tilespmem:$0x10000] =	vst v63  }
0xfd: {  	_ =	swait.ge [sflag:s5], $0x8000  }
0xfe: {  	[sflag:s5] =	ssyncset.done $0x0  }
0xff: {  	[sflag:s5] =	ssyncadd.s32 $0xFFFF8000  }
0x100: {  	[hbm4b:s26+s2] =	stream.linear.scatter [tilespmem:s4], [sflag:$0x4], $0x8000, $0x38;
	[tilespmem:$0x10000] =	vst v63  }
0x101: {  	_ =	swait.ge [sflag:s6], $0x8000  }
0x102: {  	[sflag:s6] =	ssyncset.done $0x0  }
0x103: {  	[sflag:s6] =	ssyncadd.s32 $0xFFFF8000  }
0x104: {  	[tilespmem:s2], [sflag:$0x1] =	stream.linear.gather [hbm4b:s28+s2], $0x8000, $0x38;
	[tilespmem:$0x10000] =	vst v63  }
0x105: {  	_ =	swait.ge [sflag:s3], $0x8000  }
0x106: {  	[sflag:s3] =	ssyncset.done $0x0  }
0x107: {  	[sflag:s3] =	ssyncadd.s32 $0xFFFF8000  }
0x108: {  	[hbm4b:s29+s2] =	stream.linear.scatter [tilespmem:s2], [sflag:$0x3], $0x8000, $0x38;
	[tilespmem:$0x10000] =	vst v63  }
0x109: {  	_ =	swait.ge [sflag:s7], $0x8000  }
0x10a: {  	[sflag:s7] =	ssyncset.done $0x0  }
0x10b: {  	p0 =	sne.s32 s1, $0x1;
	[sflag:s7] =	ssyncadd.s32 $0xFFFF8000  }
0x10c: {  	[tilespmem:s4], [sflag:$0x2] =	stream.linear.gather [hbm4b:s30+s2], $0x8000, $0x38;
	[tilespmem:$0x10000] =	vst v63  }
.Ltmp1:
0x10d: {  	_ =	swait.ge [sflag:s5], $0x8000;
	(pc) =	sbr.rel @p0 .LBB2_1-.Ltmp1, $4  }
0x10e: {  	[sflag:s5] =	ssyncset.done $0x0  }
0x10f: {  	[sflag:s5] =	ssyncadd.s32 $0xFFFF8000  }
0x110: {  	[hbm4b:s31+s2] =	stream.linear.scatter [tilespmem:s4], [sflag:$0x4], $0x8000, $0x38;
	[tilespmem:$0x10000] =	vst v63  }
0x111: {  	s1 =	sadd.s32 $0xFFFFFFFF, s1;
	_ =	swait.ge [sflag:s7], $0x8000  }
.LBB2_2:
0x112: {  	[sflag:s7] =	ssyncset.done $0x0  }
0x113: {  	[sflag:s7] =	ssyncadd.s32 $0xFFFF8000  }
0x114: {  	_ =	sfence.sel $0x180000  }
0x115: {  	[bflag:$0x0] =	sbarrier.arrive $0xFFFF  }
0x116: {  	_ =	strace $0x90000047  }
0x117: {  	s0 =	stileid.u32;
	[bflag:$0x2] =	sbarrier.arrive $0xFFFF  }
0x118: {  	p0 =	sne.s32 s0, $0x0;
	s0 =	rddreg [dreg:$0x2]  }
0x119: {  	s0 =	sadd.s32 @!p0 $0x100000, s0  }
0x11a: {  	[sflag:s0] =	ssyncadd.tile.s32 @!p0 $0x1;
	_ =	shalt  }
.Lfunc_end2:
_tile_overlayer_lowered:
.L_overlay_start_2:
0x11b: {  	(tag) =	ssettag $0x2  }
0x11c: {  	s0 =	rddreg [dreg:$0x0];
	s2 =	stileid.u32  }
0x11d: {  	s1 =	rddreg [dreg:$0x1];
	p0 =	sne.s32 s2, $0x0  }
0x11e: {  	s3 =	rddreg [dreg:$0x2];
	[bflag:$0x3] =	sbarrier.arrive $0xFFFF;
	s2 =	simm.s32 @!p0 $0x1C05  }
0x11f: {  	[timem:s3], [sflag:s2] =	dma.local @!p0 [hbm:s0], s1  }
0x120: {  	s0 =	simm.s32 @!p0 $0x5  }
0x121: {  	_ =	swait.ge @!p0 [sflag:s0], s1  }
0x122: {  	s1 =	ssub.s32 @!p0 $0x0, s1;
	[sflag:s0] =	ssyncset.done @!p0 $0x0  }
0x123: {  	[sflag:s0] =	ssyncadd.s32 @!p0 s1  }
0x124: {  	[bflag:$0x3] =	sbarrier.arrive $0xFFFF  }
0x125: {  	_ =	shalt  }

</sc_bundles>
